<compile_context>
chip_gen: v7x
topology: tpu7x:2x2x1
jax: 0.10.2.dev20260603
libtpu: 0.0.44.dev20260713+nightly
codegen_flags: <defaults>
</compile_context>

<pallas_src>
import jax
import jax.numpy as jnp
from jax.experimental import pallas as pl
from jax.experimental.pallas import tpu as pltpu
from jax.experimental.pallas import tpu_sc as plsc

_W, _CD, _K, _IN = 512, 512, 1024, 4
_B, _T = 32, 256
_HIGH = jax.lax.Precision.HIGHEST
_HIGHEST = jax.lax.Precision.HIGHEST


def _shift(x, o, t_item):
    if o == 0:
        return x
    t = jax.lax.broadcasted_iota(jnp.int32, x.shape, 1) % t_item
    r = jnp.roll(x, o, axis=1)
    if o > 0:
        return jnp.where(t >= o, r, 0.0)
    return jnp.where(t < t_item + o, r, 0.0)


def _conv3(x, w3, b, d, t_item):
    xb = x.astype(jnp.bfloat16).astype(jnp.float32)
    ci = w3.shape[1] // 3
    taps = (_shift(xb, d, t_item), xb, _shift(xb, -d, t_item))
    w32 = w3[...].astype(jnp.float32) if w3.dtype != jnp.float32 else w3
    acc = jnp.dot(w32[:, 0:ci], taps[0], precision=_HIGHEST)
    acc = acc + jnp.dot(w32[:, ci:2 * ci], taps[1], precision=_HIGHEST)
    acc = acc + jnp.dot(w32[:, 2 * ci:3 * ci], taps[2], precision=_HIGHEST)
    return acc + b


def _conv3f(x, w3, b, d, t_item):
    xs = jnp.concatenate([_shift(x, d, t_item), x, _shift(x, -d, t_item)],
                         axis=0)
    return jnp.dot(w3, xs) + b


def _resblock(x, w1, b1, w2, b2, d, t_item):
    h = jnp.maximum(x, 0.0)
    h = _conv3(h, w1, b1, d, t_item)
    h = jnp.maximum(h, 0.0)
    h = jnp.dot(w2.astype(jnp.float32),
                h.astype(jnp.bfloat16).astype(jnp.float32),
                precision=_HIGHEST) + b2
    return x + h


def _down4(x, w4, b, t_item):
    xb = x.astype(jnp.bfloat16).astype(jnp.float32)
    ci = w4.shape[1] // 4
    taps = (_shift(xb, 1, t_item), xb, _shift(xb, -1, t_item),
            _shift(xb, -2, t_item))
    w42 = w4.astype(jnp.float32)
    z = jnp.dot(w42[:, 0:ci], taps[0], precision=_HIGHEST)
    for k in (1, 2, 3):
        z = z + jnp.dot(w42[:, k * ci:(k + 1) * ci], taps[k],
                        precision=_HIGHEST)
    n = x.shape[1]
    r = jax.lax.broadcasted_iota(jnp.int32, (n, n // 2), 0)
    c = jax.lax.broadcasted_iota(jnp.int32, (n, n // 2), 1)
    sel = (r == 2 * c).astype(jnp.float32)
    return jnp.dot(z, sel, precision=_HIGHEST) + b


def _up2(x):
    n = x.shape[1]
    r = jax.lax.broadcasted_iota(jnp.int32, (n, 2 * n), 0)
    c = jax.lax.broadcasted_iota(jnp.int32, (n, 2 * n), 1)
    sel = (r == c // 2).astype(jnp.float32)
    return jnp.dot(x, sel, precision=_HIGHEST)


def _pre(m):
    r, i, j, k = m[0:1], m[1:2], m[2:3], m[3:4]
    two_s = 2.0 / (r * r + i * i + j * j + k * k)
    r00 = 1.0 - two_s * (j * j + k * k)
    r02 = two_s * (i * k + j * r)
    return jnp.concatenate([m[4:5], m[6:7], r00, r02], axis=0)


def _stage_a(motion_t, wl):
    def body(m_ref, wi, bi, wd, bd, r0w1, r0b1, r0w2, r0b2,
             r1w1, r1b1, r1w2, r1b2, r2w1, r2b1, r2w2, r2b2, o_ref):
        x = jnp.concatenate([_pre(m_ref[0]), _pre(m_ref[1])], axis=1)
        h = jnp.maximum(_conv3f(x, wi[...], bi[...], 1, _T), 0.0)
        h = _down4(h, wd[...], bd[...], _T)
        res = [(r0w1, r0b1, r0w2, r0b2), (r1w1, r1b1, r1w2, r1b2),
               (r2w1, r2b1, r2w2, r2b2)]
        for (w1, b1, w2, b2), d in zip(res, (1, 3, 9)):
            h = _resblock(h, w1[...], b1[...], w2[...], b2[...], d, 128)
        o_ref[...] = h

    wspecs = [pl.BlockSpec(w.shape, lambda i: (0,) * w.ndim) for w in wl]
    return pl.pallas_call(
        body,
        grid=(_B // 2,),
        in_specs=[pl.BlockSpec((2, 7, _T), lambda i: (i, 0, 0))] + wspecs,
        out_specs=pl.BlockSpec((_W, 2 * 128), lambda i: (0, i)),
        out_shape=jax.ShapeDtypeStruct((_W, _B * 128), jnp.float32),
        compiler_params=pltpu.CompilerParams(dimension_semantics=("parallel",)),
    )(motion_t, *wl)


def _stage_b(h, wl):
    def body(h_ref, wd, bd, r0w1, r0b1, r0w2, r0b2, r1w1, r1b1, r1w2, r1b2,
             r2w1, r2b1, r2w2, r2b2, wo, bo, o_ref):
        x = _down4(h_ref[...], wd[...], bd[...], 128)
        res = [(r0w1, r0b1, r0w2, r0b2), (r1w1, r1b1, r1w2, r1b2),
               (r2w1, r2b1, r2w2, r2b2)]
        for (w1, b1, w2, b2), d in zip(res, (1, 3, 9)):
            x = _resblock(x, w1[...], b1[...], w2[...], b2[...], d, 64)
        o_ref[...] = _conv3(x, wo[...], bo[...], 1, 64)

    wspecs = [pl.BlockSpec(w.shape, lambda i: (0,) * w.ndim) for w in wl]
    return pl.pallas_call(
        body,
        grid=(_B // 4,),
        in_specs=[pl.BlockSpec((_W, 4 * 128), lambda i: (0, i))] + wspecs,
        out_specs=pl.BlockSpec((_CD, 4 * 64), lambda i: (0, i)),
        out_shape=jax.ShapeDtypeStruct((_CD, _B * 64), jnp.float32),
        compiler_params=pltpu.CompilerParams(dimension_semantics=("parallel",)),
    )(h, *wl)


def _stage_c(zt, cb):
    nblk = _B // 4
    ntot = _B * 64 * _CD

    def body(z_ref, cb_ref, idx_ref, idx4_ref, com_ref):
        z = z_ref[...]
        c = cb_ref[...]
        csq = jnp.sum(c * c, axis=1, keepdims=True)
        zsq = jnp.sum(z * z, axis=0, keepdims=True)
        d = jnp.dot(c, z)
        m = (zsq - 2.0 * d) + csq
        minv = jnp.min(m, axis=0, keepdims=True)
        rows = jax.lax.broadcasted_iota(jnp.int32, m.shape, 0)
        idx = jnp.min(jnp.where(m == minv, rows, _K), axis=0, keepdims=True)
        idx_ref[0] = idx
        sub = jax.lax.broadcasted_iota(jnp.int32, (4, idx.shape[1]), 0)
        idx4_ref[0] = 4 * idx + sub
        part = jnp.sum(minv).reshape(1, 1)
        j = pl.program_id(0)

        @pl.when(j == 0)
        def _():
            com_ref[...] = part

        @pl.when(j != 0)
        def _():
            com_ref[...] = com_ref[...] + part

        @pl.when(j == nblk - 1)
        def _():
            com_ref[...] = com_ref[...] / float(ntot)

    return pl.pallas_call(
        body,
        grid=(nblk,),
        in_specs=[pl.BlockSpec((_CD, 4 * 64), lambda i: (0, i)),
                  pl.BlockSpec((_K, _CD), lambda i: (0, 0))],
        out_specs=[pl.BlockSpec((1, 1, 4 * 64), lambda i: (i, 0, 0)),
                   pl.BlockSpec((1, 4, 4 * 64), lambda i: (i, 0, 0)),
                   pl.BlockSpec((1, 1), lambda i: (0, 0))],
        out_shape=[jax.ShapeDtypeStruct((nblk, 1, _B * 64 // nblk), jnp.int32),
                   jax.ShapeDtypeStruct((nblk, 4, _B * 64 // nblk), jnp.int32),
                   jax.ShapeDtypeStruct((1, 1), jnp.float32)],
        compiler_params=pltpu.CompilerParams(dimension_semantics=("arbitrary",)),
    )(zt, cb)


def _sc_gather(cb4, idx4):
    n4 = idx4.shape[1]
    gw = 128
    mesh = plsc.VectorSubcoreMesh(core_axis_name="core",
                                  subcore_axis_name="subcore")

    @pl.kernel(out_type=jax.ShapeDtypeStruct((n4, 128), cb4.dtype), mesh=mesh)
    def kern(cb_hbm, i_hbm, o_hbm):
        def gbody(i_vmem, o_vmem):
            pltpu.sync_copy(cb_hbm.at[i_vmem.at[0]], o_vmem)

        pltpu.emit_pipeline(
            gbody,
            grid=(n4 // gw,),
            in_specs=[pl.BlockSpec((1, gw), lambda i: (0, i))],
            out_specs=[pl.BlockSpec((gw, 128), lambda i: (i, 0))],
            core_axis_name=("core", "subcore"),
            dimension_semantics=(pltpu.PARALLEL,),
        )(i_hbm, o_hbm)

    return kern(cb4, idx4)


def _stage_e(qt, wl):
    def body(q_ref, wi, bi, r0w1, r0b1, r0w2, r0b2, r1w1, r1b1, r1w2, r1b2,
             r2w1, r2b1, r2w2, r2b2, wu, bu, o_ref):
        h = jnp.maximum(_conv3(q_ref[...], wi[...], bi[...], 1, 64), 0.0)
        res = [(r0w1, r0b1, r0w2, r0b2), (r1w1, r1b1, r1w2, r1b2),
               (r2w1, r2b1, r2w2, r2b2)]
        for (w1, b1, w2, b2), d in zip(res, (9, 3, 1)):
            h = _resblock(h, w1[...], b1[...], w2[...], b2[...], d, 64)
        h = _up2(h)
        o_ref[...] = _conv3(h, wu[...], bu[...], 1, 128)

    wspecs = [pl.BlockSpec(w.shape, lambda i: (0,) * w.ndim) for w in wl]
    return pl.pallas_call(
        body,
        grid=(_B // 4,),
        in_specs=[pl.BlockSpec((_CD, 4 * 64), lambda i: (0, i))] + wspecs,
        out_specs=pl.BlockSpec((_W, 4 * 128), lambda i: (0, i)),
        out_shape=jax.ShapeDtypeStruct((_W, _B * 128), jnp.float32),
        compiler_params=pltpu.CompilerParams(dimension_semantics=("parallel",)),
    )(qt, *wl)


def _stage_f(h, wl):
    def body(h_ref, r0w1, r0b1, r0w2, r0b2, r1w1, r1b1, r1w2, r1b2,
             r2w1, r2b1, r2w2, r2b2, wu, bu, w1o, b1o, w2o, b2o, o_ref):
        h = h_ref[...]
        res = [(r0w1, r0b1, r0w2, r0b2), (r1w1, r1b1, r1w2, r1b2),
               (r2w1, r2b1, r2w2, r2b2)]
        for (w1, b1, w2, b2), d in zip(res, (9, 3, 1)):
            h = _resblock(h, w1[...], b1[...], w2[...], b2[...], d, 128)
        h = _up2(h)
        h = _conv3(h, wu[...], bu[...], 1, _T)
        h = jnp.maximum(_conv3(h, w1o[...], b1o[...], 1, _T), 0.0)
        o_ref[...] = _conv3(h, w2o[...], b2o[...], 1, _T)

    wspecs = [pl.BlockSpec(w.shape, lambda i: (0,) * w.ndim) for w in wl]
    return pl.pallas_call(
        body,
        grid=(_B // 4,),
        in_specs=[pl.BlockSpec((_W, 4 * 128), lambda i: (0, i))] + wspecs,
        out_specs=pl.BlockSpec((8, 4 * _T), lambda i: (0, i)),
        out_shape=jax.ShapeDtypeStruct((8, _B * _T), jnp.float32),
        compiler_params=pltpu.CompilerParams(dimension_semantics=("parallel",)),
    )(h, *wl)


def _w3(w):
    return jnp.transpose(w, (0, 2, 1)).reshape(w.shape[0], -1)


def _w3b(w):
    return _w3(w).astype(jnp.bfloat16)


def kernel(motion, params):
    p = params
    motion_t = jnp.transpose(motion, (0, 2, 1))
    bf = jnp.bfloat16

    wl_a = [_w3(p['enc_in_w']), p['enc_in_b'][:, None],
            _w3b(p['enc_down0_w']), p['enc_down0_b'][:, None]]
    for j in range(3):
        wl_a += [_w3b(p['enc_res0_%d_w1' % j]), p['enc_res0_%d_b1' % j][:, None],
                 p['enc_res0_%d_w2' % j][:, :, 0].astype(bf),
                 p['enc_res0_%d_b2' % j][:, None]]

    wl_b = [_w3b(p['enc_down1_w']), p['enc_down1_b'][:, None]]
    for j in range(3):
        wl_b += [_w3b(p['enc_res1_%d_w1' % j]), p['enc_res1_%d_b1' % j][:, None],
                 p['enc_res1_%d_w2' % j][:, :, 0].astype(bf),
                 p['enc_res1_%d_b2' % j][:, None]]
    wl_b += [_w3b(p['enc_out_w']), p['enc_out_b'][:, None]]

    wl_e = [_w3b(p['dec_in_w']), p['dec_in_b'][:, None]]
    for j in range(3):
        wl_e += [_w3b(p['dec_res0_%d_w1' % j]), p['dec_res0_%d_b1' % j][:, None],
                 p['dec_res0_%d_w2' % j][:, :, 0].astype(bf),
                 p['dec_res0_%d_b2' % j][:, None]]
    wl_e += [_w3b(p['dec_up0_w']), p['dec_up0_b'][:, None]]

    wl_f = []
    for j in range(3):
        wl_f += [_w3b(p['dec_res1_%d_w1' % j]), p['dec_res1_%d_b1' % j][:, None],
                 p['dec_res1_%d_w2' % j][:, :, 0].astype(bf),
                 p['dec_res1_%d_b2' % j][:, None]]
    wl_f += [_w3b(p['dec_up1_w']), p['dec_up1_b'][:, None],
             _w3b(p['dec_out1_w']), p['dec_out1_b'][:, None],
             jnp.pad(_w3(p['dec_out2_w']), ((0, 4), (0, 0))).astype(bf),
             jnp.pad(p['dec_out2_b'], (0, 4))[:, None]]

    h = _stage_a(motion_t, wl_a)
    zt = _stage_b(h, wl_b)
    idx3, idx4, com = _stage_c(zt, p['codebook'])
    idx_flat = idx3.reshape(-1)
    idx4_flat = jnp.transpose(idx4, (0, 2, 1)).reshape(1, -1)
    q4 = _sc_gather(p['codebook'].reshape(4 * _K, 128), idx4_flat)
    q = q4.reshape(_B * 64, _CD)
    dec = _stage_e(jnp.transpose(q), wl_e)
    out_f = _stage_f(dec, wl_f)

    x_out = jnp.transpose(out_f[0:4].reshape(4, _B, _T), (1, 2, 0))
    idx_out = idx_flat.reshape(_B, 64)
    commit = com.reshape(())
    xq_out = q.reshape(_B, 64, _CD)
    return x_out, idx_out, commit, xq_out

# --- scband reference (transcript-rebuilt; emitter-appended) ---
"""Pipeline reference for scband-translation-vqvae-5652176961861 (READ-ONLY COPY).

The authoritative reference and input builder live on the scoring server;
editing this copy changes nothing except your own understanding.
"""

import jax, jax.numpy as jnp
import numpy as np

W, CD, K, IN_DIM = 512, 512, 1024, 4
DILATIONS = [1, 3, 9]


def conv1d(x, w, b, stride=1, padding=0, dilation=1):
    out = jax.lax.conv_general_dilated(
        x, w, window_strides=(stride,), padding=[(padding, padding)],
        rhs_dilation=(dilation,), dimension_numbers=('NCH', 'OIH', 'NCH'))
    return out + b[None, :, None]


def quaternion_to_matrix(q):
    r, i, j, k = q[..., 0], q[..., 1], q[..., 2], q[..., 3]
    two_s = 2.0 / jnp.sum(q * q, axis=-1)
    o = jnp.stack([
        1 - two_s * (j * j + k * k), two_s * (i * j - k * r), two_s * (i * k + j * r),
        two_s * (i * j + k * r), 1 - two_s * (i * i + k * k), two_s * (j * k - i * r),
        two_s * (i * k - j * r), two_s * (j * k + i * r), 1 - two_s * (i * i + j * j),
    ], axis=-1)
    return o.reshape(q.shape[:-1] + (3, 3))


def resblock(x, w1, b1, w2, b2, dilation):
    h = jax.nn.relu(x)
    h = conv1d(h, w1, b1, padding=dilation, dilation=dilation)
    h = jax.nn.relu(h)
    h = conv1d(h, w2, b2)
    return x + h


def encoder(x, p):
    h = jax.nn.relu(conv1d(x, p['enc_in_w'], p['enc_in_b'], padding=1))
    for l in range(2):
        h = conv1d(h, p['enc_down%d_w' % l], p['enc_down%d_b' % l], stride=2, padding=1)
        for j, dil in enumerate(DILATIONS):
            h = resblock(h, p['enc_res%d_%d_w1' % (l, j)], p['enc_res%d_%d_b1' % (l, j)],
                         p['enc_res%d_%d_w2' % (l, j)], p['enc_res%d_%d_b2' % (l, j)], dil)
    h = conv1d(h, p['enc_out_w'], p['enc_out_b'], padding=1)
    return h


def decoder(x, p):
    h = jax.nn.relu(conv1d(x, p['dec_in_w'], p['dec_in_b'], padding=1))
    for l in range(2):
        for j, dil in enumerate(list(reversed(DILATIONS))):
            h = resblock(h, p['dec_res%d_%d_w1' % (l, j)], p['dec_res%d_%d_b1' % (l, j)],
                         p['dec_res%d_%d_w2' % (l, j)], p['dec_res%d_%d_b2' % (l, j)], dil)
        h = jnp.repeat(h, 2, axis=2)
        h = conv1d(h, p['dec_up%d_w' % l], p['dec_up%d_b' % l], padding=1)
    h = jax.nn.relu(conv1d(h, p['dec_out1_w'], p['dec_out1_b'], padding=1))
    h = conv1d(h, p['dec_out2_w'], p['dec_out2_b'], padding=1)
    return h


def vqvae_forward(motion, p):
    r_rot_q = motion[..., :4]
    rel_pos = motion[..., 4:]
    if rel_pos.shape[-1] == 3:
        rel_pos = rel_pos[..., jnp.array([0, 2])]
    R = quaternion_to_matrix(r_rot_q)
    r_cs = jnp.stack([R[..., 0, 0], R[..., 0, 2]], axis=-1)
    m4 = jnp.concatenate([rel_pos, r_cs], axis=-1)
    x_in = jnp.transpose(m4, (0, 2, 1))
    h = encoder(x_in, p)
    B, Tq = h.shape[0], h.shape[2]
    z = jnp.transpose(h, (0, 2, 1)).reshape(-1, CD)
    cb = p['codebook']
    dist = jnp.sum(z * z, -1, keepdims=True) - 2.0 * (z @ cb.T) + jnp.sum(cb * cb, -1)[None, :]
    idx = jnp.argmin(dist, axis=-1)
    q = jnp.take(cb, idx, axis=0)
    commit = jnp.mean((jax.lax.stop_gradient(q) - z) ** 2)
    q_st = z + jax.lax.stop_gradient(q - z)
    xq = jnp.transpose(q_st.reshape(B, Tq, CD), (0, 2, 1))
    dec = decoder(xq, p)
    x_out = jnp.transpose(dec, (0, 2, 1))
    return x_out, idx.reshape(B, Tq), commit, jnp.transpose(xq, (0, 2, 1))


def setup_inputs(seed: int = 0):
    key = jax.random.key(seed)
    B, T, D = 32, 256, 7
    motion = jax.random.normal(jax.random.fold_in(key, 0), (B, T, D), dtype=jnp.float32)
    cnt = [0]
    def nxt():
        cnt[0] += 1
        return jax.random.fold_in(key, cnt[0])
    def init(shape, scale=0.02):
        return jax.random.normal(nxt(), shape, dtype=jnp.float32) * scale
    p = {}
    p['enc_in_w'] = init((W, IN_DIM, 3)); p['enc_in_b'] = jnp.zeros((W,), jnp.float32)
    for l in range(2):
        p['enc_down%d_w' % l] = init((W, W, 4)); p['enc_down%d_b' % l] = jnp.zeros((W,), jnp.float32)
        for j in range(3):
            p['enc_res%d_%d_w1' % (l, j)] = init((W, W, 3)); p['enc_res%d_%d_b1' % (l, j)] = jnp.zeros((W,), jnp.float32)
            p['enc_res%d_%d_w2' % (l, j)] = init((W, W, 1)); p['enc_res%d_%d_b2' % (l, j)] = jnp.zeros((W,), jnp.float32)
    p['enc_out_w'] = init((CD, W, 3)); p['enc_out_b'] = jnp.zeros((CD,), jnp.float32)
    p['dec_in_w'] = init((W, CD, 3)); p['dec_in_b'] = jnp.zeros((W,), jnp.float32)
    for l in range(2):
        for j in range(3):
            p['dec_res%d_%d_w1' % (l, j)] = init((W, W, 3)); p['dec_res%d_%d_b1' % (l, j)] = jnp.zeros((W,), jnp.float32)
            p['dec_res%d_%d_w2' % (l, j)] = init((W, W, 1)); p['dec_res%d_%d_b2' % (l, j)] = jnp.zeros((W,), jnp.float32)
        p['dec_up%d_w' % l] = init((W, W, 3)); p['dec_up%d_b' % l] = jnp.zeros((W,), jnp.float32)
    p['dec_out1_w'] = init((W, W, 3)); p['dec_out1_b'] = jnp.zeros((W,), jnp.float32)
    p['dec_out2_w'] = init((IN_DIM, W, 3)); p['dec_out2_b'] = jnp.zeros((IN_DIM,), jnp.float32)
    p['codebook'] = init((K, CD), 1.0)
    return {'motion': motion, 'params': p}


def reference(motion, params):
    return vqvae_forward(motion, params)

if __name__ == "__main__":
    import jax
    _d = setup_inputs()
    print(jax.jit(kernel)(*tuple(_d.values())))

</pallas_src>

<mosaic_0001>
#map = affine_map<(d0, d1) -> (0, 0)>
module attributes {stable_mosaic.version = 14 : i64} {
  func.func @kern(%arg0: i32, %arg1: i32, %arg2: memref<4096x128xf32, #tpu.memory_space<hbm>>, %arg3: memref<1x8192xi32, #tpu.memory_space<hbm>>, %arg4: memref<8192x128xf32, #tpu.memory_space<hbm>>) attributes {dimension_semantics = [#tpu.dimension_semantics<core_parallel>, #tpu.dimension_semantics<subcore_parallel>], iteration_bounds = array<i64: 2, 16>, scalar_prefetch = 0 : i64, scratch_operands = 0 : i64, tpu.core_type = #tpu.core_type<sc_vector_subcore>, window_params = [{transform_indices = #map}, {transform_indices = #map}, {transform_indices = #map}]} {
    %mul3A = arith.constant 1 : i32
    %mul3A_0 = arith.muli %arg1, %mul3A : i32
    %add3A = arith.constant 0 : i32
    %add3A_1 = arith.addi %add3A, %mul3A_0 : i32
    %mul3A_2 = arith.constant 16 : i32
    %mul3A_3 = arith.muli %arg0, %mul3A_2 : i32
    %add3A_4 = arith.addi %add3A_1, %mul3A_3 : i32
    %mul3A_5 = arith.constant 2 : i32
    %mul3A_6 = arith.muli %add3A_4, %mul3A_5 : i32
    "tpu.region"() ({
      %run_scoped3A = memref.alloca() : memref<2x1x128xi32, #tpu.memory_space<vmem>>
      %run_scoped3A_7 = tpu.sem_alloc : memref<2x!tpu.dma_semaphore, #tpu.memory_space<semaphore_mem>>
      %run_scoped3A_8 = memref.alloca() : memref<2x128x128xf32, #tpu.memory_space<vmem>>
      %run_scoped3A_9 = tpu.sem_alloc : memref<2x!tpu.dma_semaphore, #tpu.memory_space<semaphore_mem>>
      %add3A_10 = arith.constant 0 : i32
      %add3A_11 = arith.addi %add3A_10, %mul3A_6 : i32
      %select_n3A = arith.constant true
      %select_n3A_12 = arith.constant 0 : i32
      %select_n3A_13 = arith.constant -1 : i32
      %select_n3A_14 = arith.select %select_n3A, %select_n3A_13, %select_n3A_12 : i32
      %eq3A = arith.constant -1 : i32
      %eq3A_15 = arith.cmpi eq, %select_n3A_14, %eq3A : i32
      %select_n3A_16 = arith.constant 1 : i32
      %select_n3A_17 = arith.select %eq3A_15, %select_n3A_16, %select_n3A_14 : i32
      %add3A_18 = arith.addi %select_n3A_17, %mul3A_6 : i32
      %select_n3A_19 = arith.constant true
      %select_n3A_20 = arith.constant 0 : i32
      %select_n3A_21 = arith.constant 1 : i32
      %select_n3A_22 = arith.select %select_n3A_19, %select_n3A_21, %select_n3A_20 : i32
      %eq3A_23 = arith.constant 2 : i32
      %eq3A_24 = arith.cmpi eq, %select_n3A_22, %eq3A_23 : i32
      %select_n3A_25 = arith.constant 0 : i32
      %select_n3A_26 = arith.select %eq3A_24, %select_n3A_25, %select_n3A_22 : i32
      %add3A_27 = arith.addi %select_n3A_26, %mul3A_6 : i32
      %add3A_28 = arith.constant 1 : i32
      %add3A_29 = arith.addi %select_n3A_26, %add3A_28 : i32
      %select_n3A_30 = arith.constant true
      %select_n3A_31 = arith.select %select_n3A_30, %add3A_29, %select_n3A_26 : i32
      %eq3A_32 = arith.constant 2 : i32
      %eq3A_33 = arith.cmpi eq, %select_n3A_31, %eq3A_32 : i32
      %select_n3A_34 = arith.constant 0 : i32
      %select_n3A_35 = arith.select %eq3A_33, %select_n3A_34, %select_n3A_31 : i32
      %add3A_36 = arith.addi %select_n3A_35, %mul3A_6 : i32
      "tpu.trace_start"() <{level = 10 : i32, message = "ep_initialize_0"}> : () -> ()
      %rem3A = arith.constant 0 : i32
      %rem3A_37 = arith.constant 2 : i32
      %rem3A_38 = arith.remui %rem3A, %rem3A_37 : i32
      %mul3A_39 = arith.constant 128 : i32
      %mul3A_40 = arith.muli %mul3A_39, %add3A_11 : i32
      %dma_start3A = arith.constant 0 : i32
      %dma_start3A_41 = arith.constant 0 : i32
      %dma_start3A_42 = tpu.memref_slice %run_scoped3A[%rem3A_38, %dma_start3A, %dma_start3A_41] : memref<2x1x128xi32, #tpu.memory_space<vmem>> -> memref<1x1x128xi32, #tpu.memory_space<vmem>>
      %dma_start3A_43 = tpu.memref_squeeze %dma_start3A_42 : memref<1x1x128xi32, #tpu.memory_space<vmem>> -> memref<1x128xi32, #tpu.memory_space<vmem>>
      %dma_start3A_44 = arith.constant 0 : i32
      %dma_start3A_45 = tpu.memref_slice %arg3[%dma_start3A_44, %mul3A_40] : memref<1x8192xi32, #tpu.memory_space<hbm>> -> memref<1x128xi32, #tpu.memory_space<hbm>>
      %dma_start3A_46 = tpu.memref_slice %run_scoped3A_7[%rem3A_38] : memref<2x!tpu.dma_semaphore, #tpu.memory_space<semaphore_mem>> -> memref<1x!tpu.dma_semaphore, #tpu.memory_space<semaphore_mem>>
      %dma_start3A_47 = tpu.memref_squeeze %dma_start3A_46 : memref<1x!tpu.dma_semaphore, #tpu.memory_space<semaphore_mem>> -> memref<!tpu.dma_semaphore, #tpu.memory_space<semaphore_mem>>
      %dma_start3A_48 = arith.constant 0 : i32
      %dma_start3A_49 = arith.constant 0 : i32
      %dma_start3A_50 = tpu.memref_slice %run_scoped3A[%rem3A_38, %dma_start3A_48, %dma_start3A_49] : memref<2x1x128xi32, #tpu.memory_space<vmem>> -> memref<1x1x128xi32, #tpu.memory_space<vmem>>
      %dma_start3A_51 = tpu.memref_squeeze %dma_start3A_50 : memref<1x1x128xi32, #tpu.memory_space<vmem>> -> memref<1x128xi32, #tpu.memory_space<vmem>>
      %dma_start3A_52 = arith.constant 0 : i32
      %dma_start3A_53 = tpu.memref_slice %arg3[%dma_start3A_52, %mul3A_40] : memref<1x8192xi32, #tpu.memory_space<hbm>> -> memref<1x128xi32, #tpu.memory_space<hbm>>
      tpu.enqueue_dma source(%dma_start3A_53 : memref<1x128xi32, #tpu.memory_space<hbm>>) target(%dma_start3A_51 : memref<1x128xi32, #tpu.memory_space<vmem>>) target_semaphore(%dma_start3A_47 : memref<!tpu.dma_semaphore, #tpu.memory_space<semaphore_mem>>)
      %add3A_54 = arith.constant 0 : i32
      %add3A_55 = arith.constant 1 : i32
      %add3A_56 = arith.addi %add3A_54, %add3A_55 : i32
      %select_n3A_57 = arith.constant true
      %select_n3A_58 = arith.constant 0 : i32
      %select_n3A_59 = arith.select %select_n3A_57, %add3A_56, %select_n3A_58 : i32
      "tpu.trace_stop"() : () -> ()
      %scan3A = arith.constant 0 : i32
      %scan3A_60 = arith.constant 0 : i32
      %scan3A_61 = arith.constant 0 : i32
      %scan3A_62 = arith.constant 0 : i32
      %scan3A_63 = arith.constant 0 : i32
      %scan3A_64 = arith.constant 2 : i32
      %scan3A_65 = arith.addi %scan3A_63, %scan3A_64 : i32
      %scan3A_66 = arith.constant 1 : i32
      %scan3A_67:5 = scf.for %scan3A_121 = %scan3A_63 to %scan3A_65 step %scan3A_66 iter_args(%scan3A_122 = %select_n3A_59, %scan3A_123 = %scan3A, %scan3A_124 = %scan3A_60, %scan3A_125 = %scan3A_61, %scan3A_126 = %scan3A_62) -> (i32, i32, i32, i32, i32)  : i32 {
        %eq3A_127 = arith.constant 0 : i32
        %eq3A_128 = arith.cmpi eq, %scan3A_121, %eq3A_127 : i32
        %eq3A_129 = arith.constant 1 : i32
        %eq3A_130 = arith.cmpi eq, %scan3A_121, %eq3A_129 : i32
        %add3A_131 = arith.addi %scan3A_126, %mul3A_6 : i32
        %sub3A_132 = arith.constant 1 : i32
        %sub3A_133 = arith.subi %scan3A_126, %sub3A_132 : i32
        %select_n3A_134 = arith.constant true
        %select_n3A_135 = arith.select %select_n3A_134, %sub3A_133, %scan3A_126 : i32
        %eq3A_136 = arith.constant -1 : i32
        %eq3A_137 = arith.cmpi eq, %select_n3A_135, %eq3A_136 : i32
        %select_n3A_138 = arith.constant 1 : i32
        %select_n3A_139 = arith.select %eq3A_137, %select_n3A_138, %select_n3A_135 : i32
        %add3A_140 = arith.addi %select_n3A_139, %mul3A_6 : i32
        %add3A_141 = arith.constant 1 : i32
        %add3A_142 = arith.addi %scan3A_126, %add3A_141 : i32
        %select_n3A_143 = arith.constant true
        %select_n3A_144 = arith.select %select_n3A_143, %add3A_142, %scan3A_126 : i32
        %eq3A_145 = arith.constant 2 : i32
        %eq3A_146 = arith.cmpi eq, %select_n3A_144, %eq3A_145 : i32
        %select_n3A_147 = arith.constant 0 : i32
        %select_n3A_148 = arith.select %eq3A_146, %select_n3A_147, %select_n3A_144 : i32
        %add3A_149 = arith.addi %select_n3A_148, %mul3A_6 : i32
        %add3A_150 = arith.constant 1 : i32
        %add3A_151 = arith.addi %select_n3A_148, %add3A_150 : i32
        %select_n3A_152 = arith.constant true
        %select_n3A_153 = arith.select %select_n3A_152, %add3A_151, %select_n3A_148 : i32
        %eq3A_154 = arith.constant 2 : i32
        %eq3A_155 = arith.cmpi eq, %select_n3A_153, %eq3A_154 : i32
        %select_n3A_156 = arith.constant 0 : i32
        %select_n3A_157 = arith.select %eq3A_155, %select_n3A_156, %select_n3A_153 : i32
        %add3A_158 = arith.addi %select_n3A_157, %mul3A_6 : i32
        %ne3A = arith.cmpi ne, %add3A_131, %add3A_149 : i32
        %or3A = arith.constant false
        %or3A_159 = arith.ori %or3A, %ne3A : i1
        %ge3A = arith.constant 1 : i32
        %ge3A_160 = arith.cmpi sge, %scan3A_121, %ge3A : i32
        %not3A = arith.constant true
        %not3A_161 = arith.xori %ge3A_160, %not3A : i1
        %and3A = arith.andi %or3A_159, %not3A_161 : i1
        %convert_element_type3A = arith.extui %and3A : i1 to i32
        %cond3A = arith.constant 0 : i32
        %cond3A_162 = arith.cmpi ne, %convert_element_type3A, %cond3A : i32
        scf.if %cond3A_162 {
          "tpu.trace_start"() <{level = 10 : i32, message = "ep_copy_in"}> : () -> ()
          %rem3A_264 = arith.constant 2 : i32
          %rem3A_265 = arith.remui %scan3A_122, %rem3A_264 : i32
          %mul3A_266 = arith.constant 128 : i32
          %mul3A_267 = arith.muli %mul3A_266, %add3A_149 : i32
          %dma_start3A_268 = arith.constant 0 : i32
          %dma_start3A_269 = arith.constant 0 : i32
          %dma_start3A_270 = tpu.memref_slice %run_scoped3A[%rem3A_265, %dma_start3A_268, %dma_start3A_269] : memref<2x1x128xi32, #tpu.memory_space<vmem>> -> memref<1x1x128xi32, #tpu.memory_space<vmem>>
          %dma_start3A_271 = tpu.memref_squeeze %dma_start3A_270 : memref<1x1x128xi32, #tpu.memory_space<vmem>> -> memref<1x128xi32, #tpu.memory_space<vmem>>
          %dma_start3A_272 = arith.constant 0 : i32
          %dma_start3A_273 = tpu.memref_slice %arg3[%dma_start3A_272, %mul3A_267] : memref<1x8192xi32, #tpu.memory_space<hbm>> -> memref<1x128xi32, #tpu.memory_space<hbm>>
          %dma_start3A_274 = tpu.memref_slice %run_scoped3A_7[%rem3A_265] : memref<2x!tpu.dma_semaphore, #tpu.memory_space<semaphore_mem>> -> memref<1x!tpu.dma_semaphore, #tpu.memory_space<semaphore_mem>>
          %dma_start3A_275 = tpu.memref_squeeze %dma_start3A_274 : memref<1x!tpu.dma_semaphore, #tpu.memory_space<semaphore_mem>> -> memref<!tpu.dma_semaphore, #tpu.memory_space<semaphore_mem>>
          %dma_start3A_276 = arith.constant 0 : i32
          %dma_start3A_277 = arith.constant 0 : i32
          %dma_start3A_278 = tpu.memref_slice %run_scoped3A[%rem3A_265, %dma_start3A_276, %dma_start3A_277] : memref<2x1x128xi32, #tpu.memory_space<vmem>> -> memref<1x1x128xi32, #tpu.memory_space<vmem>>
          %dma_start3A_279 = tpu.memref_squeeze %dma_start3A_278 : memref<1x1x128xi32, #tpu.memory_space<vmem>> -> memref<1x128xi32, #tpu.memory_space<vmem>>
          %dma_start3A_280 = arith.constant 0 : i32
          %dma_start3A_281 = tpu.memref_slice %arg3[%dma_start3A_280, %mul3A_267] : memref<1x8192xi32, #tpu.memory_space<hbm>> -> memref<1x128xi32, #tpu.memory_space<hbm>>
          tpu.enqueue_dma source(%dma_start3A_281 : memref<1x128xi32, #tpu.memory_space<hbm>>) target(%dma_start3A_279 : memref<1x128xi32, #tpu.memory_space<vmem>>) target_semaphore(%dma_start3A_275 : memref<!tpu.dma_semaphore, #tpu.memory_space<semaphore_mem>>)
          "tpu.trace_stop"() : () -> ()
        } else {
        }
        %and3A_163 = arith.constant true
        %and3A_164 = arith.andi %and3A, %and3A_163 : i1
        %add3A_165 = arith.constant 1 : i32
        %add3A_166 = arith.addi %scan3A_122, %add3A_165 : i32
        %select_n3A_167 = arith.select %and3A_164, %add3A_166, %scan3A_122 : i32
        %ne3A_168 = arith.cmpi ne, %add3A_131, %add3A_149 : i32
        %or3A_169 = arith.constant false
        %or3A_170 = arith.ori %or3A_169, %ne3A_168 : i1
        %or3A_171 = arith.constant false
        %or3A_172 = arith.ori %or3A_170, %or3A_171 : i1
        %ge3A_173 = arith.constant 1 : i32
        %ge3A_174 = arith.cmpi sge, %scan3A_121, %ge3A_173 : i32
        %not3A_175 = arith.constant true
        %not3A_176 = arith.xori %ge3A_174, %not3A_175 : i1
        %and3A_177 = arith.andi %or3A_172, %not3A_176 : i1
        %ne3A_178 = arith.cmpi ne, %add3A_131, %add3A_140 : i32
        %or3A_179 = arith.constant false
        %or3A_180 = arith.ori %or3A_179, %ne3A_178 : i1
        %or3A_181 = arith.ori %or3A_180, %eq3A_128 : i1
        %convert_element_type3A_182 = arith.extui %or3A_181 : i1 to i32
        %cond3A_183 = arith.constant 0 : i32
        %cond3A_184 = arith.cmpi ne, %convert_element_type3A_182, %cond3A_183 : i32
        scf.if %cond3A_184 {
          "tpu.trace_start"() <{level = 10 : i32, message = "ep_wait_in"}> : () -> ()
          %mul3A_264 = arith.constant 128 : i32
          %mul3A_265 = arith.muli %mul3A_264, %add3A_131 : i32
          %rem3A_266 = arith.constant 2 : i32
          %rem3A_267 = arith.remui %scan3A_123, %rem3A_266 : i32
          %dma_wait3A_268 = arith.constant 0 : i32
          %dma_wait3A_269 = arith.constant 0 : i32
          %dma_wait3A_270 = tpu.memref_slice %run_scoped3A[%rem3A_267, %dma_wait3A_268, %dma_wait3A_269] : memref<2x1x128xi32, #tpu.memory_space<vmem>> -> memref<1x1x128xi32, #tpu.memory_space<vmem>>
          %dma_wait3A_271 = tpu.memref_squeeze %dma_wait3A_270 : memref<1x1x128xi32, #tpu.memory_space<vmem>> -> memref<1x128xi32, #tpu.memory_space<vmem>>
          %dma_wait3A_272 = arith.constant 0 : i32
          %dma_wait3A_273 = tpu.memref_slice %arg3[%dma_wait3A_272, %mul3A_265] : memref<1x8192xi32, #tpu.memory_space<hbm>> -> memref<1x128xi32, #tpu.memory_space<hbm>>
          %dma_wait3A_274 = tpu.memref_slice %run_scoped3A_7[%rem3A_267] : memref<2x!tpu.dma_semaphore, #tpu.memory_space<semaphore_mem>> -> memref<1x!tpu.dma_semaphore, #tpu.memory_space<semaphore_mem>>
          %dma_wait3A_275 = tpu.memref_squeeze %dma_wait3A_274 : memref<1x!tpu.dma_semaphore, #tpu.memory_space<semaphore_mem>> -> memref<!tpu.dma_semaphore, #tpu.memory_space<semaphore_mem>>
          %dma_wait3A_276 = arith.constant 0 : i32
          %dma_wait3A_277 = arith.constant 0 : i32
          %dma_wait3A_278 = tpu.memref_slice %run_scoped3A[%rem3A_267, %dma_wait3A_276, %dma_wait3A_277] : memref<2x1x128xi32, #tpu.memory_space<vmem>> -> memref<1x1x128xi32, #tpu.memory_space<vmem>>
          %dma_wait3A_279 = tpu.memref_squeeze %dma_wait3A_278 : memref<1x1x128xi32, #tpu.memory_space<vmem>> -> memref<1x128xi32, #tpu.memory_space<vmem>>
          %dma_wait3A_280 = arith.constant 0 : i32
          %dma_wait3A_281 = tpu.memref_slice %arg3[%dma_wait3A_280, %mul3A_265] : memref<1x8192xi32, #tpu.memory_space<hbm>> -> memref<1x128xi32, #tpu.memory_space<hbm>>
          tpu.wait_dma2 semaphore(%dma_wait3A_275 : memref<!tpu.dma_semaphore, #tpu.memory_space<semaphore_mem>>) src(%dma_wait3A_281 : memref<1x128xi32, #tpu.memory_space<hbm>>) dst(%dma_wait3A_279 : memref<1x128xi32, #tpu.memory_space<vmem>>)
          "tpu.trace_stop"() : () -> ()
        } else {
        }
        %ne3A_185 = arith.cmpi ne, %add3A_131, %add3A_140 : i32
        %or3A_186 = arith.constant false
        %or3A_187 = arith.ori %or3A_186, %ne3A_185 : i1
        %or3A_188 = arith.constant false
        %or3A_189 = arith.ori %or3A_187, %or3A_188 : i1
        %or3A_190 = arith.ori %or3A_189, %eq3A_128 : i1
        %convert_element_type3A_191 = arith.extui %or3A_190 : i1 to i32
        %cond3A_192 = arith.constant 0 : i32
        %cond3A_193 = arith.cmpi ne, %convert_element_type3A_191, %cond3A_192 : i32
        scf.if %cond3A_193 {
        } else {
        }
        %rem3A_194 = arith.constant 2 : i32
        %rem3A_195 = arith.remui %scan3A_123, %rem3A_194 : i32
        %rem3A_196 = arith.constant 2 : i32
        %rem3A_197 = arith.remui %scan3A_124, %rem3A_196 : i32
        %run_scoped3A_198 = arith.constant 0 : i32
        "tpu.trace_start"() <{level = 10 : i32, message = "ep_run_kernel"}> : () -> ()
        "tpu.region"() ({
          %run_scoped3A_264 = tpu.sem_alloc : memref<!tpu.dma_semaphore, #tpu.memory_space<semaphore_mem>>
          %dma_start3A_265 = arith.constant 0 : i32
          %dma_start3A_266 = arith.constant 0 : i32
          %dma_start3A_267 = tpu.memref_slice %run_scoped3A_8[%rem3A_197, %dma_start3A_265, %dma_start3A_266] : memref<2x128x128xf32, #tpu.memory_space<vmem>> -> memref<1x128x128xf32, #tpu.memory_space<vmem>>
          %dma_start3A_268 = tpu.memref_squeeze %dma_start3A_267 : memref<1x128x128xf32, #tpu.memory_space<vmem>> -> memref<128x128xf32, #tpu.memory_space<vmem>>
          %dma_start3A_269 = arith.constant 0 : i32
          %dma_start3A_270 = arith.constant 0 : i32
          %dma_start3A_271 = tpu.memref_slice %run_scoped3A[%rem3A_195, %dma_start3A_269, %dma_start3A_270] : memref<2x1x128xi32, #tpu.memory_space<vmem>> -> memref<1x1x128xi32, #tpu.memory_space<vmem>>
          %dma_start3A_272 = tpu.memref_squeeze %dma_start3A_271 : memref<1x1x128xi32, #tpu.memory_space<vmem>> -> memref<1x128xi32, #tpu.memory_space<vmem>>
          %dma_start3A_273 = arith.constant 0 : i32
          %dma_start3A_274 = tpu.memref_slice %dma_start3A_272[%run_scoped3A_198, %dma_start3A_273] : memref<1x128xi32, #tpu.memory_space<vmem>> -> memref<1x128xi32, #tpu.memory_space<vmem>>
          %dma_start3A_275 = tpu.memref_squeeze %dma_start3A_274 : memref<1x128xi32, #tpu.memory_space<vmem>> -> memref<128xi32, #tpu.memory_space<vmem>>
          %dma_start3A_276 = arith.constant 0 : i32
          %dma_start3A_277 = arith.constant 0 : i32
          %dma_start3A_278 = tpu.memref_slice %arg2[%dma_start3A_276, %dma_start3A_277] : memref<4096x128xf32, #tpu.memory_space<hbm>> -> memref<4096x128xf32, #tpu.memory_space<hbm>>
          tpu.enqueue_indirect_dma source(%dma_start3A_278 : memref<4096x128xf32, #tpu.memory_space<hbm>>) target(%dma_start3A_268 : memref<128x128xf32, #tpu.memory_space<vmem>>) offsets(%dma_start3A_275 : memref<128xi32, #tpu.memory_space<vmem>>) semaphore(%run_scoped3A_264 : memref<!tpu.dma_semaphore, #tpu.memory_space<semaphore_mem>>)
          %dma_wait3A_279 = arith.constant 0 : i32
          %dma_wait3A_280 = arith.constant 0 : i32
          %dma_wait3A_281 = tpu.memref_slice %run_scoped3A_8[%rem3A_197, %dma_wait3A_279, %dma_wait3A_280] : memref<2x128x128xf32, #tpu.memory_space<vmem>> -> memref<1x128x128xf32, #tpu.memory_space<vmem>>
          %dma_wait3A_282 = tpu.memref_squeeze %dma_wait3A_281 : memref<1x128x128xf32, #tpu.memory_space<vmem>> -> memref<128x128xf32, #tpu.memory_space<vmem>>
          %dma_wait3A_283 = arith.constant 0 : i32
          %dma_wait3A_284 = arith.constant 0 : i32
          %dma_wait3A_285 = tpu.memref_slice %run_scoped3A[%rem3A_195, %dma_wait3A_283, %dma_wait3A_284] : memref<2x1x128xi32, #tpu.memory_space<vmem>> -> memref<1x1x128xi32, #tpu.memory_space<vmem>>
          %dma_wait3A_286 = tpu.memref_squeeze %dma_wait3A_285 : memref<1x1x128xi32, #tpu.memory_space<vmem>> -> memref<1x128xi32, #tpu.memory_space<vmem>>
          %dma_wait3A_287 = arith.constant 0 : i32
          %dma_wait3A_288 = tpu.memref_slice %dma_wait3A_286[%run_scoped3A_198, %dma_wait3A_287] : memref<1x128xi32, #tpu.memory_space<vmem>> -> memref<1x128xi32, #tpu.memory_space<vmem>>
          %dma_wait3A_289 = tpu.memref_squeeze %dma_wait3A_288 : memref<1x128xi32, #tpu.memory_space<vmem>> -> memref<128xi32, #tpu.memory_space<vmem>>
          %dma_wait3A_290 = arith.constant 0 : i32
          %dma_wait3A_291 = arith.constant 0 : i32
          %dma_wait3A_292 = tpu.memref_slice %arg2[%dma_wait3A_290, %dma_wait3A_291] : memref<4096x128xf32, #tpu.memory_space<hbm>> -> memref<4096x128xf32, #tpu.memory_space<hbm>>
          tpu.wait_indirect_dma semaphore(%run_scoped3A_264 : memref<!tpu.dma_semaphore, #tpu.memory_space<semaphore_mem>>) src(%dma_wait3A_292 : memref<4096x128xf32, #tpu.memory_space<hbm>>) dst(%dma_wait3A_282 : memref<128x128xf32, #tpu.memory_space<vmem>>)
          tpu.yield
        }) : () -> ()
        "tpu.trace_stop"() : () -> ()
        %ne3A_199 = arith.cmpi ne, %add3A_131, %add3A_149 : i32
        %or3A_200 = arith.constant false
        %or3A_201 = arith.ori %or3A_200, %ne3A_199 : i1
        %or3A_202 = arith.ori %or3A_201, %eq3A_130 : i1
        %convert_element_type3A_203 = arith.extui %or3A_202 : i1 to i32
        %cond3A_204 = arith.constant 0 : i32
        %cond3A_205 = arith.cmpi ne, %convert_element_type3A_203, %cond3A_204 : i32
        scf.if %cond3A_205 {
        } else {
        }
        %and3A_206 = arith.constant false
        %and3A_207 = arith.andi %or3A_202, %and3A_206 : i1
        %ne3A_208 = arith.cmpi ne, %add3A_131, %add3A_149 : i32
        %or3A_209 = arith.constant false
        %or3A_210 = arith.ori %or3A_209, %ne3A_208 : i1
        %or3A_211 = arith.constant false
        %or3A_212 = arith.ori %or3A_210, %or3A_211 : i1
        %or3A_213 = arith.ori %or3A_212, %eq3A_130 : i1
        %convert_element_type3A_214 = arith.extui %or3A_213 : i1 to i32
        %cond3A_215 = arith.constant 0 : i32
        %cond3A_216 = arith.cmpi ne, %convert_element_type3A_214, %cond3A_215 : i32
        scf.if %cond3A_216 {
          "tpu.trace_start"() <{level = 10 : i32, message = "ep_copy_out"}> : () -> ()
          %rem3A_264 = arith.constant 2 : i32
          %rem3A_265 = arith.remui %scan3A_124, %rem3A_264 : i32
          %mul3A_266 = arith.constant 128 : i32
          %mul3A_267 = arith.muli %mul3A_266, %add3A_131 : i32
          %dma_start3A_268 = arith.constant 0 : i32
          %dma_start3A_269 = arith.constant 0 : i32
          %dma_start3A_270 = tpu.memref_slice %run_scoped3A_8[%rem3A_265, %dma_start3A_268, %dma_start3A_269] : memref<2x128x128xf32, #tpu.memory_space<vmem>> -> memref<1x128x128xf32, #tpu.memory_space<vmem>>
          %dma_start3A_271 = tpu.memref_squeeze %dma_start3A_270 : memref<1x128x128xf32, #tpu.memory_space<vmem>> -> memref<128x128xf32, #tpu.memory_space<vmem>>
          %dma_start3A_272 = arith.constant 0 : i32
          %dma_start3A_273 = tpu.memref_slice %arg4[%mul3A_267, %dma_start3A_272] : memref<8192x128xf32, #tpu.memory_space<hbm>> -> memref<128x128xf32, #tpu.memory_space<hbm>>
          %dma_start3A_274 = tpu.memref_slice %run_scoped3A_9[%rem3A_265] : memref<2x!tpu.dma_semaphore, #tpu.memory_space<semaphore_mem>> -> memref<1x!tpu.dma_semaphore, #tpu.memory_space<semaphore_mem>>
          %dma_start3A_275 = tpu.memref_squeeze %dma_start3A_274 : memref<1x!tpu.dma_semaphore, #tpu.memory_space<semaphore_mem>> -> memref<!tpu.dma_semaphore, #tpu.memory_space<semaphore_mem>>
          %dma_start3A_276 = arith.constant 0 : i32
          %dma_start3A_277 = tpu.memref_slice %arg4[%mul3A_267, %dma_start3A_276] : memref<8192x128xf32, #tpu.memory_space<hbm>> -> memref<128x128xf32, #tpu.memory_space<hbm>>
          %dma_start3A_278 = arith.constant 0 : i32
          %dma_start3A_279 = arith.constant 0 : i32
          %dma_start3A_280 = tpu.memref_slice %run_scoped3A_8[%rem3A_265, %dma_start3A_278, %dma_start3A_279] : memref<2x128x128xf32, #tpu.memory_space<vmem>> -> memref<1x128x128xf32, #tpu.memory_space<vmem>>
          %dma_start3A_281 = tpu.memref_squeeze %dma_start3A_280 : memref<1x128x128xf32, #tpu.memory_space<vmem>> -> memref<128x128xf32, #tpu.memory_space<vmem>>
          tpu.enqueue_dma source(%dma_start3A_281 : memref<128x128xf32, #tpu.memory_space<vmem>>) target(%dma_start3A_277 : memref<128x128xf32, #tpu.memory_space<hbm>>) target_semaphore(%dma_start3A_275 : memref<!tpu.dma_semaphore, #tpu.memory_space<semaphore_mem>>)
          "tpu.trace_stop"() : () -> ()
        } else {
        }
        %and3A_217 = arith.constant true
        %and3A_218 = arith.andi %or3A_213, %and3A_217 : i1
        %add3A_219 = arith.constant 1 : i32
        %add3A_220 = arith.addi %scan3A_124, %add3A_219 : i32
        %select_n3A_221 = arith.select %and3A_218, %add3A_220, %scan3A_124 : i32
        %ne3A_222 = arith.cmpi ne, %add3A_131, %add3A_140 : i32
        %or3A_223 = arith.constant false
        %or3A_224 = arith.ori %or3A_223, %ne3A_222 : i1
        %not3A_225 = arith.constant true
        %not3A_226 = arith.xori %eq3A_128, %not3A_225 : i1
        %and3A_227 = arith.andi %or3A_224, %not3A_226 : i1
        %convert_element_type3A_228 = arith.extui %and3A_227 : i1 to i32
        %cond3A_229 = arith.constant 0 : i32
        %cond3A_230 = arith.cmpi ne, %convert_element_type3A_228, %cond3A_229 : i32
        scf.if %cond3A_230 {
        } else {
        }
        %and3A_231 = arith.constant false
        %and3A_232 = arith.andi %and3A_227, %and3A_231 : i1
        %ne3A_233 = arith.cmpi ne, %add3A_131, %add3A_140 : i32
        %or3A_234 = arith.constant false
        %or3A_235 = arith.ori %or3A_234, %ne3A_233 : i1
        %or3A_236 = arith.constant false
        %or3A_237 = arith.ori %or3A_235, %or3A_236 : i1
        %not3A_238 = arith.constant true
        %not3A_239 = arith.xori %eq3A_128, %not3A_238 : i1
        %and3A_240 = arith.andi %or3A_237, %not3A_239 : i1
        %convert_element_type3A_241 = arith.extui %and3A_240 : i1 to i32
        %cond3A_242 = arith.constant 0 : i32
        %cond3A_243 = arith.cmpi ne, %convert_element_type3A_241, %cond3A_242 : i32
        scf.if %cond3A_243 {
          "tpu.trace_start"() <{level = 10 : i32, message = "ep_wait_out"}> : () -> ()
          %rem3A_264 = arith.constant 2 : i32
          %rem3A_265 = arith.remui %scan3A_125, %rem3A_264 : i32
          %mul3A_266 = arith.constant 128 : i32
          %mul3A_267 = arith.muli %mul3A_266, %add3A_140 : i32
          %dma_wait3A_268 = arith.constant 0 : i32
          %dma_wait3A_269 = arith.constant 0 : i32
          %dma_wait3A_270 = tpu.memref_slice %run_scoped3A_8[%rem3A_265, %dma_wait3A_268, %dma_wait3A_269] : memref<2x128x128xf32, #tpu.memory_space<vmem>> -> memref<1x128x128xf32, #tpu.memory_space<vmem>>
          %dma_wait3A_271 = tpu.memref_squeeze %dma_wait3A_270 : memref<1x128x128xf32, #tpu.memory_space<vmem>> -> memref<128x128xf32, #tpu.memory_space<vmem>>
          %dma_wait3A_272 = arith.constant 0 : i32
          %dma_wait3A_273 = tpu.memref_slice %arg4[%mul3A_267, %dma_wait3A_272] : memref<8192x128xf32, #tpu.memory_space<hbm>> -> memref<128x128xf32, #tpu.memory_space<hbm>>
          %dma_wait3A_274 = tpu.memref_slice %run_scoped3A_9[%rem3A_265] : memref<2x!tpu.dma_semaphore, #tpu.memory_space<semaphore_mem>> -> memref<1x!tpu.dma_semaphore, #tpu.memory_space<semaphore_mem>>
          %dma_wait3A_275 = tpu.memref_squeeze %dma_wait3A_274 : memref<1x!tpu.dma_semaphore, #tpu.memory_space<semaphore_mem>> -> memref<!tpu.dma_semaphore, #tpu.memory_space<semaphore_mem>>
          %dma_wait3A_276 = arith.constant 0 : i32
          %dma_wait3A_277 = tpu.memref_slice %arg4[%mul3A_267, %dma_wait3A_276] : memref<8192x128xf32, #tpu.memory_space<hbm>> -> memref<128x128xf32, #tpu.memory_space<hbm>>
          %dma_wait3A_278 = arith.constant 0 : i32
          %dma_wait3A_279 = arith.constant 0 : i32
          %dma_wait3A_280 = tpu.memref_slice %run_scoped3A_8[%rem3A_265, %dma_wait3A_278, %dma_wait3A_279] : memref<2x128x128xf32, #tpu.memory_space<vmem>> -> memref<1x128x128xf32, #tpu.memory_space<vmem>>
          %dma_wait3A_281 = tpu.memref_squeeze %dma_wait3A_280 : memref<1x128x128xf32, #tpu.memory_space<vmem>> -> memref<128x128xf32, #tpu.memory_space<vmem>>
          tpu.wait_dma2 semaphore(%dma_wait3A_275 : memref<!tpu.dma_semaphore, #tpu.memory_space<semaphore_mem>>) src(%dma_wait3A_281 : memref<128x128xf32, #tpu.memory_space<vmem>>) dst(%dma_wait3A_277 : memref<128x128xf32, #tpu.memory_space<hbm>>)
          "tpu.trace_stop"() : () -> ()
        } else {
        }
        %and3A_244 = arith.constant true
        %and3A_245 = arith.andi %and3A_240, %and3A_244 : i1
        %add3A_246 = arith.constant 1 : i32
        %add3A_247 = arith.addi %scan3A_125, %add3A_246 : i32
        %select_n3A_248 = arith.select %and3A_245, %add3A_247, %scan3A_125 : i32
        %ne3A_249 = arith.cmpi ne, %add3A_131, %add3A_149 : i32
        %or3A_250 = arith.constant false
        %or3A_251 = arith.ori %or3A_250, %ne3A_249 : i1
        %or3A_252 = arith.ori %or3A_251, %eq3A_130 : i1
        %add3A_253 = arith.constant 1 : i32
        %add3A_254 = arith.addi %scan3A_123, %add3A_253 : i32
        %select_n3A_255 = arith.select %or3A_252, %add3A_254, %scan3A_123 : i32
        %add3A_256 = arith.constant 1 : i32
        %add3A_257 = arith.addi %scan3A_126, %add3A_256 : i32
        %select_n3A_258 = arith.constant true
        %select_n3A_259 = arith.select %select_n3A_258, %add3A_257, %scan3A_126 : i32
        %eq3A_260 = arith.constant 2 : i32
        %eq3A_261 = arith.cmpi eq, %select_n3A_259, %eq3A_260 : i32
        %select_n3A_262 = arith.constant 0 : i32
        %select_n3A_263 = arith.select %eq3A_261, %select_n3A_262, %select_n3A_259 : i32
        scf.yield %select_n3A_167, %select_n3A_255, %select_n3A_221, %select_n3A_248, %select_n3A_263 : i32, i32, i32, i32, i32
      }
      %scan3A_68 = arith.constant 2 : i32
      %sub3A = arith.constant 1 : i32
      %sub3A_69 = arith.subi %scan3A_67#4, %sub3A : i32
      %select_n3A_70 = arith.constant true
      %select_n3A_71 = arith.select %select_n3A_70, %sub3A_69, %scan3A_67#4 : i32
      %eq3A_72 = arith.constant -1 : i32
      %eq3A_73 = arith.cmpi eq, %select_n3A_71, %eq3A_72 : i32
      %select_n3A_74 = arith.constant 1 : i32
      %select_n3A_75 = arith.select %eq3A_73, %select_n3A_74, %select_n3A_71 : i32
      %add3A_76 = arith.addi %select_n3A_75, %mul3A_6 : i32
      %sub3A_77 = arith.constant 1 : i32
      %sub3A_78 = arith.subi %select_n3A_75, %sub3A_77 : i32
      %select_n3A_79 = arith.constant true
      %select_n3A_80 = arith.select %select_n3A_79, %sub3A_78, %select_n3A_75 : i32
      %eq3A_81 = arith.constant -1 : i32
      %eq3A_82 = arith.cmpi eq, %select_n3A_80, %eq3A_81 : i32
      %select_n3A_83 = arith.constant 1 : i32
      %select_n3A_84 = arith.select %eq3A_82, %select_n3A_83, %select_n3A_80 : i32
      %add3A_85 = arith.addi %select_n3A_84, %mul3A_6 : i32
      %add3A_86 = arith.constant 1 : i32
      %add3A_87 = arith.addi %select_n3A_75, %add3A_86 : i32
      %select_n3A_88 = arith.constant true
      %select_n3A_89 = arith.select %select_n3A_88, %add3A_87, %select_n3A_75 : i32
      %eq3A_90 = arith.constant 2 : i32
      %eq3A_91 = arith.cmpi eq, %select_n3A_89, %eq3A_90 : i32
      %select_n3A_92 = arith.constant 0 : i32
      %select_n3A_93 = arith.select %eq3A_91, %select_n3A_92, %select_n3A_89 : i32
      %add3A_94 = arith.addi %select_n3A_93, %mul3A_6 : i32
      %add3A_95 = arith.constant 1 : i32
      %add3A_96 = arith.addi %select_n3A_93, %add3A_95 : i32
      %select_n3A_97 = arith.constant true
      %select_n3A_98 = arith.select %select_n3A_97, %add3A_96, %select_n3A_93 : i32
      %eq3A_99 = arith.constant 2 : i32
      %eq3A_100 = arith.cmpi eq, %select_n3A_98, %eq3A_99 : i32
      %select_n3A_101 = arith.constant 0 : i32
      %select_n3A_102 = arith.select %eq3A_100, %select_n3A_101, %select_n3A_98 : i32
      %add3A_103 = arith.addi %select_n3A_102, %mul3A_6 : i32
      "tpu.trace_start"() <{level = 10 : i32, message = "ep_finalize"}> : () -> ()
      %rem3A_104 = arith.constant 2 : i32
      %rem3A_105 = arith.remui %scan3A_67#3, %rem3A_104 : i32
      %mul3A_106 = arith.constant 128 : i32
      %mul3A_107 = arith.muli %mul3A_106, %add3A_76 : i32
      %dma_wait3A = arith.constant 0 : i32
      %dma_wait3A_108 = arith.constant 0 : i32
      %dma_wait3A_109 = tpu.memref_slice %run_scoped3A_8[%rem3A_105, %dma_wait3A, %dma_wait3A_108] : memref<2x128x128xf32, #tpu.memory_space<vmem>> -> memref<1x128x128xf32, #tpu.memory_space<vmem>>
      %dma_wait3A_110 = tpu.memref_squeeze %dma_wait3A_109 : memref<1x128x128xf32, #tpu.memory_space<vmem>> -> memref<128x128xf32, #tpu.memory_space<vmem>>
      %dma_wait3A_111 = arith.constant 0 : i32
      %dma_wait3A_112 = tpu.memref_slice %arg4[%mul3A_107, %dma_wait3A_111] : memref<8192x128xf32, #tpu.memory_space<hbm>> -> memref<128x128xf32, #tpu.memory_space<hbm>>
      %dma_wait3A_113 = tpu.memref_slice %run_scoped3A_9[%rem3A_105] : memref<2x!tpu.dma_semaphore, #tpu.memory_space<semaphore_mem>> -> memref<1x!tpu.dma_semaphore, #tpu.memory_space<semaphore_mem>>
      %dma_wait3A_114 = tpu.memref_squeeze %dma_wait3A_113 : memref<1x!tpu.dma_semaphore, #tpu.memory_space<semaphore_mem>> -> memref<!tpu.dma_semaphore, #tpu.memory_space<semaphore_mem>>
      %dma_wait3A_115 = arith.constant 0 : i32
      %dma_wait3A_116 = tpu.memref_slice %arg4[%mul3A_107, %dma_wait3A_115] : memref<8192x128xf32, #tpu.memory_space<hbm>> -> memref<128x128xf32, #tpu.memory_space<hbm>>
      %dma_wait3A_117 = arith.constant 0 : i32
      %dma_wait3A_118 = arith.constant 0 : i32
      %dma_wait3A_119 = tpu.memref_slice %run_scoped3A_8[%rem3A_105, %dma_wait3A_117, %dma_wait3A_118] : memref<2x128x128xf32, #tpu.memory_space<vmem>> -> memref<1x128x128xf32, #tpu.memory_space<vmem>>
      %dma_wait3A_120 = tpu.memref_squeeze %dma_wait3A_119 : memref<1x128x128xf32, #tpu.memory_space<vmem>> -> memref<128x128xf32, #tpu.memory_space<vmem>>
      tpu.wait_dma2 semaphore(%dma_wait3A_114 : memref<!tpu.dma_semaphore, #tpu.memory_space<semaphore_mem>>) src(%dma_wait3A_120 : memref<128x128xf32, #tpu.memory_space<vmem>>) dst(%dma_wait3A_116 : memref<128x128xf32, #tpu.memory_space<hbm>>)
      "tpu.trace_stop"() : () -> ()
      tpu.yield
    }) : () -> ()
    return
  }
}

module attributes {stable_mosaic.version = 14 : i64} {
  func.func @body(%arg0: i32, %arg1: memref<512x512xf32, #tpu.memory_space<vmem>>, %arg2: memref<512x2048xbf16, #tpu.memory_space<vmem>>, %arg3: memref<512x1xf32, #tpu.memory_space<vmem>>, %arg4: memref<512x1536xbf16, #tpu.memory_space<vmem>>, %arg5: memref<512x1xf32, #tpu.memory_space<vmem>>, %arg6: memref<512x512xbf16, #tpu.memory_space<vmem>>, %arg7: memref<512x1xf32, #tpu.memory_space<vmem>>, %arg8: memref<512x1536xbf16, #tpu.memory_space<vmem>>, %arg9: memref<512x1xf32, #tpu.memory_space<vmem>>, %arg10: memref<512x512xbf16, #tpu.memory_space<vmem>>, %arg11: memref<512x1xf32, #tpu.memory_space<vmem>>, %arg12: memref<512x1536xbf16, #tpu.memory_space<vmem>>, %arg13: memref<512x1xf32, #tpu.memory_space<vmem>>, %arg14: memref<512x512xbf16, #tpu.memory_space<vmem>>, %arg15: memref<512x1xf32, #tpu.memory_space<vmem>>, %arg16: memref<512x1536xbf16, #tpu.memory_space<vmem>>, %arg17: memref<512x1xf32, #tpu.memory_space<vmem>>, %arg18: memref<512x256xf32, #tpu.memory_space<vmem>>) attributes {dimension_semantics = [#tpu.dimension_semantics<parallel>], iteration_bounds = array<i64: 8>, scalar_prefetch = 0 : i64, scratch_operands = 0 : i64, tpu.core_type = #tpu.core_type<tc>, window_params = [{transform_indices = @transform_0, window_bounds = array<i64: 512, 512>}, {pipeline_mode = #tpu.pipeline_mode<synchronous>, transform_indices = @transform_1, window_bounds = array<i64: 512, 2048>}, {pipeline_mode = #tpu.pipeline_mode<synchronous>, transform_indices = @transform_2, window_bounds = array<i64: 512, 1>}, {pipeline_mode = #tpu.pipeline_mode<synchronous>, transform_indices = @transform_3, window_bounds = array<i64: 512, 1536>}, {pipeline_mode = #tpu.pipeline_mode<synchronous>, transform_indices = @transform_4, window_bounds = array<i64: 512, 1>}, {pipeline_mode = #tpu.pipeline_mode<synchronous>, transform_indices = @transform_5, window_bounds = array<i64: 512, 512>}, {pipeline_mode = #tpu.pipeline_mode<synchronous>, transform_indices = @transform_6, window_bounds = array<i64: 512, 1>}, {pipeline_mode = #tpu.pipeline_mode<synchronous>, transform_indices = @transform_7, window_bounds = array<i64: 512, 1536>}, {pipeline_mode = #tpu.pipeline_mode<synchronous>, transform_indices = @transform_8, window_bounds = array<i64: 512, 1>}, {pipeline_mode = #tpu.pipeline_mode<synchronous>, transform_indices = @transform_9, window_bounds = array<i64: 512, 512>}, {pipeline_mode = #tpu.pipeline_mode<synchronous>, transform_indices = @transform_10, window_bounds = array<i64: 512, 1>}, {pipeline_mode = #tpu.pipeline_mode<synchronous>, transform_indices = @transform_11, window_bounds = array<i64: 512, 1536>}, {pipeline_mode = #tpu.pipeline_mode<synchronous>, transform_indices = @transform_12, window_bounds = array<i64: 512, 1>}, {pipeline_mode = #tpu.pipeline_mode<synchronous>, transform_indices = @transform_13, window_bounds = array<i64: 512, 512>}, {pipeline_mode = #tpu.pipeline_mode<synchronous>, transform_indices = @transform_14, window_bounds = array<i64: 512, 1>}, {pipeline_mode = #tpu.pipeline_mode<synchronous>, transform_indices = @transform_15, window_bounds = array<i64: 512, 1536>}, {pipeline_mode = #tpu.pipeline_mode<synchronous>, transform_indices = @transform_16, window_bounds = array<i64: 512, 1>}, {transform_indices = @transform_17, window_bounds = array<i64: 512, 256>}]} {
    %get3A = arith.constant 0 : index
    %get3A_0 = arith.constant 0 : index
    %get3A_1 = vector.load %arg1[%get3A, %get3A_0] : memref<512x512xf32, #tpu.memory_space<vmem>>, vector<512x512xf32>
    %get3A_2 = arith.constant 0 : index
    %get3A_3 = arith.constant 0 : index
    %get3A_4 = vector.load %arg2[%get3A_2, %get3A_3] : memref<512x2048xbf16, #tpu.memory_space<vmem>>, vector<512x2048xbf16>
    %get3A_5 = arith.constant 0 : index
    %get3A_6 = arith.constant 0 : index
    %get3A_7 = vector.load %arg3[%get3A_5, %get3A_6] : memref<512x1xf32, #tpu.memory_space<vmem>>, vector<512x1xf32>
    %convert_element_type3A = arith.truncf %get3A_1 : vector<512x512xf32> to vector<512x512xbf16>
    %convert_element_type3A_8 = arith.extf %convert_element_type3A : vector<512x512xbf16> to vector<512x512xf32>
    %iota3A = tpu.iota {dimensions = array<i32: 1>} : vector<512x512xi32>
    %jit3A = arith.constant 128 : i32
    %eq3A = arith.constant 0 : i32
    %eq3A_9 = arith.cmpi eq, %jit3A, %eq3A : i32
    %jit3A_10 = arith.constant 1 : i32
    %select_n3A = arith.select %eq3A_9, %jit3A_10, %jit3A : i32
    %rem3A = vector.broadcast %select_n3A : i32 to vector<512x512xi32>
    %rem3A_11 = arith.remsi %iota3A, %rem3A : vector<512x512xi32>
    %ne3A = arith.constant 0 : i32
    %ne3A_12 = vector.broadcast %ne3A : i32 to vector<512x512xi32>
    %ne3A_13 = arith.cmpi ne, %rem3A_11, %ne3A_12 : vector<512x512xi32>
    %lt3A = arith.constant 0 : i32
    %lt3A_14 = vector.broadcast %lt3A : i32 to vector<512x512xi32>
    %lt3A_15 = arith.cmpi slt, %rem3A_11, %lt3A_14 : vector<512x512xi32>
    %lt3A_16 = arith.constant 0 : i32
    %lt3A_17 = arith.cmpi slt, %select_n3A, %lt3A_16 : i32
    %ne3A_18 = vector.broadcast %lt3A_17 : i1 to vector<512x512xi1>
    %ne3A_19 = vector.broadcast %ne3A_18 : vector<512x512xi1> to vector<512x512xi1>
    %ne3A_20 = arith.xori %lt3A_15, %ne3A_19 : vector<512x512xi1>
    %and3A = arith.andi %ne3A_20, %ne3A_13 : vector<512x512xi1>
    %add3A = vector.broadcast %select_n3A : i32 to vector<512x512xi32>
    %add3A_21 = arith.addi %rem3A_11, %add3A : vector<512x512xi32>
    %select_n3A_22 = arith.select %and3A, %add3A_21, %rem3A_11 : vector<512x512xi1>, vector<512x512xi32>
    %slice3A = vector.extract_strided_slice %convert_element_type3A_8 {offsets = [0, 511], sizes = [512, 1], strides = [1, 1]} : vector<512x512xf32> to vector<512x1xf32>
    %slice3A_23 = vector.extract_strided_slice %convert_element_type3A_8 {offsets = [0, 0], sizes = [512, 511], strides = [1, 1]} : vector<512x512xf32> to vector<512x511xf32>
    %concatenate3A = tpu.concatenate %slice3A, %slice3A_23 in 1 : vector<512x1xf32>, vector<512x511xf32> -> vector<512x512xf32>
    %ge3A = arith.constant 1 : i32
    %ge3A_24 = vector.broadcast %ge3A : i32 to vector<512x512xi32>
    %ge3A_25 = arith.cmpi sge, %select_n3A_22, %ge3A_24 : vector<512x512xi32>
    %jit3A_26 = arith.constant 0.000000e+00 : f32
    %broadcast_in_dim3A = vector.broadcast %jit3A_26 : f32 to vector<512x512xf32>
    %select_n3A_27 = arith.select %ge3A_25, %concatenate3A, %broadcast_in_dim3A : vector<512x512xi1>, vector<512x512xf32>
    %iota3A_28 = tpu.iota {dimensions = array<i32: 1>} : vector<512x512xi32>
    %jit3A_29 = arith.constant 128 : i32
    %eq3A_30 = arith.constant 0 : i32
    %eq3A_31 = arith.cmpi eq, %jit3A_29, %eq3A_30 : i32
    %jit3A_32 = arith.constant 1 : i32
    %select_n3A_33 = arith.select %eq3A_31, %jit3A_32, %jit3A_29 : i32
    %rem3A_34 = vector.broadcast %select_n3A_33 : i32 to vector<512x512xi32>
    %rem3A_35 = arith.remsi %iota3A_28, %rem3A_34 : vector<512x512xi32>
    %ne3A_36 = arith.constant 0 : i32
    %ne3A_37 = vector.broadcast %ne3A_36 : i32 to vector<512x512xi32>
    %ne3A_38 = arith.cmpi ne, %rem3A_35, %ne3A_37 : vector<512x512xi32>
    %lt3A_39 = arith.constant 0 : i32
    %lt3A_40 = vector.broadcast %lt3A_39 : i32 to vector<512x512xi32>
    %lt3A_41 = arith.cmpi slt, %rem3A_35, %lt3A_40 : vector<512x512xi32>
    %lt3A_42 = arith.constant 0 : i32
    %lt3A_43 = arith.cmpi slt, %select_n3A_33, %lt3A_42 : i32
    %ne3A_44 = vector.broadcast %lt3A_43 : i1 to vector<512x512xi1>
    %ne3A_45 = vector.broadcast %ne3A_44 : vector<512x512xi1> to vector<512x512xi1>
    %ne3A_46 = arith.xori %lt3A_41, %ne3A_45 : vector<512x512xi1>
    %and3A_47 = arith.andi %ne3A_46, %ne3A_38 : vector<512x512xi1>
    %add3A_48 = vector.broadcast %select_n3A_33 : i32 to vector<512x512xi32>
    %add3A_49 = arith.addi %rem3A_35, %add3A_48 : vector<512x512xi32>
    %select_n3A_50 = arith.select %and3A_47, %add3A_49, %rem3A_35 : vector<512x512xi1>, vector<512x512xi32>
    %slice3A_51 = vector.extract_strided_slice %convert_element_type3A_8 {offsets = [0, 1], sizes = [512, 511], strides = [1, 1]} : vector<512x512xf32> to vector<512x511xf32>
    %slice3A_52 = vector.extract_strided_slice %convert_element_type3A_8 {offsets = [0, 0], sizes = [512, 1], strides = [1, 1]} : vector<512x512xf32> to vector<512x1xf32>
    %concatenate3A_53 = tpu.concatenate %slice3A_51, %slice3A_52 in 1 : vector<512x511xf32>, vector<512x1xf32> -> vector<512x512xf32>
    %lt3A_54 = arith.constant 127 : i32
    %lt3A_55 = vector.broadcast %lt3A_54 : i32 to vector<512x512xi32>
    %lt3A_56 = arith.cmpi slt, %select_n3A_50, %lt3A_55 : vector<512x512xi32>
    %jit3A_57 = arith.constant 0.000000e+00 : f32
    %broadcast_in_dim3A_58 = vector.broadcast %jit3A_57 : f32 to vector<512x512xf32>
    %select_n3A_59 = arith.select %lt3A_56, %concatenate3A_53, %broadcast_in_dim3A_58 : vector<512x512xi1>, vector<512x512xf32>
    %iota3A_60 = tpu.iota {dimensions = array<i32: 1>} : vector<512x512xi32>
    %jit3A_61 = arith.constant 128 : i32
    %eq3A_62 = arith.constant 0 : i32
    %eq3A_63 = arith.cmpi eq, %jit3A_61, %eq3A_62 : i32
    %jit3A_64 = arith.constant 1 : i32
    %select_n3A_65 = arith.select %eq3A_63, %jit3A_64, %jit3A_61 : i32
    %rem3A_66 = vector.broadcast %select_n3A_65 : i32 to vector<512x512xi32>
    %rem3A_67 = arith.remsi %iota3A_60, %rem3A_66 : vector<512x512xi32>
    %ne3A_68 = arith.constant 0 : i32
    %ne3A_69 = vector.broadcast %ne3A_68 : i32 to vector<512x512xi32>
    %ne3A_70 = arith.cmpi ne, %rem3A_67, %ne3A_69 : vector<512x512xi32>
    %lt3A_71 = arith.constant 0 : i32
    %lt3A_72 = vector.broadcast %lt3A_71 : i32 to vector<512x512xi32>
    %lt3A_73 = arith.cmpi slt, %rem3A_67, %lt3A_72 : vector<512x512xi32>
    %lt3A_74 = arith.constant 0 : i32
    %lt3A_75 = arith.cmpi slt, %select_n3A_65, %lt3A_74 : i32
    %ne3A_76 = vector.broadcast %lt3A_75 : i1 to vector<512x512xi1>
    %ne3A_77 = vector.broadcast %ne3A_76 : vector<512x512xi1> to vector<512x512xi1>
    %ne3A_78 = arith.xori %lt3A_73, %ne3A_77 : vector<512x512xi1>
    %and3A_79 = arith.andi %ne3A_78, %ne3A_70 : vector<512x512xi1>
    %add3A_80 = vector.broadcast %select_n3A_65 : i32 to vector<512x512xi32>
    %add3A_81 = arith.addi %rem3A_67, %add3A_80 : vector<512x512xi32>
    %select_n3A_82 = arith.select %and3A_79, %add3A_81, %rem3A_67 : vector<512x512xi1>, vector<512x512xi32>
    %slice3A_83 = vector.extract_strided_slice %convert_element_type3A_8 {offsets = [0, 2], sizes = [512, 510], strides = [1, 1]} : vector<512x512xf32> to vector<512x510xf32>
    %slice3A_84 = vector.extract_strided_slice %convert_element_type3A_8 {offsets = [0, 0], sizes = [512, 2], strides = [1, 1]} : vector<512x512xf32> to vector<512x2xf32>
    %concatenate3A_85 = tpu.concatenate %slice3A_83, %slice3A_84 in 1 : vector<512x510xf32>, vector<512x2xf32> -> vector<512x512xf32>
    %lt3A_86 = arith.constant 126 : i32
    %lt3A_87 = vector.broadcast %lt3A_86 : i32 to vector<512x512xi32>
    %lt3A_88 = arith.cmpi slt, %select_n3A_82, %lt3A_87 : vector<512x512xi32>
    %jit3A_89 = arith.constant 0.000000e+00 : f32
    %broadcast_in_dim3A_90 = vector.broadcast %jit3A_89 : f32 to vector<512x512xf32>
    %select_n3A_91 = arith.select %lt3A_88, %concatenate3A_85, %broadcast_in_dim3A_90 : vector<512x512xi1>, vector<512x512xf32>
    %convert_element_type3A_92 = arith.extf %get3A_4 : vector<512x2048xbf16> to vector<512x2048xf32>
    %slice3A_93 = vector.extract_strided_slice %convert_element_type3A_92 {offsets = [0, 0], sizes = [512, 512], strides = [1, 1]} : vector<512x2048xf32> to vector<512x512xf32>
    %dot_general3A = arith.constant dense<0.000000e+00> : vector<512x512xf32>
    %dot_general3A_94 = tpu.matmul %slice3A_93, %select_n3A_27, %dot_general3A {dimension_numbers = #tpu.dot_dimension_numbers<[1], [0], [0], [1], [0, 0, 1, 1], [], []>, precision = #tpu.contract_precision<fp32>, transpose_lhs_hint = false} : vector<512x512xf32>, vector<512x512xf32>, vector<512x512xf32> -> vector<512x512xf32>
    %slice3A_95 = vector.extract_strided_slice %convert_element_type3A_92 {offsets = [0, 512], sizes = [512, 512], strides = [1, 1]} : vector<512x2048xf32> to vector<512x512xf32>
    %dot_general3A_96 = arith.constant dense<0.000000e+00> : vector<512x512xf32>
    %dot_general3A_97 = tpu.matmul %slice3A_95, %convert_element_type3A_8, %dot_general3A_96 {dimension_numbers = #tpu.dot_dimension_numbers<[1], [0], [0], [1], [0, 0, 1, 1], [], []>, precision = #tpu.contract_precision<fp32>, transpose_lhs_hint = false} : vector<512x512xf32>, vector<512x512xf32>, vector<512x512xf32> -> vector<512x512xf32>
    %add3A_98 = arith.addf %dot_general3A_94, %dot_general3A_97 : vector<512x512xf32>
    %slice3A_99 = vector.extract_strided_slice %convert_element_type3A_92 {offsets = [0, 1024], sizes = [512, 512], strides = [1, 1]} : vector<512x2048xf32> to vector<512x512xf32>
    %dot_general3A_100 = arith.constant dense<0.000000e+00> : vector<512x512xf32>
    %dot_general3A_101 = tpu.matmul %slice3A_99, %select_n3A_59, %dot_general3A_100 {dimension_numbers = #tpu.dot_dimension_numbers<[1], [0], [0], [1], [0, 0, 1, 1], [], []>, precision = #tpu.contract_precision<fp32>, transpose_lhs_hint = false} : vector<512x512xf32>, vector<512x512xf32>, vector<512x512xf32> -> vector<512x512xf32>
    %add3A_102 = arith.addf %add3A_98, %dot_general3A_101 : vector<512x512xf32>
    %slice3A_103 = vector.extract_strided_slice %convert_element_type3A_92 {offsets = [0, 1536], sizes = [512, 512], strides = [1, 1]} : vector<512x2048xf32> to vector<512x512xf32>
    %dot_general3A_104 = arith.constant dense<0.000000e+00> : vector<512x512xf32>
    %dot_general3A_105 = tpu.matmul %slice3A_103, %select_n3A_91, %dot_general3A_104 {dimension_numbers = #tpu.dot_dimension_numbers<[1], [0], [0], [1], [0, 0, 1, 1], [], []>, precision = #tpu.contract_precision<fp32>, transpose_lhs_hint = false} : vector<512x512xf32>, vector<512x512xf32>, vector<512x512xf32> -> vector<512x512xf32>
    %add3A_106 = arith.addf %add3A_102, %dot_general3A_105 : vector<512x512xf32>
    %iota3A_107 = tpu.iota {dimensions = array<i32: 0>} : vector<512x256xi32>
    %iota3A_108 = tpu.iota {dimensions = array<i32: 1>} : vector<512x256xi32>
    %mul3A = arith.constant 2 : i32
    %mul3A_109 = vector.broadcast %mul3A : i32 to vector<512x256xi32>
    %mul3A_110 = arith.muli %mul3A_109, %iota3A_108 : vector<512x256xi32>
    %eq3A_111 = arith.cmpi eq, %iota3A_107, %mul3A_110 : vector<512x256xi32>
    %convert_element_type3A_112 = arith.extui %eq3A_111 : vector<512x256xi1> to vector<512x256xi32>
    %convert_element_type3A_113 = arith.sitofp %convert_element_type3A_112 : vector<512x256xi32> to vector<512x256xf32>
    %dot_general3A_114 = arith.constant dense<0.000000e+00> : vector<512x256xf32>
    %dot_general3A_115 = tpu.matmul %add3A_106, %convert_element_type3A_113, %dot_general3A_114 {dimension_numbers = #tpu.dot_dimension_numbers<[1], [0], [0], [1], [0, 0, 1, 1], [], []>, precision = #tpu.contract_precision<fp32>, transpose_lhs_hint = false} : vector<512x512xf32>, vector<512x256xf32>, vector<512x256xf32> -> vector<512x256xf32>
    %add3A_116 = vector.broadcast %get3A_7 : vector<512x1xf32> to vector<512x256xf32>
    %add3A_117 = arith.addf %dot_general3A_115, %add3A_116 : vector<512x256xf32>
    %get3A_118 = arith.constant 0 : index
    %get3A_119 = arith.constant 0 : index
    %get3A_120 = vector.load %arg4[%get3A_118, %get3A_119] : memref<512x1536xbf16, #tpu.memory_space<vmem>>, vector<512x1536xbf16>
    %get3A_121 = arith.constant 0 : index
    %get3A_122 = arith.constant 0 : index
    %get3A_123 = vector.load %arg5[%get3A_121, %get3A_122] : memref<512x1xf32, #tpu.memory_space<vmem>>, vector<512x1xf32>
    %get3A_124 = arith.constant 0 : index
    %get3A_125 = arith.constant 0 : index
    %get3A_126 = vector.load %arg6[%get3A_124, %get3A_125] : memref<512x512xbf16, #tpu.memory_space<vmem>>, vector<512x512xbf16>
    %get3A_127 = arith.constant 0 : index
    %get3A_128 = arith.constant 0 : index
    %get3A_129 = vector.load %arg7[%get3A_127, %get3A_128] : memref<512x1xf32, #tpu.memory_space<vmem>>, vector<512x1xf32>
    %max3A = arith.constant 0.000000e+00 : f32
    %max3A_130 = vector.broadcast %max3A : f32 to vector<512x256xf32>
    %max3A_131 = arith.maximumf %add3A_117, %max3A_130 : vector<512x256xf32>
    %convert_element_type3A_132 = arith.truncf %max3A_131 : vector<512x256xf32> to vector<512x256xbf16>
    %convert_element_type3A_133 = arith.extf %convert_element_type3A_132 : vector<512x256xbf16> to vector<512x256xf32>
    %iota3A_134 = tpu.iota {dimensions = array<i32: 1>} : vector<512x256xi32>
    %jit3A_135 = arith.constant 64 : i32
    %eq3A_136 = arith.constant 0 : i32
    %eq3A_137 = arith.cmpi eq, %jit3A_135, %eq3A_136 : i32
    %jit3A_138 = arith.constant 1 : i32
    %select_n3A_139 = arith.select %eq3A_137, %jit3A_138, %jit3A_135 : i32
    %rem3A_140 = vector.broadcast %select_n3A_139 : i32 to vector<512x256xi32>
    %rem3A_141 = arith.remsi %iota3A_134, %rem3A_140 : vector<512x256xi32>
    %ne3A_142 = arith.constant 0 : i32
    %ne3A_143 = vector.broadcast %ne3A_142 : i32 to vector<512x256xi32>
    %ne3A_144 = arith.cmpi ne, %rem3A_141, %ne3A_143 : vector<512x256xi32>
    %lt3A_145 = arith.constant 0 : i32
    %lt3A_146 = vector.broadcast %lt3A_145 : i32 to vector<512x256xi32>
    %lt3A_147 = arith.cmpi slt, %rem3A_141, %lt3A_146 : vector<512x256xi32>
    %lt3A_148 = arith.constant 0 : i32
    %lt3A_149 = arith.cmpi slt, %select_n3A_139, %lt3A_148 : i32
    %ne3A_150 = vector.broadcast %lt3A_149 : i1 to vector<512x256xi1>
    %ne3A_151 = vector.broadcast %ne3A_150 : vector<512x256xi1> to vector<512x256xi1>
    %ne3A_152 = arith.xori %lt3A_147, %ne3A_151 : vector<512x256xi1>
    %and3A_153 = arith.andi %ne3A_152, %ne3A_144 : vector<512x256xi1>
    %add3A_154 = vector.broadcast %select_n3A_139 : i32 to vector<512x256xi32>
    %add3A_155 = arith.addi %rem3A_141, %add3A_154 : vector<512x256xi32>
    %select_n3A_156 = arith.select %and3A_153, %add3A_155, %rem3A_141 : vector<512x256xi1>, vector<512x256xi32>
    %slice3A_157 = vector.extract_strided_slice %convert_element_type3A_133 {offsets = [0, 255], sizes = [512, 1], strides = [1, 1]} : vector<512x256xf32> to vector<512x1xf32>
    %slice3A_158 = vector.extract_strided_slice %convert_element_type3A_133 {offsets = [0, 0], sizes = [512, 255], strides = [1, 1]} : vector<512x256xf32> to vector<512x255xf32>
    %concatenate3A_159 = tpu.concatenate %slice3A_157, %slice3A_158 in 1 : vector<512x1xf32>, vector<512x255xf32> -> vector<512x256xf32>
    %ge3A_160 = arith.constant 1 : i32
    %ge3A_161 = vector.broadcast %ge3A_160 : i32 to vector<512x256xi32>
    %ge3A_162 = arith.cmpi sge, %select_n3A_156, %ge3A_161 : vector<512x256xi32>
    %jit3A_163 = arith.constant 0.000000e+00 : f32
    %broadcast_in_dim3A_164 = vector.broadcast %jit3A_163 : f32 to vector<512x256xf32>
    %select_n3A_165 = arith.select %ge3A_162, %concatenate3A_159, %broadcast_in_dim3A_164 : vector<512x256xi1>, vector<512x256xf32>
    %iota3A_166 = tpu.iota {dimensions = array<i32: 1>} : vector<512x256xi32>
    %jit3A_167 = arith.constant 64 : i32
    %eq3A_168 = arith.constant 0 : i32
    %eq3A_169 = arith.cmpi eq, %jit3A_167, %eq3A_168 : i32
    %jit3A_170 = arith.constant 1 : i32
    %select_n3A_171 = arith.select %eq3A_169, %jit3A_170, %jit3A_167 : i32
    %rem3A_172 = vector.broadcast %select_n3A_171 : i32 to vector<512x256xi32>
    %rem3A_173 = arith.remsi %iota3A_166, %rem3A_172 : vector<512x256xi32>
    %ne3A_174 = arith.constant 0 : i32
    %ne3A_175 = vector.broadcast %ne3A_174 : i32 to vector<512x256xi32>
    %ne3A_176 = arith.cmpi ne, %rem3A_173, %ne3A_175 : vector<512x256xi32>
    %lt3A_177 = arith.constant 0 : i32
    %lt3A_178 = vector.broadcast %lt3A_177 : i32 to vector<512x256xi32>
    %lt3A_179 = arith.cmpi slt, %rem3A_173, %lt3A_178 : vector<512x256xi32>
    %lt3A_180 = arith.constant 0 : i32
    %lt3A_181 = arith.cmpi slt, %select_n3A_171, %lt3A_180 : i32
    %ne3A_182 = vector.broadcast %lt3A_181 : i1 to vector<512x256xi1>
    %ne3A_183 = vector.broadcast %ne3A_182 : vector<512x256xi1> to vector<512x256xi1>
    %ne3A_184 = arith.xori %lt3A_179, %ne3A_183 : vector<512x256xi1>
    %and3A_185 = arith.andi %ne3A_184, %ne3A_176 : vector<512x256xi1>
    %add3A_186 = vector.broadcast %select_n3A_171 : i32 to vector<512x256xi32>
    %add3A_187 = arith.addi %rem3A_173, %add3A_186 : vector<512x256xi32>
    %select_n3A_188 = arith.select %and3A_185, %add3A_187, %rem3A_173 : vector<512x256xi1>, vector<512x256xi32>
    %slice3A_189 = vector.extract_strided_slice %convert_element_type3A_133 {offsets = [0, 1], sizes = [512, 255], strides = [1, 1]} : vector<512x256xf32> to vector<512x255xf32>
    %slice3A_190 = vector.extract_strided_slice %convert_element_type3A_133 {offsets = [0, 0], sizes = [512, 1], strides = [1, 1]} : vector<512x256xf32> to vector<512x1xf32>
    %concatenate3A_191 = tpu.concatenate %slice3A_189, %slice3A_190 in 1 : vector<512x255xf32>, vector<512x1xf32> -> vector<512x256xf32>
    %lt3A_192 = arith.constant 63 : i32
    %lt3A_193 = vector.broadcast %lt3A_192 : i32 to vector<512x256xi32>
    %lt3A_194 = arith.cmpi slt, %select_n3A_188, %lt3A_193 : vector<512x256xi32>
    %jit3A_195 = arith.constant 0.000000e+00 : f32
    %broadcast_in_dim3A_196 = vector.broadcast %jit3A_195 : f32 to vector<512x256xf32>
    %select_n3A_197 = arith.select %lt3A_194, %concatenate3A_191, %broadcast_in_dim3A_196 : vector<512x256xi1>, vector<512x256xf32>
    %convert_element_type3A_198 = arith.extf %get3A_120 : vector<512x1536xbf16> to vector<512x1536xf32>
    %slice3A_199 = vector.extract_strided_slice %convert_element_type3A_198 {offsets = [0, 0], sizes = [512, 512], strides = [1, 1]} : vector<512x1536xf32> to vector<512x512xf32>
    %dot_general3A_200 = arith.constant dense<0.000000e+00> : vector<512x256xf32>
    %dot_general3A_201 = tpu.matmul %slice3A_199, %select_n3A_165, %dot_general3A_200 {dimension_numbers = #tpu.dot_dimension_numbers<[1], [0], [0], [1], [0, 0, 1, 1], [], []>, precision = #tpu.contract_precision<fp32>, transpose_lhs_hint = false} : vector<512x512xf32>, vector<512x256xf32>, vector<512x256xf32> -> vector<512x256xf32>
    %slice3A_202 = vector.extract_strided_slice %convert_element_type3A_198 {offsets = [0, 512], sizes = [512, 512], strides = [1, 1]} : vector<512x1536xf32> to vector<512x512xf32>
    %dot_general3A_203 = arith.constant dense<0.000000e+00> : vector<512x256xf32>
    %dot_general3A_204 = tpu.matmul %slice3A_202, %convert_element_type3A_133, %dot_general3A_203 {dimension_numbers = #tpu.dot_dimension_numbers<[1], [0], [0], [1], [0, 0, 1, 1], [], []>, precision = #tpu.contract_precision<fp32>, transpose_lhs_hint = false} : vector<512x512xf32>, vector<512x256xf32>, vector<512x256xf32> -> vector<512x256xf32>
    %add3A_205 = arith.addf %dot_general3A_201, %dot_general3A_204 : vector<512x256xf32>
    %slice3A_206 = vector.extract_strided_slice %convert_element_type3A_198 {offsets = [0, 1024], sizes = [512, 512], strides = [1, 1]} : vector<512x1536xf32> to vector<512x512xf32>
    %dot_general3A_207 = arith.constant dense<0.000000e+00> : vector<512x256xf32>
    %dot_general3A_208 = tpu.matmul %slice3A_206, %select_n3A_197, %dot_general3A_207 {dimension_numbers = #tpu.dot_dimension_numbers<[1], [0], [0], [1], [0, 0, 1, 1], [], []>, precision = #tpu.contract_precision<fp32>, transpose_lhs_hint = false} : vector<512x512xf32>, vector<512x256xf32>, vector<512x256xf32> -> vector<512x256xf32>
    %add3A_209 = arith.addf %add3A_205, %dot_general3A_208 : vector<512x256xf32>
    %add3A_210 = vector.broadcast %get3A_123 : vector<512x1xf32> to vector<512x256xf32>
    %add3A_211 = arith.addf %add3A_209, %add3A_210 : vector<512x256xf32>
    %max3A_212 = arith.constant 0.000000e+00 : f32
    %max3A_213 = vector.broadcast %max3A_212 : f32 to vector<512x256xf32>
    %max3A_214 = arith.maximumf %add3A_211, %max3A_213 : vector<512x256xf32>
    %convert_element_type3A_215 = arith.extf %get3A_126 : vector<512x512xbf16> to vector<512x512xf32>
    %convert_element_type3A_216 = arith.truncf %max3A_214 : vector<512x256xf32> to vector<512x256xbf16>
    %convert_element_type3A_217 = arith.extf %convert_element_type3A_216 : vector<512x256xbf16> to vector<512x256xf32>
    %dot_general3A_218 = arith.constant dense<0.000000e+00> : vector<512x256xf32>
    %dot_general3A_219 = tpu.matmul %convert_element_type3A_215, %convert_element_type3A_217, %dot_general3A_218 {dimension_numbers = #tpu.dot_dimension_numbers<[1], [0], [0], [1], [0, 0, 1, 1], [], []>, precision = #tpu.contract_precision<fp32>, transpose_lhs_hint = false} : vector<512x512xf32>, vector<512x256xf32>, vector<512x256xf32> -> vector<512x256xf32>
    %add3A_220 = vector.broadcast %get3A_129 : vector<512x1xf32> to vector<512x256xf32>
    %add3A_221 = arith.addf %dot_general3A_219, %add3A_220 : vector<512x256xf32>
    %add3A_222 = arith.addf %add3A_117, %add3A_221 : vector<512x256xf32>
    %get3A_223 = arith.constant 0 : index
    %get3A_224 = arith.constant 0 : index
    %get3A_225 = vector.load %arg8[%get3A_223, %get3A_224] : memref<512x1536xbf16, #tpu.memory_space<vmem>>, vector<512x1536xbf16>
    %get3A_226 = arith.constant 0 : index
    %get3A_227 = arith.constant 0 : index
    %get3A_228 = vector.load %arg9[%get3A_226, %get3A_227] : memref<512x1xf32, #tpu.memory_space<vmem>>, vector<512x1xf32>
    %get3A_229 = arith.constant 0 : index
    %get3A_230 = arith.constant 0 : index
    %get3A_231 = vector.load %arg10[%get3A_229, %get3A_230] : memref<512x512xbf16, #tpu.memory_space<vmem>>, vector<512x512xbf16>
    %get3A_232 = arith.constant 0 : index
    %get3A_233 = arith.constant 0 : index
    %get3A_234 = vector.load %arg11[%get3A_232, %get3A_233] : memref<512x1xf32, #tpu.memory_space<vmem>>, vector<512x1xf32>
    %max3A_235 = arith.constant 0.000000e+00 : f32
    %max3A_236 = vector.broadcast %max3A_235 : f32 to vector<512x256xf32>
    %max3A_237 = arith.maximumf %add3A_222, %max3A_236 : vector<512x256xf32>
    %convert_element_type3A_238 = arith.truncf %max3A_237 : vector<512x256xf32> to vector<512x256xbf16>
    %convert_element_type3A_239 = arith.extf %convert_element_type3A_238 : vector<512x256xbf16> to vector<512x256xf32>
    %iota3A_240 = tpu.iota {dimensions = array<i32: 1>} : vector<512x256xi32>
    %jit3A_241 = arith.constant 64 : i32
    %eq3A_242 = arith.constant 0 : i32
    %eq3A_243 = arith.cmpi eq, %jit3A_241, %eq3A_242 : i32
    %jit3A_244 = arith.constant 1 : i32
    %select_n3A_245 = arith.select %eq3A_243, %jit3A_244, %jit3A_241 : i32
    %rem3A_246 = vector.broadcast %select_n3A_245 : i32 to vector<512x256xi32>
    %rem3A_247 = arith.remsi %iota3A_240, %rem3A_246 : vector<512x256xi32>
    %ne3A_248 = arith.constant 0 : i32
    %ne3A_249 = vector.broadcast %ne3A_248 : i32 to vector<512x256xi32>
    %ne3A_250 = arith.cmpi ne, %rem3A_247, %ne3A_249 : vector<512x256xi32>
    %lt3A_251 = arith.constant 0 : i32
    %lt3A_252 = vector.broadcast %lt3A_251 : i32 to vector<512x256xi32>
    %lt3A_253 = arith.cmpi slt, %rem3A_247, %lt3A_252 : vector<512x256xi32>
    %lt3A_254 = arith.constant 0 : i32
    %lt3A_255 = arith.cmpi slt, %select_n3A_245, %lt3A_254 : i32
    %ne3A_256 = vector.broadcast %lt3A_255 : i1 to vector<512x256xi1>
    %ne3A_257 = vector.broadcast %ne3A_256 : vector<512x256xi1> to vector<512x256xi1>
    %ne3A_258 = arith.xori %lt3A_253, %ne3A_257 : vector<512x256xi1>
    %and3A_259 = arith.andi %ne3A_258, %ne3A_250 : vector<512x256xi1>
    %add3A_260 = vector.broadcast %select_n3A_245 : i32 to vector<512x256xi32>
    %add3A_261 = arith.addi %rem3A_247, %add3A_260 : vector<512x256xi32>
    %select_n3A_262 = arith.select %and3A_259, %add3A_261, %rem3A_247 : vector<512x256xi1>, vector<512x256xi32>
    %slice3A_263 = vector.extract_strided_slice %convert_element_type3A_239 {offsets = [0, 253], sizes = [512, 3], strides = [1, 1]} : vector<512x256xf32> to vector<512x3xf32>
    %slice3A_264 = vector.extract_strided_slice %convert_element_type3A_239 {offsets = [0, 0], sizes = [512, 253], strides = [1, 1]} : vector<512x256xf32> to vector<512x253xf32>
    %concatenate3A_265 = tpu.concatenate %slice3A_263, %slice3A_264 in 1 : vector<512x3xf32>, vector<512x253xf32> -> vector<512x256xf32>
    %ge3A_266 = arith.constant 3 : i32
    %ge3A_267 = vector.broadcast %ge3A_266 : i32 to vector<512x256xi32>
    %ge3A_268 = arith.cmpi sge, %select_n3A_262, %ge3A_267 : vector<512x256xi32>
    %jit3A_269 = arith.constant 0.000000e+00 : f32
    %broadcast_in_dim3A_270 = vector.broadcast %jit3A_269 : f32 to vector<512x256xf32>
    %select_n3A_271 = arith.select %ge3A_268, %concatenate3A_265, %broadcast_in_dim3A_270 : vector<512x256xi1>, vector<512x256xf32>
    %iota3A_272 = tpu.iota {dimensions = array<i32: 1>} : vector<512x256xi32>
    %jit3A_273 = arith.constant 64 : i32
    %eq3A_274 = arith.constant 0 : i32
    %eq3A_275 = arith.cmpi eq, %jit3A_273, %eq3A_274 : i32
    %jit3A_276 = arith.constant 1 : i32
    %select_n3A_277 = arith.select %eq3A_275, %jit3A_276, %jit3A_273 : i32
    %rem3A_278 = vector.broadcast %select_n3A_277 : i32 to vector<512x256xi32>
    %rem3A_279 = arith.remsi %iota3A_272, %rem3A_278 : vector<512x256xi32>
    %ne3A_280 = arith.constant 0 : i32
    %ne3A_281 = vector.broadcast %ne3A_280 : i32 to vector<512x256xi32>
    %ne3A_282 = arith.cmpi ne, %rem3A_279, %ne3A_281 : vector<512x256xi32>
    %lt3A_283 = arith.constant 0 : i32
    %lt3A_284 = vector.broadcast %lt3A_283 : i32 to vector<512x256xi32>
    %lt3A_285 = arith.cmpi slt, %rem3A_279, %lt3A_284 : vector<512x256xi32>
    %lt3A_286 = arith.constant 0 : i32
    %lt3A_287 = arith.cmpi slt, %select_n3A_277, %lt3A_286 : i32
    %ne3A_288 = vector.broadcast %lt3A_287 : i1 to vector<512x256xi1>
    %ne3A_289 = vector.broadcast %ne3A_288 : vector<512x256xi1> to vector<512x256xi1>
    %ne3A_290 = arith.xori %lt3A_285, %ne3A_289 : vector<512x256xi1>
    %and3A_291 = arith.andi %ne3A_290, %ne3A_282 : vector<512x256xi1>
    %add3A_292 = vector.broadcast %select_n3A_277 : i32 to vector<512x256xi32>
    %add3A_293 = arith.addi %rem3A_279, %add3A_292 : vector<512x256xi32>
    %select_n3A_294 = arith.select %and3A_291, %add3A_293, %rem3A_279 : vector<512x256xi1>, vector<512x256xi32>
    %slice3A_295 = vector.extract_strided_slice %convert_element_type3A_239 {offsets = [0, 3], sizes = [512, 253], strides = [1, 1]} : vector<512x256xf32> to vector<512x253xf32>
    %slice3A_296 = vector.extract_strided_slice %convert_element_type3A_239 {offsets = [0, 0], sizes = [512, 3], strides = [1, 1]} : vector<512x256xf32> to vector<512x3xf32>
    %concatenate3A_297 = tpu.concatenate %slice3A_295, %slice3A_296 in 1 : vector<512x253xf32>, vector<512x3xf32> -> vector<512x256xf32>
    %lt3A_298 = arith.constant 61 : i32
    %lt3A_299 = vector.broadcast %lt3A_298 : i32 to vector<512x256xi32>
    %lt3A_300 = arith.cmpi slt, %select_n3A_294, %lt3A_299 : vector<512x256xi32>
    %jit3A_301 = arith.constant 0.000000e+00 : f32
    %broadcast_in_dim3A_302 = vector.broadcast %jit3A_301 : f32 to vector<512x256xf32>
    %select_n3A_303 = arith.select %lt3A_300, %concatenate3A_297, %broadcast_in_dim3A_302 : vector<512x256xi1>, vector<512x256xf32>
    %convert_element_type3A_304 = arith.extf %get3A_225 : vector<512x1536xbf16> to vector<512x1536xf32>
    %slice3A_305 = vector.extract_strided_slice %convert_element_type3A_304 {offsets = [0, 0], sizes = [512, 512], strides = [1, 1]} : vector<512x1536xf32> to vector<512x512xf32>
    %dot_general3A_306 = arith.constant dense<0.000000e+00> : vector<512x256xf32>
    %dot_general3A_307 = tpu.matmul %slice3A_305, %select_n3A_271, %dot_general3A_306 {dimension_numbers = #tpu.dot_dimension_numbers<[1], [0], [0], [1], [0, 0, 1, 1], [], []>, precision = #tpu.contract_precision<fp32>, transpose_lhs_hint = false} : vector<512x512xf32>, vector<512x256xf32>, vector<512x256xf32> -> vector<512x256xf32>
    %slice3A_308 = vector.extract_strided_slice %convert_element_type3A_304 {offsets = [0, 512], sizes = [512, 512], strides = [1, 1]} : vector<512x1536xf32> to vector<512x512xf32>
    %dot_general3A_309 = arith.constant dense<0.000000e+00> : vector<512x256xf32>
    %dot_general3A_310 = tpu.matmul %slice3A_308, %convert_element_type3A_239, %dot_general3A_309 {dimension_numbers = #tpu.dot_dimension_numbers<[1], [0], [0], [1], [0, 0, 1, 1], [], []>, precision = #tpu.contract_precision<fp32>, transpose_lhs_hint = false} : vector<512x512xf32>, vector<512x256xf32>, vector<512x256xf32> -> vector<512x256xf32>
    %add3A_311 = arith.addf %dot_general3A_307, %dot_general3A_310 : vector<512x256xf32>
    %slice3A_312 = vector.extract_strided_slice %convert_element_type3A_304 {offsets = [0, 1024], sizes = [512, 512], strides = [1, 1]} : vector<512x1536xf32> to vector<512x512xf32>
    %dot_general3A_313 = arith.constant dense<0.000000e+00> : vector<512x256xf32>
    %dot_general3A_314 = tpu.matmul %slice3A_312, %select_n3A_303, %dot_general3A_313 {dimension_numbers = #tpu.dot_dimension_numbers<[1], [0], [0], [1], [0, 0, 1, 1], [], []>, precision = #tpu.contract_precision<fp32>, transpose_lhs_hint = false} : vector<512x512xf32>, vector<512x256xf32>, vector<512x256xf32> -> vector<512x256xf32>
    %add3A_315 = arith.addf %add3A_311, %dot_general3A_314 : vector<512x256xf32>
    %add3A_316 = vector.broadcast %get3A_228 : vector<512x1xf32> to vector<512x256xf32>
    %add3A_317 = arith.addf %add3A_315, %add3A_316 : vector<512x256xf32>
    %max3A_318 = arith.constant 0.000000e+00 : f32
    %max3A_319 = vector.broadcast %max3A_318 : f32 to vector<512x256xf32>
    %max3A_320 = arith.maximumf %add3A_317, %max3A_319 : vector<512x256xf32>
    %convert_element_type3A_321 = arith.extf %get3A_231 : vector<512x512xbf16> to vector<512x512xf32>
    %convert_element_type3A_322 = arith.truncf %max3A_320 : vector<512x256xf32> to vector<512x256xbf16>
    %convert_element_type3A_323 = arith.extf %convert_element_type3A_322 : vector<512x256xbf16> to vector<512x256xf32>
    %dot_general3A_324 = arith.constant dense<0.000000e+00> : vector<512x256xf32>
    %dot_general3A_325 = tpu.matmul %convert_element_type3A_321, %convert_element_type3A_323, %dot_general3A_324 {dimension_numbers = #tpu.dot_dimension_numbers<[1], [0], [0], [1], [0, 0, 1, 1], [], []>, precision = #tpu.contract_precision<fp32>, transpose_lhs_hint = false} : vector<512x512xf32>, vector<512x256xf32>, vector<512x256xf32> -> vector<512x256xf32>
    %add3A_326 = vector.broadcast %get3A_234 : vector<512x1xf32> to vector<512x256xf32>
    %add3A_327 = arith.addf %dot_general3A_325, %add3A_326 : vector<512x256xf32>
    %add3A_328 = arith.addf %add3A_222, %add3A_327 : vector<512x256xf32>
    %get3A_329 = arith.constant 0 : index
    %get3A_330 = arith.constant 0 : index
    %get3A_331 = vector.load %arg12[%get3A_329, %get3A_330] : memref<512x1536xbf16, #tpu.memory_space<vmem>>, vector<512x1536xbf16>
    %get3A_332 = arith.constant 0 : index
    %get3A_333 = arith.constant 0 : index
    %get3A_334 = vector.load %arg13[%get3A_332, %get3A_333] : memref<512x1xf32, #tpu.memory_space<vmem>>, vector<512x1xf32>
    %get3A_335 = arith.constant 0 : index
    %get3A_336 = arith.constant 0 : index
    %get3A_337 = vector.load %arg14[%get3A_335, %get3A_336] : memref<512x512xbf16, #tpu.memory_space<vmem>>, vector<512x512xbf16>
    %get3A_338 = arith.constant 0 : index
    %get3A_339 = arith.constant 0 : index
    %get3A_340 = vector.load %arg15[%get3A_338, %get3A_339] : memref<512x1xf32, #tpu.memory_space<vmem>>, vector<512x1xf32>
    %max3A_341 = arith.constant 0.000000e+00 : f32
    %max3A_342 = vector.broadcast %max3A_341 : f32 to vector<512x256xf32>
    %max3A_343 = arith.maximumf %add3A_328, %max3A_342 : vector<512x256xf32>
    %convert_element_type3A_344 = arith.truncf %max3A_343 : vector<512x256xf32> to vector<512x256xbf16>
    %convert_element_type3A_345 = arith.extf %convert_element_type3A_344 : vector<512x256xbf16> to vector<512x256xf32>
    %iota3A_346 = tpu.iota {dimensions = array<i32: 1>} : vector<512x256xi32>
    %jit3A_347 = arith.constant 64 : i32
    %eq3A_348 = arith.constant 0 : i32
    %eq3A_349 = arith.cmpi eq, %jit3A_347, %eq3A_348 : i32
    %jit3A_350 = arith.constant 1 : i32
    %select_n3A_351 = arith.select %eq3A_349, %jit3A_350, %jit3A_347 : i32
    %rem3A_352 = vector.broadcast %select_n3A_351 : i32 to vector<512x256xi32>
    %rem3A_353 = arith.remsi %iota3A_346, %rem3A_352 : vector<512x256xi32>
    %ne3A_354 = arith.constant 0 : i32
    %ne3A_355 = vector.broadcast %ne3A_354 : i32 to vector<512x256xi32>
    %ne3A_356 = arith.cmpi ne, %rem3A_353, %ne3A_355 : vector<512x256xi32>
    %lt3A_357 = arith.constant 0 : i32
    %lt3A_358 = vector.broadcast %lt3A_357 : i32 to vector<512x256xi32>
    %lt3A_359 = arith.cmpi slt, %rem3A_353, %lt3A_358 : vector<512x256xi32>
    %lt3A_360 = arith.constant 0 : i32
    %lt3A_361 = arith.cmpi slt, %select_n3A_351, %lt3A_360 : i32
    %ne3A_362 = vector.broadcast %lt3A_361 : i1 to vector<512x256xi1>
    %ne3A_363 = vector.broadcast %ne3A_362 : vector<512x256xi1> to vector<512x256xi1>
    %ne3A_364 = arith.xori %lt3A_359, %ne3A_363 : vector<512x256xi1>
    %and3A_365 = arith.andi %ne3A_364, %ne3A_356 : vector<512x256xi1>
    %add3A_366 = vector.broadcast %select_n3A_351 : i32 to vector<512x256xi32>
    %add3A_367 = arith.addi %rem3A_353, %add3A_366 : vector<512x256xi32>
    %select_n3A_368 = arith.select %and3A_365, %add3A_367, %rem3A_353 : vector<512x256xi1>, vector<512x256xi32>
    %slice3A_369 = vector.extract_strided_slice %convert_element_type3A_345 {offsets = [0, 247], sizes = [512, 9], strides = [1, 1]} : vector<512x256xf32> to vector<512x9xf32>
    %slice3A_370 = vector.extract_strided_slice %convert_element_type3A_345 {offsets = [0, 0], sizes = [512, 247], strides = [1, 1]} : vector<512x256xf32> to vector<512x247xf32>
    %concatenate3A_371 = tpu.concatenate %slice3A_369, %slice3A_370 in 1 : vector<512x9xf32>, vector<512x247xf32> -> vector<512x256xf32>
    %ge3A_372 = arith.constant 9 : i32
    %ge3A_373 = vector.broadcast %ge3A_372 : i32 to vector<512x256xi32>
    %ge3A_374 = arith.cmpi sge, %select_n3A_368, %ge3A_373 : vector<512x256xi32>
    %jit3A_375 = arith.constant 0.000000e+00 : f32
    %broadcast_in_dim3A_376 = vector.broadcast %jit3A_375 : f32 to vector<512x256xf32>
    %select_n3A_377 = arith.select %ge3A_374, %concatenate3A_371, %broadcast_in_dim3A_376 : vector<512x256xi1>, vector<512x256xf32>
    %iota3A_378 = tpu.iota {dimensions = array<i32: 1>} : vector<512x256xi32>
    %jit3A_379 = arith.constant 64 : i32
    %eq3A_380 = arith.constant 0 : i32
    %eq3A_381 = arith.cmpi eq, %jit3A_379, %eq3A_380 : i32
    %jit3A_382 = arith.constant 1 : i32
    %select_n3A_383 = arith.select %eq3A_381, %jit3A_382, %jit3A_379 : i32
    %rem3A_384 = vector.broadcast %select_n3A_383 : i32 to vector<512x256xi32>
    %rem3A_385 = arith.remsi %iota3A_378, %rem3A_384 : vector<512x256xi32>
    %ne3A_386 = arith.constant 0 : i32
    %ne3A_387 = vector.broadcast %ne3A_386 : i32 to vector<512x256xi32>
    %ne3A_388 = arith.cmpi ne, %rem3A_385, %ne3A_387 : vector<512x256xi32>
    %lt3A_389 = arith.constant 0 : i32
    %lt3A_390 = vector.broadcast %lt3A_389 : i32 to vector<512x256xi32>
    %lt3A_391 = arith.cmpi slt, %rem3A_385, %lt3A_390 : vector<512x256xi32>
    %lt3A_392 = arith.constant 0 : i32
    %lt3A_393 = arith.cmpi slt, %select_n3A_383, %lt3A_392 : i32
    %ne3A_394 = vector.broadcast %lt3A_393 : i1 to vector<512x256xi1>
    %ne3A_395 = vector.broadcast %ne3A_394 : vector<512x256xi1> to vector<512x256xi1>
    %ne3A_396 = arith.xori %lt3A_391, %ne3A_395 : vector<512x256xi1>
    %and3A_397 = arith.andi %ne3A_396, %ne3A_388 : vector<512x256xi1>
    %add3A_398 = vector.broadcast %select_n3A_383 : i32 to vector<512x256xi32>
    %add3A_399 = arith.addi %rem3A_385, %add3A_398 : vector<512x256xi32>
    %select_n3A_400 = arith.select %and3A_397, %add3A_399, %rem3A_385 : vector<512x256xi1>, vector<512x256xi32>
    %slice3A_401 = vector.extract_strided_slice %convert_element_type3A_345 {offsets = [0, 9], sizes = [512, 247], strides = [1, 1]} : vector<512x256xf32> to vector<512x247xf32>
    %slice3A_402 = vector.extract_strided_slice %convert_element_type3A_345 {offsets = [0, 0], sizes = [512, 9], strides = [1, 1]} : vector<512x256xf32> to vector<512x9xf32>
    %concatenate3A_403 = tpu.concatenate %slice3A_401, %slice3A_402 in 1 : vector<512x247xf32>, vector<512x9xf32> -> vector<512x256xf32>
    %lt3A_404 = arith.constant 55 : i32
    %lt3A_405 = vector.broadcast %lt3A_404 : i32 to vector<512x256xi32>
    %lt3A_406 = arith.cmpi slt, %select_n3A_400, %lt3A_405 : vector<512x256xi32>
    %jit3A_407 = arith.constant 0.000000e+00 : f32
    %broadcast_in_dim3A_408 = vector.broadcast %jit3A_407 : f32 to vector<512x256xf32>
    %select_n3A_409 = arith.select %lt3A_406, %concatenate3A_403, %broadcast_in_dim3A_408 : vector<512x256xi1>, vector<512x256xf32>
    %convert_element_type3A_410 = arith.extf %get3A_331 : vector<512x1536xbf16> to vector<512x1536xf32>
    %slice3A_411 = vector.extract_strided_slice %convert_element_type3A_410 {offsets = [0, 0], sizes = [512, 512], strides = [1, 1]} : vector<512x1536xf32> to vector<512x512xf32>
    %dot_general3A_412 = arith.constant dense<0.000000e+00> : vector<512x256xf32>
    %dot_general3A_413 = tpu.matmul %slice3A_411, %select_n3A_377, %dot_general3A_412 {dimension_numbers = #tpu.dot_dimension_numbers<[1], [0], [0], [1], [0, 0, 1, 1], [], []>, precision = #tpu.contract_precision<fp32>, transpose_lhs_hint = false} : vector<512x512xf32>, vector<512x256xf32>, vector<512x256xf32> -> vector<512x256xf32>
    %slice3A_414 = vector.extract_strided_slice %convert_element_type3A_410 {offsets = [0, 512], sizes = [512, 512], strides = [1, 1]} : vector<512x1536xf32> to vector<512x512xf32>
    %dot_general3A_415 = arith.constant dense<0.000000e+00> : vector<512x256xf32>
    %dot_general3A_416 = tpu.matmul %slice3A_414, %convert_element_type3A_345, %dot_general3A_415 {dimension_numbers = #tpu.dot_dimension_numbers<[1], [0], [0], [1], [0, 0, 1, 1], [], []>, precision = #tpu.contract_precision<fp32>, transpose_lhs_hint = false} : vector<512x512xf32>, vector<512x256xf32>, vector<512x256xf32> -> vector<512x256xf32>
    %add3A_417 = arith.addf %dot_general3A_413, %dot_general3A_416 : vector<512x256xf32>
    %slice3A_418 = vector.extract_strided_slice %convert_element_type3A_410 {offsets = [0, 1024], sizes = [512, 512], strides = [1, 1]} : vector<512x1536xf32> to vector<512x512xf32>
    %dot_general3A_419 = arith.constant dense<0.000000e+00> : vector<512x256xf32>
    %dot_general3A_420 = tpu.matmul %slice3A_418, %select_n3A_409, %dot_general3A_419 {dimension_numbers = #tpu.dot_dimension_numbers<[1], [0], [0], [1], [0, 0, 1, 1], [], []>, precision = #tpu.contract_precision<fp32>, transpose_lhs_hint = false} : vector<512x512xf32>, vector<512x256xf32>, vector<512x256xf32> -> vector<512x256xf32>
    %add3A_421 = arith.addf %add3A_417, %dot_general3A_420 : vector<512x256xf32>
    %add3A_422 = vector.broadcast %get3A_334 : vector<512x1xf32> to vector<512x256xf32>
    %add3A_423 = arith.addf %add3A_421, %add3A_422 : vector<512x256xf32>
    %max3A_424 = arith.constant 0.000000e+00 : f32
    %max3A_425 = vector.broadcast %max3A_424 : f32 to vector<512x256xf32>
    %max3A_426 = arith.maximumf %add3A_423, %max3A_425 : vector<512x256xf32>
    %convert_element_type3A_427 = arith.extf %get3A_337 : vector<512x512xbf16> to vector<512x512xf32>
    %convert_element_type3A_428 = arith.truncf %max3A_426 : vector<512x256xf32> to vector<512x256xbf16>
    %convert_element_type3A_429 = arith.extf %convert_element_type3A_428 : vector<512x256xbf16> to vector<512x256xf32>
    %dot_general3A_430 = arith.constant dense<0.000000e+00> : vector<512x256xf32>
    %dot_general3A_431 = tpu.matmul %convert_element_type3A_427, %convert_element_type3A_429, %dot_general3A_430 {dimension_numbers = #tpu.dot_dimension_numbers<[1], [0], [0], [1], [0, 0, 1, 1], [], []>, precision = #tpu.contract_precision<fp32>, transpose_lhs_hint = false} : vector<512x512xf32>, vector<512x256xf32>, vector<512x256xf32> -> vector<512x256xf32>
    %add3A_432 = vector.broadcast %get3A_340 : vector<512x1xf32> to vector<512x256xf32>
    %add3A_433 = arith.addf %dot_general3A_431, %add3A_432 : vector<512x256xf32>
    %add3A_434 = arith.addf %add3A_328, %add3A_433 : vector<512x256xf32>
    %get3A_435 = arith.constant 0 : index
    %get3A_436 = arith.constant 0 : index
    %get3A_437 = vector.load %arg16[%get3A_435, %get3A_436] : memref<512x1536xbf16, #tpu.memory_space<vmem>>, vector<512x1536xbf16>
    %get3A_438 = arith.constant 0 : index
    %get3A_439 = arith.constant 0 : index
    %get3A_440 = vector.load %arg17[%get3A_438, %get3A_439] : memref<512x1xf32, #tpu.memory_space<vmem>>, vector<512x1xf32>
    %convert_element_type3A_441 = arith.truncf %add3A_434 : vector<512x256xf32> to vector<512x256xbf16>
    %convert_element_type3A_442 = arith.extf %convert_element_type3A_441 : vector<512x256xbf16> to vector<512x256xf32>
    %iota3A_443 = tpu.iota {dimensions = array<i32: 1>} : vector<512x256xi32>
    %jit3A_444 = arith.constant 64 : i32
    %eq3A_445 = arith.constant 0 : i32
    %eq3A_446 = arith.cmpi eq, %jit3A_444, %eq3A_445 : i32
    %jit3A_447 = arith.constant 1 : i32
    %select_n3A_448 = arith.select %eq3A_446, %jit3A_447, %jit3A_444 : i32
    %rem3A_449 = vector.broadcast %select_n3A_448 : i32 to vector<512x256xi32>
    %rem3A_450 = arith.remsi %iota3A_443, %rem3A_449 : vector<512x256xi32>
    %ne3A_451 = arith.constant 0 : i32
    %ne3A_452 = vector.broadcast %ne3A_451 : i32 to vector<512x256xi32>
    %ne3A_453 = arith.cmpi ne, %rem3A_450, %ne3A_452 : vector<512x256xi32>
    %lt3A_454 = arith.constant 0 : i32
    %lt3A_455 = vector.broadcast %lt3A_454 : i32 to vector<512x256xi32>
    %lt3A_456 = arith.cmpi slt, %rem3A_450, %lt3A_455 : vector<512x256xi32>
    %lt3A_457 = arith.constant 0 : i32
    %lt3A_458 = arith.cmpi slt, %select_n3A_448, %lt3A_457 : i32
    %ne3A_459 = vector.broadcast %lt3A_458 : i1 to vector<512x256xi1>
    %ne3A_460 = vector.broadcast %ne3A_459 : vector<512x256xi1> to vector<512x256xi1>
    %ne3A_461 = arith.xori %lt3A_456, %ne3A_460 : vector<512x256xi1>
    %and3A_462 = arith.andi %ne3A_461, %ne3A_453 : vector<512x256xi1>
    %add3A_463 = vector.broadcast %select_n3A_448 : i32 to vector<512x256xi32>
    %add3A_464 = arith.addi %rem3A_450, %add3A_463 : vector<512x256xi32>
    %select_n3A_465 = arith.select %and3A_462, %add3A_464, %rem3A_450 : vector<512x256xi1>, vector<512x256xi32>
    %slice3A_466 = vector.extract_strided_slice %convert_element_type3A_442 {offsets = [0, 255], sizes = [512, 1], strides = [1, 1]} : vector<512x256xf32> to vector<512x1xf32>
    %slice3A_467 = vector.extract_strided_slice %convert_element_type3A_442 {offsets = [0, 0], sizes = [512, 255], strides = [1, 1]} : vector<512x256xf32> to vector<512x255xf32>
    %concatenate3A_468 = tpu.concatenate %slice3A_466, %slice3A_467 in 1 : vector<512x1xf32>, vector<512x255xf32> -> vector<512x256xf32>
    %ge3A_469 = arith.constant 1 : i32
    %ge3A_470 = vector.broadcast %ge3A_469 : i32 to vector<512x256xi32>
    %ge3A_471 = arith.cmpi sge, %select_n3A_465, %ge3A_470 : vector<512x256xi32>
    %jit3A_472 = arith.constant 0.000000e+00 : f32
    %broadcast_in_dim3A_473 = vector.broadcast %jit3A_472 : f32 to vector<512x256xf32>
    %select_n3A_474 = arith.select %ge3A_471, %concatenate3A_468, %broadcast_in_dim3A_473 : vector<512x256xi1>, vector<512x256xf32>
    %iota3A_475 = tpu.iota {dimensions = array<i32: 1>} : vector<512x256xi32>
    %jit3A_476 = arith.constant 64 : i32
    %eq3A_477 = arith.constant 0 : i32
    %eq3A_478 = arith.cmpi eq, %jit3A_476, %eq3A_477 : i32
    %jit3A_479 = arith.constant 1 : i32
    %select_n3A_480 = arith.select %eq3A_478, %jit3A_479, %jit3A_476 : i32
    %rem3A_481 = vector.broadcast %select_n3A_480 : i32 to vector<512x256xi32>
    %rem3A_482 = arith.remsi %iota3A_475, %rem3A_481 : vector<512x256xi32>
    %ne3A_483 = arith.constant 0 : i32
    %ne3A_484 = vector.broadcast %ne3A_483 : i32 to vector<512x256xi32>
    %ne3A_485 = arith.cmpi ne, %rem3A_482, %ne3A_484 : vector<512x256xi32>
    %lt3A_486 = arith.constant 0 : i32
    %lt3A_487 = vector.broadcast %lt3A_486 : i32 to vector<512x256xi32>
    %lt3A_488 = arith.cmpi slt, %rem3A_482, %lt3A_487 : vector<512x256xi32>
    %lt3A_489 = arith.constant 0 : i32
    %lt3A_490 = arith.cmpi slt, %select_n3A_480, %lt3A_489 : i32
    %ne3A_491 = vector.broadcast %lt3A_490 : i1 to vector<512x256xi1>
    %ne3A_492 = vector.broadcast %ne3A_491 : vector<512x256xi1> to vector<512x256xi1>
    %ne3A_493 = arith.xori %lt3A_488, %ne3A_492 : vector<512x256xi1>
    %and3A_494 = arith.andi %ne3A_493, %ne3A_485 : vector<512x256xi1>
    %add3A_495 = vector.broadcast %select_n3A_480 : i32 to vector<512x256xi32>
    %add3A_496 = arith.addi %rem3A_482, %add3A_495 : vector<512x256xi32>
    %select_n3A_497 = arith.select %and3A_494, %add3A_496, %rem3A_482 : vector<512x256xi1>, vector<512x256xi32>
    %slice3A_498 = vector.extract_strided_slice %convert_element_type3A_442 {offsets = [0, 1], sizes = [512, 255], strides = [1, 1]} : vector<512x256xf32> to vector<512x255xf32>
    %slice3A_499 = vector.extract_strided_slice %convert_element_type3A_442 {offsets = [0, 0], sizes = [512, 1], strides = [1, 1]} : vector<512x256xf32> to vector<512x1xf32>
    %concatenate3A_500 = tpu.concatenate %slice3A_498, %slice3A_499 in 1 : vector<512x255xf32>, vector<512x1xf32> -> vector<512x256xf32>
    %lt3A_501 = arith.constant 63 : i32
    %lt3A_502 = vector.broadcast %lt3A_501 : i32 to vector<512x256xi32>
    %lt3A_503 = arith.cmpi slt, %select_n3A_497, %lt3A_502 : vector<512x256xi32>
    %jit3A_504 = arith.constant 0.000000e+00 : f32
    %broadcast_in_dim3A_505 = vector.broadcast %jit3A_504 : f32 to vector<512x256xf32>
    %select_n3A_506 = arith.select %lt3A_503, %concatenate3A_500, %broadcast_in_dim3A_505 : vector<512x256xi1>, vector<512x256xf32>
    %convert_element_type3A_507 = arith.extf %get3A_437 : vector<512x1536xbf16> to vector<512x1536xf32>
    %slice3A_508 = vector.extract_strided_slice %convert_element_type3A_507 {offsets = [0, 0], sizes = [512, 512], strides = [1, 1]} : vector<512x1536xf32> to vector<512x512xf32>
    %dot_general3A_509 = arith.constant dense<0.000000e+00> : vector<512x256xf32>
    %dot_general3A_510 = tpu.matmul %slice3A_508, %select_n3A_474, %dot_general3A_509 {dimension_numbers = #tpu.dot_dimension_numbers<[1], [0], [0], [1], [0, 0, 1, 1], [], []>, precision = #tpu.contract_precision<fp32>, transpose_lhs_hint = false} : vector<512x512xf32>, vector<512x256xf32>, vector<512x256xf32> -> vector<512x256xf32>
    %slice3A_511 = vector.extract_strided_slice %convert_element_type3A_507 {offsets = [0, 512], sizes = [512, 512], strides = [1, 1]} : vector<512x1536xf32> to vector<512x512xf32>
    %dot_general3A_512 = arith.constant dense<0.000000e+00> : vector<512x256xf32>
    %dot_general3A_513 = tpu.matmul %slice3A_511, %convert_element_type3A_442, %dot_general3A_512 {dimension_numbers = #tpu.dot_dimension_numbers<[1], [0], [0], [1], [0, 0, 1, 1], [], []>, precision = #tpu.contract_precision<fp32>, transpose_lhs_hint = false} : vector<512x512xf32>, vector<512x256xf32>, vector<512x256xf32> -> vector<512x256xf32>
    %add3A_514 = arith.addf %dot_general3A_510, %dot_general3A_513 : vector<512x256xf32>
    %slice3A_515 = vector.extract_strided_slice %convert_element_type3A_507 {offsets = [0, 1024], sizes = [512, 512], strides = [1, 1]} : vector<512x1536xf32> to vector<512x512xf32>
    %dot_general3A_516 = arith.constant dense<0.000000e+00> : vector<512x256xf32>
    %dot_general3A_517 = tpu.matmul %slice3A_515, %select_n3A_506, %dot_general3A_516 {dimension_numbers = #tpu.dot_dimension_numbers<[1], [0], [0], [1], [0, 0, 1, 1], [], []>, precision = #tpu.contract_precision<fp32>, transpose_lhs_hint = false} : vector<512x512xf32>, vector<512x256xf32>, vector<512x256xf32> -> vector<512x256xf32>
    %add3A_518 = arith.addf %add3A_514, %dot_general3A_517 : vector<512x256xf32>
    %add3A_519 = vector.broadcast %get3A_440 : vector<512x1xf32> to vector<512x256xf32>
    %add3A_520 = arith.addf %add3A_518, %add3A_519 : vector<512x256xf32>
    %swap3A = arith.constant 0 : index
    %swap3A_521 = arith.constant 0 : index
    %swap3A_522 = vector.load %arg18[%swap3A, %swap3A_521] : memref<512x256xf32, #tpu.memory_space<vmem>>, vector<512x256xf32>
    tpu.vector_store %arg18[%swap3A, %swap3A_521], %add3A_520 {strides = array<i32>} : memref<512x256xf32, #tpu.memory_space<vmem>>, vector<512x256xf32>,
    return
  }
  func.func @transform_0(%arg0: i32) -> (i32, i32) {
    %c0_i32 = arith.constant 0 : i32
    %c0_i32_0 = arith.constant 0 : i32
    return %c0_i32, %arg0 : i32, i32
  }
  func.func @transform_1(%arg0: i32) -> (i32, i32) {
    %c0_i32 = arith.constant 0 : i32
    %c0_i32_0 = arith.constant 0 : i32
    %c0_i32_1 = arith.constant 0 : i32
    return %c0_i32, %c0_i32_0 : i32, i32
  }
  func.func @transform_2(%arg0: i32) -> (i32, i32) {
    %c0_i32 = arith.constant 0 : i32
    %c0_i32_0 = arith.constant 0 : i32
    %c0_i32_1 = arith.constant 0 : i32
    return %c0_i32, %c0_i32_0 : i32, i32
  }
  func.func @transform_3(%arg0: i32) -> (i32, i32) {
    %c0_i32 = arith.constant 0 : i32
    %c0_i32_0 = arith.constant 0 : i32
    %c0_i32_1 = arith.constant 0 : i32
    return %c0_i32, %c0_i32_0 : i32, i32
  }
  func.func @transform_4(%arg0: i32) -> (i32, i32) {
    %c0_i32 = arith.constant 0 : i32
    %c0_i32_0 = arith.constant 0 : i32
    %c0_i32_1 = arith.constant 0 : i32
    return %c0_i32, %c0_i32_0 : i32, i32
  }
  func.func @transform_5(%arg0: i32) -> (i32, i32) {
    %c0_i32 = arith.constant 0 : i32
    %c0_i32_0 = arith.constant 0 : i32
    %c0_i32_1 = arith.constant 0 : i32
    return %c0_i32, %c0_i32_0 : i32, i32
  }
  func.func @transform_6(%arg0: i32) -> (i32, i32) {
    %c0_i32 = arith.constant 0 : i32
    %c0_i32_0 = arith.constant 0 : i32
    %c0_i32_1 = arith.constant 0 : i32
    return %c0_i32, %c0_i32_0 : i32, i32
  }
  func.func @transform_7(%arg0: i32) -> (i32, i32) {
    %c0_i32 = arith.constant 0 : i32
    %c0_i32_0 = arith.constant 0 : i32
    %c0_i32_1 = arith.constant 0 : i32
    return %c0_i32, %c0_i32_0 : i32, i32
  }
  func.func @transform_8(%arg0: i32) -> (i32, i32) {
    %c0_i32 = arith.constant 0 : i32
    %c0_i32_0 = arith.constant 0 : i32
    %c0_i32_1 = arith.constant 0 : i32
    return %c0_i32, %c0_i32_0 : i32, i32
  }
  func.func @transform_9(%arg0: i32) -> (i32, i32) {
    %c0_i32 = arith.constant 0 : i32
    %c0_i32_0 = arith.constant 0 : i32
    %c0_i32_1 = arith.constant 0 : i32
    return %c0_i32, %c0_i32_0 : i32, i32
  }
  func.func @transform_10(%arg0: i32) -> (i32, i32) {
    %c0_i32 = arith.constant 0 : i32
    %c0_i32_0 = arith.constant 0 : i32
    %c0_i32_1 = arith.constant 0 : i32
    return %c0_i32, %c0_i32_0 : i32, i32
  }
  func.func @transform_11(%arg0: i32) -> (i32, i32) {
    %c0_i32 = arith.constant 0 : i32
    %c0_i32_0 = arith.constant 0 : i32
    %c0_i32_1 = arith.constant 0 : i32
    return %c0_i32, %c0_i32_0 : i32, i32
  }
  func.func @transform_12(%arg0: i32) -> (i32, i32) {
    %c0_i32 = arith.constant 0 : i32
    %c0_i32_0 = arith.constant 0 : i32
    %c0_i32_1 = arith.constant 0 : i32
    return %c0_i32, %c0_i32_0 : i32, i32
  }
  func.func @transform_13(%arg0: i32) -> (i32, i32) {
    %c0_i32 = arith.constant 0 : i32
    %c0_i32_0 = arith.constant 0 : i32
    %c0_i32_1 = arith.constant 0 : i32
    return %c0_i32, %c0_i32_0 : i32, i32
  }
  func.func @transform_14(%arg0: i32) -> (i32, i32) {
    %c0_i32 = arith.constant 0 : i32
    %c0_i32_0 = arith.constant 0 : i32
    %c0_i32_1 = arith.constant 0 : i32
    return %c0_i32, %c0_i32_0 : i32, i32
  }
  func.func @transform_15(%arg0: i32) -> (i32, i32) {
    %c0_i32 = arith.constant 0 : i32
    %c0_i32_0 = arith.constant 0 : i32
    %c0_i32_1 = arith.constant 0 : i32
    return %c0_i32, %c0_i32_0 : i32, i32
  }
  func.func @transform_16(%arg0: i32) -> (i32, i32) {
    %c0_i32 = arith.constant 0 : i32
    %c0_i32_0 = arith.constant 0 : i32
    %c0_i32_1 = arith.constant 0 : i32
    return %c0_i32, %c0_i32_0 : i32, i32
  }
  func.func @transform_17(%arg0: i32) -> (i32, i32) {
    %c0_i32 = arith.constant 0 : i32
    %c0_i32_0 = arith.constant 0 : i32
    return %c0_i32, %arg0 : i32, i32
  }
}

module attributes {stable_mosaic.version = 14 : i64} {
  func.func @body(%arg0: i32, %arg1: memref<2x7x256xf32, #tpu.memory_space<vmem>>, %arg2: memref<512x12xf32, #tpu.memory_space<vmem>>, %arg3: memref<512x1xf32, #tpu.memory_space<vmem>>, %arg4: memref<512x2048xbf16, #tpu.memory_space<vmem>>, %arg5: memref<512x1xf32, #tpu.memory_space<vmem>>, %arg6: memref<512x1536xbf16, #tpu.memory_space<vmem>>, %arg7: memref<512x1xf32, #tpu.memory_space<vmem>>, %arg8: memref<512x512xbf16, #tpu.memory_space<vmem>>, %arg9: memref<512x1xf32, #tpu.memory_space<vmem>>, %arg10: memref<512x1536xbf16, #tpu.memory_space<vmem>>, %arg11: memref<512x1xf32, #tpu.memory_space<vmem>>, %arg12: memref<512x512xbf16, #tpu.memory_space<vmem>>, %arg13: memref<512x1xf32, #tpu.memory_space<vmem>>, %arg14: memref<512x1536xbf16, #tpu.memory_space<vmem>>, %arg15: memref<512x1xf32, #tpu.memory_space<vmem>>, %arg16: memref<512x512xbf16, #tpu.memory_space<vmem>>, %arg17: memref<512x1xf32, #tpu.memory_space<vmem>>, %arg18: memref<512x256xf32, #tpu.memory_space<vmem>>) attributes {dimension_semantics = [#tpu.dimension_semantics<parallel>], iteration_bounds = array<i64: 16>, scalar_prefetch = 0 : i64, scratch_operands = 0 : i64, tpu.core_type = #tpu.core_type<tc>, window_params = [{transform_indices = @transform_0, window_bounds = array<i64: 2, 7, 256>}, {pipeline_mode = #tpu.pipeline_mode<synchronous>, transform_indices = @transform_1, window_bounds = array<i64: 512, 12>}, {pipeline_mode = #tpu.pipeline_mode<synchronous>, transform_indices = @transform_2, window_bounds = array<i64: 512, 1>}, {pipeline_mode = #tpu.pipeline_mode<synchronous>, transform_indices = @transform_3, window_bounds = array<i64: 512, 2048>}, {pipeline_mode = #tpu.pipeline_mode<synchronous>, transform_indices = @transform_4, window_bounds = array<i64: 512, 1>}, {pipeline_mode = #tpu.pipeline_mode<synchronous>, transform_indices = @transform_5, window_bounds = array<i64: 512, 1536>}, {pipeline_mode = #tpu.pipeline_mode<synchronous>, transform_indices = @transform_6, window_bounds = array<i64: 512, 1>}, {pipeline_mode = #tpu.pipeline_mode<synchronous>, transform_indices = @transform_7, window_bounds = array<i64: 512, 512>}, {pipeline_mode = #tpu.pipeline_mode<synchronous>, transform_indices = @transform_8, window_bounds = array<i64: 512, 1>}, {pipeline_mode = #tpu.pipeline_mode<synchronous>, transform_indices = @transform_9, window_bounds = array<i64: 512, 1536>}, {pipeline_mode = #tpu.pipeline_mode<synchronous>, transform_indices = @transform_10, window_bounds = array<i64: 512, 1>}, {pipeline_mode = #tpu.pipeline_mode<synchronous>, transform_indices = @transform_11, window_bounds = array<i64: 512, 512>}, {pipeline_mode = #tpu.pipeline_mode<synchronous>, transform_indices = @transform_12, window_bounds = array<i64: 512, 1>}, {pipeline_mode = #tpu.pipeline_mode<synchronous>, transform_indices = @transform_13, window_bounds = array<i64: 512, 1536>}, {pipeline_mode = #tpu.pipeline_mode<synchronous>, transform_indices = @transform_14, window_bounds = array<i64: 512, 1>}, {pipeline_mode = #tpu.pipeline_mode<synchronous>, transform_indices = @transform_15, window_bounds = array<i64: 512, 512>}, {pipeline_mode = #tpu.pipeline_mode<synchronous>, transform_indices = @transform_16, window_bounds = array<i64: 512, 1>}, {transform_indices = @transform_17, window_bounds = array<i64: 512, 256>}]} {
    %get3A = arith.constant 0 : index
    %get3A_0 = arith.constant 0 : index
    %get3A_1 = arith.constant 0 : index
    %get3A_2 = vector.load %arg1[%get3A, %get3A_0, %get3A_1] : memref<2x7x256xf32, #tpu.memory_space<vmem>>, vector<1x7x256xf32>
    %get3A_3 = vector.shape_cast %get3A_2 : vector<1x7x256xf32> to vector<7x256xf32>
    %slice3A = vector.extract_strided_slice %get3A_3 {offsets = [0, 0], sizes = [1, 256], strides = [1, 1]} : vector<7x256xf32> to vector<1x256xf32>
    %slice3A_4 = vector.extract_strided_slice %get3A_3 {offsets = [1, 0], sizes = [1, 256], strides = [1, 1]} : vector<7x256xf32> to vector<1x256xf32>
    %slice3A_5 = vector.extract_strided_slice %get3A_3 {offsets = [2, 0], sizes = [1, 256], strides = [1, 1]} : vector<7x256xf32> to vector<1x256xf32>
    %slice3A_6 = vector.extract_strided_slice %get3A_3 {offsets = [3, 0], sizes = [1, 256], strides = [1, 1]} : vector<7x256xf32> to vector<1x256xf32>
    %mul3A = arith.mulf %slice3A, %slice3A : vector<1x256xf32>
    %mul3A_7 = arith.mulf %slice3A_4, %slice3A_4 : vector<1x256xf32>
    %add3A = arith.addf %mul3A, %mul3A_7 : vector<1x256xf32>
    %mul3A_8 = arith.mulf %slice3A_5, %slice3A_5 : vector<1x256xf32>
    %add3A_9 = arith.addf %add3A, %mul3A_8 : vector<1x256xf32>
    %mul3A_10 = arith.mulf %slice3A_6, %slice3A_6 : vector<1x256xf32>
    %add3A_11 = arith.addf %add3A_9, %mul3A_10 : vector<1x256xf32>
    %div3A = arith.constant 2.000000e+00 : f32
    %div3A_12 = vector.broadcast %div3A : f32 to vector<1x256xf32>
    %div3A_13 = arith.divf %div3A_12, %add3A_11 : vector<1x256xf32>
    %mul3A_14 = arith.mulf %slice3A_5, %slice3A_5 : vector<1x256xf32>
    %mul3A_15 = arith.mulf %slice3A_6, %slice3A_6 : vector<1x256xf32>
    %add3A_16 = arith.addf %mul3A_14, %mul3A_15 : vector<1x256xf32>
    %mul3A_17 = arith.mulf %div3A_13, %add3A_16 : vector<1x256xf32>
    %sub3A = arith.constant 1.000000e+00 : f32
    %sub3A_18 = vector.broadcast %sub3A : f32 to vector<1x256xf32>
    %sub3A_19 = arith.subf %sub3A_18, %mul3A_17 : vector<1x256xf32>
    %mul3A_20 = arith.mulf %slice3A_4, %slice3A_6 : vector<1x256xf32>
    %mul3A_21 = arith.mulf %slice3A_5, %slice3A : vector<1x256xf32>
    %add3A_22 = arith.addf %mul3A_20, %mul3A_21 : vector<1x256xf32>
    %mul3A_23 = arith.mulf %div3A_13, %add3A_22 : vector<1x256xf32>
    %slice3A_24 = vector.extract_strided_slice %get3A_3 {offsets = [4, 0], sizes = [1, 256], strides = [1, 1]} : vector<7x256xf32> to vector<1x256xf32>
    %slice3A_25 = vector.extract_strided_slice %get3A_3 {offsets = [6, 0], sizes = [1, 256], strides = [1, 1]} : vector<7x256xf32> to vector<1x256xf32>
    %concatenate3A = tpu.concatenate %slice3A_24, %slice3A_25, %sub3A_19, %mul3A_23 in 0 : vector<1x256xf32>, vector<1x256xf32>, vector<1x256xf32>, vector<1x256xf32> -> vector<4x256xf32>
    %get3A_26 = arith.constant 1 : index
    %get3A_27 = arith.constant 0 : index
    %get3A_28 = arith.constant 0 : index
    %get3A_29 = vector.load %arg1[%get3A_26, %get3A_27, %get3A_28] : memref<2x7x256xf32, #tpu.memory_space<vmem>>, vector<1x7x256xf32>
    %get3A_30 = vector.shape_cast %get3A_29 : vector<1x7x256xf32> to vector<7x256xf32>
    %slice3A_31 = vector.extract_strided_slice %get3A_30 {offsets = [0, 0], sizes = [1, 256], strides = [1, 1]} : vector<7x256xf32> to vector<1x256xf32>
    %slice3A_32 = vector.extract_strided_slice %get3A_30 {offsets = [1, 0], sizes = [1, 256], strides = [1, 1]} : vector<7x256xf32> to vector<1x256xf32>
    %slice3A_33 = vector.extract_strided_slice %get3A_30 {offsets = [2, 0], sizes = [1, 256], strides = [1, 1]} : vector<7x256xf32> to vector<1x256xf32>
    %slice3A_34 = vector.extract_strided_slice %get3A_30 {offsets = [3, 0], sizes = [1, 256], strides = [1, 1]} : vector<7x256xf32> to vector<1x256xf32>
    %mul3A_35 = arith.mulf %slice3A_31, %slice3A_31 : vector<1x256xf32>
    %mul3A_36 = arith.mulf %slice3A_32, %slice3A_32 : vector<1x256xf32>
    %add3A_37 = arith.addf %mul3A_35, %mul3A_36 : vector<1x256xf32>
    %mul3A_38 = arith.mulf %slice3A_33, %slice3A_33 : vector<1x256xf32>
    %add3A_39 = arith.addf %add3A_37, %mul3A_38 : vector<1x256xf32>
    %mul3A_40 = arith.mulf %slice3A_34, %slice3A_34 : vector<1x256xf32>
    %add3A_41 = arith.addf %add3A_39, %mul3A_40 : vector<1x256xf32>
    %div3A_42 = arith.constant 2.000000e+00 : f32
    %div3A_43 = vector.broadcast %div3A_42 : f32 to vector<1x256xf32>
    %div3A_44 = arith.divf %div3A_43, %add3A_41 : vector<1x256xf32>
    %mul3A_45 = arith.mulf %slice3A_33, %slice3A_33 : vector<1x256xf32>
    %mul3A_46 = arith.mulf %slice3A_34, %slice3A_34 : vector<1x256xf32>
    %add3A_47 = arith.addf %mul3A_45, %mul3A_46 : vector<1x256xf32>
    %mul3A_48 = arith.mulf %div3A_44, %add3A_47 : vector<1x256xf32>
    %sub3A_49 = arith.constant 1.000000e+00 : f32
    %sub3A_50 = vector.broadcast %sub3A_49 : f32 to vector<1x256xf32>
    %sub3A_51 = arith.subf %sub3A_50, %mul3A_48 : vector<1x256xf32>
    %mul3A_52 = arith.mulf %slice3A_32, %slice3A_34 : vector<1x256xf32>
    %mul3A_53 = arith.mulf %slice3A_33, %slice3A_31 : vector<1x256xf32>
    %add3A_54 = arith.addf %mul3A_52, %mul3A_53 : vector<1x256xf32>
    %mul3A_55 = arith.mulf %div3A_44, %add3A_54 : vector<1x256xf32>
    %slice3A_56 = vector.extract_strided_slice %get3A_30 {offsets = [4, 0], sizes = [1, 256], strides = [1, 1]} : vector<7x256xf32> to vector<1x256xf32>
    %slice3A_57 = vector.extract_strided_slice %get3A_30 {offsets = [6, 0], sizes = [1, 256], strides = [1, 1]} : vector<7x256xf32> to vector<1x256xf32>
    %concatenate3A_58 = tpu.concatenate %slice3A_56, %slice3A_57, %sub3A_51, %mul3A_55 in 0 : vector<1x256xf32>, vector<1x256xf32>, vector<1x256xf32>, vector<1x256xf32> -> vector<4x256xf32>
    %concatenate3A_59 = tpu.concatenate %concatenate3A, %concatenate3A_58 in 1 : vector<4x256xf32>, vector<4x256xf32> -> vector<4x512xf32>
    %get3A_60 = arith.constant 0 : index
    %get3A_61 = arith.constant 0 : index
    %get3A_62 = vector.load %arg2[%get3A_60, %get3A_61] : memref<512x12xf32, #tpu.memory_space<vmem>>, vector<512x12xf32>
    %get3A_63 = arith.constant 0 : index
    %get3A_64 = arith.constant 0 : index
    %get3A_65 = vector.load %arg3[%get3A_63, %get3A_64] : memref<512x1xf32, #tpu.memory_space<vmem>>, vector<512x1xf32>
    %iota3A = tpu.iota {dimensions = array<i32: 1>} : vector<4x512xi32>
    %jit3A = arith.constant 256 : i32
    %eq3A = arith.constant 0 : i32
    %eq3A_66 = arith.cmpi eq, %jit3A, %eq3A : i32
    %jit3A_67 = arith.constant 1 : i32
    %select_n3A = arith.select %eq3A_66, %jit3A_67, %jit3A : i32
    %rem3A = vector.broadcast %select_n3A : i32 to vector<4x512xi32>
    %rem3A_68 = arith.remsi %iota3A, %rem3A : vector<4x512xi32>
    %ne3A = arith.constant 0 : i32
    %ne3A_69 = vector.broadcast %ne3A : i32 to vector<4x512xi32>
    %ne3A_70 = arith.cmpi ne, %rem3A_68, %ne3A_69 : vector<4x512xi32>
    %lt3A = arith.constant 0 : i32
    %lt3A_71 = vector.broadcast %lt3A : i32 to vector<4x512xi32>
    %lt3A_72 = arith.cmpi slt, %rem3A_68, %lt3A_71 : vector<4x512xi32>
    %lt3A_73 = arith.constant 0 : i32
    %lt3A_74 = arith.cmpi slt, %select_n3A, %lt3A_73 : i32
    %ne3A_75 = vector.broadcast %lt3A_74 : i1 to vector<4x512xi1>
    %ne3A_76 = vector.broadcast %ne3A_75 : vector<4x512xi1> to vector<4x512xi1>
    %ne3A_77 = arith.xori %lt3A_72, %ne3A_76 : vector<4x512xi1>
    %and3A = arith.andi %ne3A_77, %ne3A_70 : vector<4x512xi1>
    %add3A_78 = vector.broadcast %select_n3A : i32 to vector<4x512xi32>
    %add3A_79 = arith.addi %rem3A_68, %add3A_78 : vector<4x512xi32>
    %select_n3A_80 = arith.select %and3A, %add3A_79, %rem3A_68 : vector<4x512xi1>, vector<4x512xi32>
    %slice3A_81 = vector.extract_strided_slice %concatenate3A_59 {offsets = [0, 511], sizes = [4, 1], strides = [1, 1]} : vector<4x512xf32> to vector<4x1xf32>
    %slice3A_82 = vector.extract_strided_slice %concatenate3A_59 {offsets = [0, 0], sizes = [4, 511], strides = [1, 1]} : vector<4x512xf32> to vector<4x511xf32>
    %concatenate3A_83 = tpu.concatenate %slice3A_81, %slice3A_82 in 1 : vector<4x1xf32>, vector<4x511xf32> -> vector<4x512xf32>
    %ge3A = arith.constant 1 : i32
    %ge3A_84 = vector.broadcast %ge3A : i32 to vector<4x512xi32>
    %ge3A_85 = arith.cmpi sge, %select_n3A_80, %ge3A_84 : vector<4x512xi32>
    %jit3A_86 = arith.constant 0.000000e+00 : f32
    %broadcast_in_dim3A = vector.broadcast %jit3A_86 : f32 to vector<4x512xf32>
    %select_n3A_87 = arith.select %ge3A_85, %concatenate3A_83, %broadcast_in_dim3A : vector<4x512xi1>, vector<4x512xf32>
    %iota3A_88 = tpu.iota {dimensions = array<i32: 1>} : vector<4x512xi32>
    %jit3A_89 = arith.constant 256 : i32
    %eq3A_90 = arith.constant 0 : i32
    %eq3A_91 = arith.cmpi eq, %jit3A_89, %eq3A_90 : i32
    %jit3A_92 = arith.constant 1 : i32
    %select_n3A_93 = arith.select %eq3A_91, %jit3A_92, %jit3A_89 : i32
    %rem3A_94 = vector.broadcast %select_n3A_93 : i32 to vector<4x512xi32>
    %rem3A_95 = arith.remsi %iota3A_88, %rem3A_94 : vector<4x512xi32>
    %ne3A_96 = arith.constant 0 : i32
    %ne3A_97 = vector.broadcast %ne3A_96 : i32 to vector<4x512xi32>
    %ne3A_98 = arith.cmpi ne, %rem3A_95, %ne3A_97 : vector<4x512xi32>
    %lt3A_99 = arith.constant 0 : i32
    %lt3A_100 = vector.broadcast %lt3A_99 : i32 to vector<4x512xi32>
    %lt3A_101 = arith.cmpi slt, %rem3A_95, %lt3A_100 : vector<4x512xi32>
    %lt3A_102 = arith.constant 0 : i32
    %lt3A_103 = arith.cmpi slt, %select_n3A_93, %lt3A_102 : i32
    %ne3A_104 = vector.broadcast %lt3A_103 : i1 to vector<4x512xi1>
    %ne3A_105 = vector.broadcast %ne3A_104 : vector<4x512xi1> to vector<4x512xi1>
    %ne3A_106 = arith.xori %lt3A_101, %ne3A_105 : vector<4x512xi1>
    %and3A_107 = arith.andi %ne3A_106, %ne3A_98 : vector<4x512xi1>
    %add3A_108 = vector.broadcast %select_n3A_93 : i32 to vector<4x512xi32>
    %add3A_109 = arith.addi %rem3A_95, %add3A_108 : vector<4x512xi32>
    %select_n3A_110 = arith.select %and3A_107, %add3A_109, %rem3A_95 : vector<4x512xi1>, vector<4x512xi32>
    %slice3A_111 = vector.extract_strided_slice %concatenate3A_59 {offsets = [0, 1], sizes = [4, 511], strides = [1, 1]} : vector<4x512xf32> to vector<4x511xf32>
    %slice3A_112 = vector.extract_strided_slice %concatenate3A_59 {offsets = [0, 0], sizes = [4, 1], strides = [1, 1]} : vector<4x512xf32> to vector<4x1xf32>
    %concatenate3A_113 = tpu.concatenate %slice3A_111, %slice3A_112 in 1 : vector<4x511xf32>, vector<4x1xf32> -> vector<4x512xf32>
    %lt3A_114 = arith.constant 255 : i32
    %lt3A_115 = vector.broadcast %lt3A_114 : i32 to vector<4x512xi32>
    %lt3A_116 = arith.cmpi slt, %select_n3A_110, %lt3A_115 : vector<4x512xi32>
    %jit3A_117 = arith.constant 0.000000e+00 : f32
    %broadcast_in_dim3A_118 = vector.broadcast %jit3A_117 : f32 to vector<4x512xf32>
    %select_n3A_119 = arith.select %lt3A_116, %concatenate3A_113, %broadcast_in_dim3A_118 : vector<4x512xi1>, vector<4x512xf32>
    %concatenate3A_120 = tpu.concatenate %select_n3A_87, %concatenate3A_59, %select_n3A_119 in 0 : vector<4x512xf32>, vector<4x512xf32>, vector<4x512xf32> -> vector<12x512xf32>
    %dot_general3A = arith.constant dense<0.000000e+00> : vector<512x512xf32>
    %dot_general3A_121 = tpu.matmul %get3A_62, %concatenate3A_120, %dot_general3A {dimension_numbers = #tpu.dot_dimension_numbers<[1], [0], [0], [1], [0, 0, 1, 1], [], []>, transpose_lhs_hint = false} : vector<512x12xf32>, vector<12x512xf32>, vector<512x512xf32> -> vector<512x512xf32>
    %add3A_122 = vector.broadcast %get3A_65 : vector<512x1xf32> to vector<512x512xf32>
    %add3A_123 = arith.addf %dot_general3A_121, %add3A_122 : vector<512x512xf32>
    %max3A = arith.constant 0.000000e+00 : f32
    %max3A_124 = vector.broadcast %max3A : f32 to vector<512x512xf32>
    %max3A_125 = arith.maximumf %add3A_123, %max3A_124 : vector<512x512xf32>
    %get3A_126 = arith.constant 0 : index
    %get3A_127 = arith.constant 0 : index
    %get3A_128 = vector.load %arg4[%get3A_126, %get3A_127] : memref<512x2048xbf16, #tpu.memory_space<vmem>>, vector<512x2048xbf16>
    %get3A_129 = arith.constant 0 : index
    %get3A_130 = arith.constant 0 : index
    %get3A_131 = vector.load %arg5[%get3A_129, %get3A_130] : memref<512x1xf32, #tpu.memory_space<vmem>>, vector<512x1xf32>
    %convert_element_type3A = arith.truncf %max3A_125 : vector<512x512xf32> to vector<512x512xbf16>
    %convert_element_type3A_132 = arith.extf %convert_element_type3A : vector<512x512xbf16> to vector<512x512xf32>
    %iota3A_133 = tpu.iota {dimensions = array<i32: 1>} : vector<512x512xi32>
    %jit3A_134 = arith.constant 256 : i32
    %eq3A_135 = arith.constant 0 : i32
    %eq3A_136 = arith.cmpi eq, %jit3A_134, %eq3A_135 : i32
    %jit3A_137 = arith.constant 1 : i32
    %select_n3A_138 = arith.select %eq3A_136, %jit3A_137, %jit3A_134 : i32
    %rem3A_139 = vector.broadcast %select_n3A_138 : i32 to vector<512x512xi32>
    %rem3A_140 = arith.remsi %iota3A_133, %rem3A_139 : vector<512x512xi32>
    %ne3A_141 = arith.constant 0 : i32
    %ne3A_142 = vector.broadcast %ne3A_141 : i32 to vector<512x512xi32>
    %ne3A_143 = arith.cmpi ne, %rem3A_140, %ne3A_142 : vector<512x512xi32>
    %lt3A_144 = arith.constant 0 : i32
    %lt3A_145 = vector.broadcast %lt3A_144 : i32 to vector<512x512xi32>
    %lt3A_146 = arith.cmpi slt, %rem3A_140, %lt3A_145 : vector<512x512xi32>
    %lt3A_147 = arith.constant 0 : i32
    %lt3A_148 = arith.cmpi slt, %select_n3A_138, %lt3A_147 : i32
    %ne3A_149 = vector.broadcast %lt3A_148 : i1 to vector<512x512xi1>
    %ne3A_150 = vector.broadcast %ne3A_149 : vector<512x512xi1> to vector<512x512xi1>
    %ne3A_151 = arith.xori %lt3A_146, %ne3A_150 : vector<512x512xi1>
    %and3A_152 = arith.andi %ne3A_151, %ne3A_143 : vector<512x512xi1>
    %add3A_153 = vector.broadcast %select_n3A_138 : i32 to vector<512x512xi32>
    %add3A_154 = arith.addi %rem3A_140, %add3A_153 : vector<512x512xi32>
    %select_n3A_155 = arith.select %and3A_152, %add3A_154, %rem3A_140 : vector<512x512xi1>, vector<512x512xi32>
    %slice3A_156 = vector.extract_strided_slice %convert_element_type3A_132 {offsets = [0, 511], sizes = [512, 1], strides = [1, 1]} : vector<512x512xf32> to vector<512x1xf32>
    %slice3A_157 = vector.extract_strided_slice %convert_element_type3A_132 {offsets = [0, 0], sizes = [512, 511], strides = [1, 1]} : vector<512x512xf32> to vector<512x511xf32>
    %concatenate3A_158 = tpu.concatenate %slice3A_156, %slice3A_157 in 1 : vector<512x1xf32>, vector<512x511xf32> -> vector<512x512xf32>
    %ge3A_159 = arith.constant 1 : i32
    %ge3A_160 = vector.broadcast %ge3A_159 : i32 to vector<512x512xi32>
    %ge3A_161 = arith.cmpi sge, %select_n3A_155, %ge3A_160 : vector<512x512xi32>
    %jit3A_162 = arith.constant 0.000000e+00 : f32
    %broadcast_in_dim3A_163 = vector.broadcast %jit3A_162 : f32 to vector<512x512xf32>
    %select_n3A_164 = arith.select %ge3A_161, %concatenate3A_158, %broadcast_in_dim3A_163 : vector<512x512xi1>, vector<512x512xf32>
    %iota3A_165 = tpu.iota {dimensions = array<i32: 1>} : vector<512x512xi32>
    %jit3A_166 = arith.constant 256 : i32
    %eq3A_167 = arith.constant 0 : i32
    %eq3A_168 = arith.cmpi eq, %jit3A_166, %eq3A_167 : i32
    %jit3A_169 = arith.constant 1 : i32
    %select_n3A_170 = arith.select %eq3A_168, %jit3A_169, %jit3A_166 : i32
    %rem3A_171 = vector.broadcast %select_n3A_170 : i32 to vector<512x512xi32>
    %rem3A_172 = arith.remsi %iota3A_165, %rem3A_171 : vector<512x512xi32>
    %ne3A_173 = arith.constant 0 : i32
    %ne3A_174 = vector.broadcast %ne3A_173 : i32 to vector<512x512xi32>
    %ne3A_175 = arith.cmpi ne, %rem3A_172, %ne3A_174 : vector<512x512xi32>
    %lt3A_176 = arith.constant 0 : i32
    %lt3A_177 = vector.broadcast %lt3A_176 : i32 to vector<512x512xi32>
    %lt3A_178 = arith.cmpi slt, %rem3A_172, %lt3A_177 : vector<512x512xi32>
    %lt3A_179 = arith.constant 0 : i32
    %lt3A_180 = arith.cmpi slt, %select_n3A_170, %lt3A_179 : i32
    %ne3A_181 = vector.broadcast %lt3A_180 : i1 to vector<512x512xi1>
    %ne3A_182 = vector.broadcast %ne3A_181 : vector<512x512xi1> to vector<512x512xi1>
    %ne3A_183 = arith.xori %lt3A_178, %ne3A_182 : vector<512x512xi1>
    %and3A_184 = arith.andi %ne3A_183, %ne3A_175 : vector<512x512xi1>
    %add3A_185 = vector.broadcast %select_n3A_170 : i32 to vector<512x512xi32>
    %add3A_186 = arith.addi %rem3A_172, %add3A_185 : vector<512x512xi32>
    %select_n3A_187 = arith.select %and3A_184, %add3A_186, %rem3A_172 : vector<512x512xi1>, vector<512x512xi32>
    %slice3A_188 = vector.extract_strided_slice %convert_element_type3A_132 {offsets = [0, 1], sizes = [512, 511], strides = [1, 1]} : vector<512x512xf32> to vector<512x511xf32>
    %slice3A_189 = vector.extract_strided_slice %convert_element_type3A_132 {offsets = [0, 0], sizes = [512, 1], strides = [1, 1]} : vector<512x512xf32> to vector<512x1xf32>
    %concatenate3A_190 = tpu.concatenate %slice3A_188, %slice3A_189 in 1 : vector<512x511xf32>, vector<512x1xf32> -> vector<512x512xf32>
    %lt3A_191 = arith.constant 255 : i32
    %lt3A_192 = vector.broadcast %lt3A_191 : i32 to vector<512x512xi32>
    %lt3A_193 = arith.cmpi slt, %select_n3A_187, %lt3A_192 : vector<512x512xi32>
    %jit3A_194 = arith.constant 0.000000e+00 : f32
    %broadcast_in_dim3A_195 = vector.broadcast %jit3A_194 : f32 to vector<512x512xf32>
    %select_n3A_196 = arith.select %lt3A_193, %concatenate3A_190, %broadcast_in_dim3A_195 : vector<512x512xi1>, vector<512x512xf32>
    %iota3A_197 = tpu.iota {dimensions = array<i32: 1>} : vector<512x512xi32>
    %jit3A_198 = arith.constant 256 : i32
    %eq3A_199 = arith.constant 0 : i32
    %eq3A_200 = arith.cmpi eq, %jit3A_198, %eq3A_199 : i32
    %jit3A_201 = arith.constant 1 : i32
    %select_n3A_202 = arith.select %eq3A_200, %jit3A_201, %jit3A_198 : i32
    %rem3A_203 = vector.broadcast %select_n3A_202 : i32 to vector<512x512xi32>
    %rem3A_204 = arith.remsi %iota3A_197, %rem3A_203 : vector<512x512xi32>
    %ne3A_205 = arith.constant 0 : i32
    %ne3A_206 = vector.broadcast %ne3A_205 : i32 to vector<512x512xi32>
    %ne3A_207 = arith.cmpi ne, %rem3A_204, %ne3A_206 : vector<512x512xi32>
    %lt3A_208 = arith.constant 0 : i32
    %lt3A_209 = vector.broadcast %lt3A_208 : i32 to vector<512x512xi32>
    %lt3A_210 = arith.cmpi slt, %rem3A_204, %lt3A_209 : vector<512x512xi32>
    %lt3A_211 = arith.constant 0 : i32
    %lt3A_212 = arith.cmpi slt, %select_n3A_202, %lt3A_211 : i32
    %ne3A_213 = vector.broadcast %lt3A_212 : i1 to vector<512x512xi1>
    %ne3A_214 = vector.broadcast %ne3A_213 : vector<512x512xi1> to vector<512x512xi1>
    %ne3A_215 = arith.xori %lt3A_210, %ne3A_214 : vector<512x512xi1>
    %and3A_216 = arith.andi %ne3A_215, %ne3A_207 : vector<512x512xi1>
    %add3A_217 = vector.broadcast %select_n3A_202 : i32 to vector<512x512xi32>
    %add3A_218 = arith.addi %rem3A_204, %add3A_217 : vector<512x512xi32>
    %select_n3A_219 = arith.select %and3A_216, %add3A_218, %rem3A_204 : vector<512x512xi1>, vector<512x512xi32>
    %slice3A_220 = vector.extract_strided_slice %convert_element_type3A_132 {offsets = [0, 2], sizes = [512, 510], strides = [1, 1]} : vector<512x512xf32> to vector<512x510xf32>
    %slice3A_221 = vector.extract_strided_slice %convert_element_type3A_132 {offsets = [0, 0], sizes = [512, 2], strides = [1, 1]} : vector<512x512xf32> to vector<512x2xf32>
    %concatenate3A_222 = tpu.concatenate %slice3A_220, %slice3A_221 in 1 : vector<512x510xf32>, vector<512x2xf32> -> vector<512x512xf32>
    %lt3A_223 = arith.constant 254 : i32
    %lt3A_224 = vector.broadcast %lt3A_223 : i32 to vector<512x512xi32>
    %lt3A_225 = arith.cmpi slt, %select_n3A_219, %lt3A_224 : vector<512x512xi32>
    %jit3A_226 = arith.constant 0.000000e+00 : f32
    %broadcast_in_dim3A_227 = vector.broadcast %jit3A_226 : f32 to vector<512x512xf32>
    %select_n3A_228 = arith.select %lt3A_225, %concatenate3A_222, %broadcast_in_dim3A_227 : vector<512x512xi1>, vector<512x512xf32>
    %convert_element_type3A_229 = arith.extf %get3A_128 : vector<512x2048xbf16> to vector<512x2048xf32>
    %slice3A_230 = vector.extract_strided_slice %convert_element_type3A_229 {offsets = [0, 0], sizes = [512, 512], strides = [1, 1]} : vector<512x2048xf32> to vector<512x512xf32>
    %dot_general3A_231 = arith.constant dense<0.000000e+00> : vector<512x512xf32>
    %dot_general3A_232 = tpu.matmul %slice3A_230, %select_n3A_164, %dot_general3A_231 {dimension_numbers = #tpu.dot_dimension_numbers<[1], [0], [0], [1], [0, 0, 1, 1], [], []>, precision = #tpu.contract_precision<fp32>, transpose_lhs_hint = false} : vector<512x512xf32>, vector<512x512xf32>, vector<512x512xf32> -> vector<512x512xf32>
    %slice3A_233 = vector.extract_strided_slice %convert_element_type3A_229 {offsets = [0, 512], sizes = [512, 512], strides = [1, 1]} : vector<512x2048xf32> to vector<512x512xf32>
    %dot_general3A_234 = arith.constant dense<0.000000e+00> : vector<512x512xf32>
    %dot_general3A_235 = tpu.matmul %slice3A_233, %convert_element_type3A_132, %dot_general3A_234 {dimension_numbers = #tpu.dot_dimension_numbers<[1], [0], [0], [1], [0, 0, 1, 1], [], []>, precision = #tpu.contract_precision<fp32>, transpose_lhs_hint = false} : vector<512x512xf32>, vector<512x512xf32>, vector<512x512xf32> -> vector<512x512xf32>
    %add3A_236 = arith.addf %dot_general3A_232, %dot_general3A_235 : vector<512x512xf32>
    %slice3A_237 = vector.extract_strided_slice %convert_element_type3A_229 {offsets = [0, 1024], sizes = [512, 512], strides = [1, 1]} : vector<512x2048xf32> to vector<512x512xf32>
    %dot_general3A_238 = arith.constant dense<0.000000e+00> : vector<512x512xf32>
    %dot_general3A_239 = tpu.matmul %slice3A_237, %select_n3A_196, %dot_general3A_238 {dimension_numbers = #tpu.dot_dimension_numbers<[1], [0], [0], [1], [0, 0, 1, 1], [], []>, precision = #tpu.contract_precision<fp32>, transpose_lhs_hint = false} : vector<512x512xf32>, vector<512x512xf32>, vector<512x512xf32> -> vector<512x512xf32>
    %add3A_240 = arith.addf %add3A_236, %dot_general3A_239 : vector<512x512xf32>
    %slice3A_241 = vector.extract_strided_slice %convert_element_type3A_229 {offsets = [0, 1536], sizes = [512, 512], strides = [1, 1]} : vector<512x2048xf32> to vector<512x512xf32>
    %dot_general3A_242 = arith.constant dense<0.000000e+00> : vector<512x512xf32>
    %dot_general3A_243 = tpu.matmul %slice3A_241, %select_n3A_228, %dot_general3A_242 {dimension_numbers = #tpu.dot_dimension_numbers<[1], [0], [0], [1], [0, 0, 1, 1], [], []>, precision = #tpu.contract_precision<fp32>, transpose_lhs_hint = false} : vector<512x512xf32>, vector<512x512xf32>, vector<512x512xf32> -> vector<512x512xf32>
    %add3A_244 = arith.addf %add3A_240, %dot_general3A_243 : vector<512x512xf32>
    %iota3A_245 = tpu.iota {dimensions = array<i32: 0>} : vector<512x256xi32>
    %iota3A_246 = tpu.iota {dimensions = array<i32: 1>} : vector<512x256xi32>
    %mul3A_247 = arith.constant 2 : i32
    %mul3A_248 = vector.broadcast %mul3A_247 : i32 to vector<512x256xi32>
    %mul3A_249 = arith.muli %mul3A_248, %iota3A_246 : vector<512x256xi32>
    %eq3A_250 = arith.cmpi eq, %iota3A_245, %mul3A_249 : vector<512x256xi32>
    %convert_element_type3A_251 = arith.extui %eq3A_250 : vector<512x256xi1> to vector<512x256xi32>
    %convert_element_type3A_252 = arith.sitofp %convert_element_type3A_251 : vector<512x256xi32> to vector<512x256xf32>
    %dot_general3A_253 = arith.constant dense<0.000000e+00> : vector<512x256xf32>
    %dot_general3A_254 = tpu.matmul %add3A_244, %convert_element_type3A_252, %dot_general3A_253 {dimension_numbers = #tpu.dot_dimension_numbers<[1], [0], [0], [1], [0, 0, 1, 1], [], []>, precision = #tpu.contract_precision<fp32>, transpose_lhs_hint = false} : vector<512x512xf32>, vector<512x256xf32>, vector<512x256xf32> -> vector<512x256xf32>
    %add3A_255 = vector.broadcast %get3A_131 : vector<512x1xf32> to vector<512x256xf32>
    %add3A_256 = arith.addf %dot_general3A_254, %add3A_255 : vector<512x256xf32>
    %get3A_257 = arith.constant 0 : index
    %get3A_258 = arith.constant 0 : index
    %get3A_259 = vector.load %arg6[%get3A_257, %get3A_258] : memref<512x1536xbf16, #tpu.memory_space<vmem>>, vector<512x1536xbf16>
    %get3A_260 = arith.constant 0 : index
    %get3A_261 = arith.constant 0 : index
    %get3A_262 = vector.load %arg7[%get3A_260, %get3A_261] : memref<512x1xf32, #tpu.memory_space<vmem>>, vector<512x1xf32>
    %get3A_263 = arith.constant 0 : index
    %get3A_264 = arith.constant 0 : index
    %get3A_265 = vector.load %arg8[%get3A_263, %get3A_264] : memref<512x512xbf16, #tpu.memory_space<vmem>>, vector<512x512xbf16>
    %get3A_266 = arith.constant 0 : index
    %get3A_267 = arith.constant 0 : index
    %get3A_268 = vector.load %arg9[%get3A_266, %get3A_267] : memref<512x1xf32, #tpu.memory_space<vmem>>, vector<512x1xf32>
    %max3A_269 = arith.constant 0.000000e+00 : f32
    %max3A_270 = vector.broadcast %max3A_269 : f32 to vector<512x256xf32>
    %max3A_271 = arith.maximumf %add3A_256, %max3A_270 : vector<512x256xf32>
    %convert_element_type3A_272 = arith.truncf %max3A_271 : vector<512x256xf32> to vector<512x256xbf16>
    %convert_element_type3A_273 = arith.extf %convert_element_type3A_272 : vector<512x256xbf16> to vector<512x256xf32>
    %iota3A_274 = tpu.iota {dimensions = array<i32: 1>} : vector<512x256xi32>
    %jit3A_275 = arith.constant 128 : i32
    %eq3A_276 = arith.constant 0 : i32
    %eq3A_277 = arith.cmpi eq, %jit3A_275, %eq3A_276 : i32
    %jit3A_278 = arith.constant 1 : i32
    %select_n3A_279 = arith.select %eq3A_277, %jit3A_278, %jit3A_275 : i32
    %rem3A_280 = vector.broadcast %select_n3A_279 : i32 to vector<512x256xi32>
    %rem3A_281 = arith.remsi %iota3A_274, %rem3A_280 : vector<512x256xi32>
    %ne3A_282 = arith.constant 0 : i32
    %ne3A_283 = vector.broadcast %ne3A_282 : i32 to vector<512x256xi32>
    %ne3A_284 = arith.cmpi ne, %rem3A_281, %ne3A_283 : vector<512x256xi32>
    %lt3A_285 = arith.constant 0 : i32
    %lt3A_286 = vector.broadcast %lt3A_285 : i32 to vector<512x256xi32>
    %lt3A_287 = arith.cmpi slt, %rem3A_281, %lt3A_286 : vector<512x256xi32>
    %lt3A_288 = arith.constant 0 : i32
    %lt3A_289 = arith.cmpi slt, %select_n3A_279, %lt3A_288 : i32
    %ne3A_290 = vector.broadcast %lt3A_289 : i1 to vector<512x256xi1>
    %ne3A_291 = vector.broadcast %ne3A_290 : vector<512x256xi1> to vector<512x256xi1>
    %ne3A_292 = arith.xori %lt3A_287, %ne3A_291 : vector<512x256xi1>
    %and3A_293 = arith.andi %ne3A_292, %ne3A_284 : vector<512x256xi1>
    %add3A_294 = vector.broadcast %select_n3A_279 : i32 to vector<512x256xi32>
    %add3A_295 = arith.addi %rem3A_281, %add3A_294 : vector<512x256xi32>
    %select_n3A_296 = arith.select %and3A_293, %add3A_295, %rem3A_281 : vector<512x256xi1>, vector<512x256xi32>
    %slice3A_297 = vector.extract_strided_slice %convert_element_type3A_273 {offsets = [0, 255], sizes = [512, 1], strides = [1, 1]} : vector<512x256xf32> to vector<512x1xf32>
    %slice3A_298 = vector.extract_strided_slice %convert_element_type3A_273 {offsets = [0, 0], sizes = [512, 255], strides = [1, 1]} : vector<512x256xf32> to vector<512x255xf32>
    %concatenate3A_299 = tpu.concatenate %slice3A_297, %slice3A_298 in 1 : vector<512x1xf32>, vector<512x255xf32> -> vector<512x256xf32>
    %ge3A_300 = arith.constant 1 : i32
    %ge3A_301 = vector.broadcast %ge3A_300 : i32 to vector<512x256xi32>
    %ge3A_302 = arith.cmpi sge, %select_n3A_296, %ge3A_301 : vector<512x256xi32>
    %jit3A_303 = arith.constant 0.000000e+00 : f32
    %broadcast_in_dim3A_304 = vector.broadcast %jit3A_303 : f32 to vector<512x256xf32>
    %select_n3A_305 = arith.select %ge3A_302, %concatenate3A_299, %broadcast_in_dim3A_304 : vector<512x256xi1>, vector<512x256xf32>
    %iota3A_306 = tpu.iota {dimensions = array<i32: 1>} : vector<512x256xi32>
    %jit3A_307 = arith.constant 128 : i32
    %eq3A_308 = arith.constant 0 : i32
    %eq3A_309 = arith.cmpi eq, %jit3A_307, %eq3A_308 : i32
    %jit3A_310 = arith.constant 1 : i32
    %select_n3A_311 = arith.select %eq3A_309, %jit3A_310, %jit3A_307 : i32
    %rem3A_312 = vector.broadcast %select_n3A_311 : i32 to vector<512x256xi32>
    %rem3A_313 = arith.remsi %iota3A_306, %rem3A_312 : vector<512x256xi32>
    %ne3A_314 = arith.constant 0 : i32
    %ne3A_315 = vector.broadcast %ne3A_314 : i32 to vector<512x256xi32>
    %ne3A_316 = arith.cmpi ne, %rem3A_313, %ne3A_315 : vector<512x256xi32>
    %lt3A_317 = arith.constant 0 : i32
    %lt3A_318 = vector.broadcast %lt3A_317 : i32 to vector<512x256xi32>
    %lt3A_319 = arith.cmpi slt, %rem3A_313, %lt3A_318 : vector<512x256xi32>
    %lt3A_320 = arith.constant 0 : i32
    %lt3A_321 = arith.cmpi slt, %select_n3A_311, %lt3A_320 : i32
    %ne3A_322 = vector.broadcast %lt3A_321 : i1 to vector<512x256xi1>
    %ne3A_323 = vector.broadcast %ne3A_322 : vector<512x256xi1> to vector<512x256xi1>
    %ne3A_324 = arith.xori %lt3A_319, %ne3A_323 : vector<512x256xi1>
    %and3A_325 = arith.andi %ne3A_324, %ne3A_316 : vector<512x256xi1>
    %add3A_326 = vector.broadcast %select_n3A_311 : i32 to vector<512x256xi32>
    %add3A_327 = arith.addi %rem3A_313, %add3A_326 : vector<512x256xi32>
    %select_n3A_328 = arith.select %and3A_325, %add3A_327, %rem3A_313 : vector<512x256xi1>, vector<512x256xi32>
    %slice3A_329 = vector.extract_strided_slice %convert_element_type3A_273 {offsets = [0, 1], sizes = [512, 255], strides = [1, 1]} : vector<512x256xf32> to vector<512x255xf32>
    %slice3A_330 = vector.extract_strided_slice %convert_element_type3A_273 {offsets = [0, 0], sizes = [512, 1], strides = [1, 1]} : vector<512x256xf32> to vector<512x1xf32>
    %concatenate3A_331 = tpu.concatenate %slice3A_329, %slice3A_330 in 1 : vector<512x255xf32>, vector<512x1xf32> -> vector<512x256xf32>
    %lt3A_332 = arith.constant 127 : i32
    %lt3A_333 = vector.broadcast %lt3A_332 : i32 to vector<512x256xi32>
    %lt3A_334 = arith.cmpi slt, %select_n3A_328, %lt3A_333 : vector<512x256xi32>
    %jit3A_335 = arith.constant 0.000000e+00 : f32
    %broadcast_in_dim3A_336 = vector.broadcast %jit3A_335 : f32 to vector<512x256xf32>
    %select_n3A_337 = arith.select %lt3A_334, %concatenate3A_331, %broadcast_in_dim3A_336 : vector<512x256xi1>, vector<512x256xf32>
    %convert_element_type3A_338 = arith.extf %get3A_259 : vector<512x1536xbf16> to vector<512x1536xf32>
    %slice3A_339 = vector.extract_strided_slice %convert_element_type3A_338 {offsets = [0, 0], sizes = [512, 512], strides = [1, 1]} : vector<512x1536xf32> to vector<512x512xf32>
    %dot_general3A_340 = arith.constant dense<0.000000e+00> : vector<512x256xf32>
    %dot_general3A_341 = tpu.matmul %slice3A_339, %select_n3A_305, %dot_general3A_340 {dimension_numbers = #tpu.dot_dimension_numbers<[1], [0], [0], [1], [0, 0, 1, 1], [], []>, precision = #tpu.contract_precision<fp32>, transpose_lhs_hint = false} : vector<512x512xf32>, vector<512x256xf32>, vector<512x256xf32> -> vector<512x256xf32>
    %slice3A_342 = vector.extract_strided_slice %convert_element_type3A_338 {offsets = [0, 512], sizes = [512, 512], strides = [1, 1]} : vector<512x1536xf32> to vector<512x512xf32>
    %dot_general3A_343 = arith.constant dense<0.000000e+00> : vector<512x256xf32>
    %dot_general3A_344 = tpu.matmul %slice3A_342, %convert_element_type3A_273, %dot_general3A_343 {dimension_numbers = #tpu.dot_dimension_numbers<[1], [0], [0], [1], [0, 0, 1, 1], [], []>, precision = #tpu.contract_precision<fp32>, transpose_lhs_hint = false} : vector<512x512xf32>, vector<512x256xf32>, vector<512x256xf32> -> vector<512x256xf32>
    %add3A_345 = arith.addf %dot_general3A_341, %dot_general3A_344 : vector<512x256xf32>
    %slice3A_346 = vector.extract_strided_slice %convert_element_type3A_338 {offsets = [0, 1024], sizes = [512, 512], strides = [1, 1]} : vector<512x1536xf32> to vector<512x512xf32>
    %dot_general3A_347 = arith.constant dense<0.000000e+00> : vector<512x256xf32>
    %dot_general3A_348 = tpu.matmul %slice3A_346, %select_n3A_337, %dot_general3A_347 {dimension_numbers = #tpu.dot_dimension_numbers<[1], [0], [0], [1], [0, 0, 1, 1], [], []>, precision = #tpu.contract_precision<fp32>, transpose_lhs_hint = false} : vector<512x512xf32>, vector<512x256xf32>, vector<512x256xf32> -> vector<512x256xf32>
    %add3A_349 = arith.addf %add3A_345, %dot_general3A_348 : vector<512x256xf32>
    %add3A_350 = vector.broadcast %get3A_262 : vector<512x1xf32> to vector<512x256xf32>
    %add3A_351 = arith.addf %add3A_349, %add3A_350 : vector<512x256xf32>
    %max3A_352 = arith.constant 0.000000e+00 : f32
    %max3A_353 = vector.broadcast %max3A_352 : f32 to vector<512x256xf32>
    %max3A_354 = arith.maximumf %add3A_351, %max3A_353 : vector<512x256xf32>
    %convert_element_type3A_355 = arith.extf %get3A_265 : vector<512x512xbf16> to vector<512x512xf32>
    %convert_element_type3A_356 = arith.truncf %max3A_354 : vector<512x256xf32> to vector<512x256xbf16>
    %convert_element_type3A_357 = arith.extf %convert_element_type3A_356 : vector<512x256xbf16> to vector<512x256xf32>
    %dot_general3A_358 = arith.constant dense<0.000000e+00> : vector<512x256xf32>
    %dot_general3A_359 = tpu.matmul %convert_element_type3A_355, %convert_element_type3A_357, %dot_general3A_358 {dimension_numbers = #tpu.dot_dimension_numbers<[1], [0], [0], [1], [0, 0, 1, 1], [], []>, precision = #tpu.contract_precision<fp32>, transpose_lhs_hint = false} : vector<512x512xf32>, vector<512x256xf32>, vector<512x256xf32> -> vector<512x256xf32>
    %add3A_360 = vector.broadcast %get3A_268 : vector<512x1xf32> to vector<512x256xf32>
    %add3A_361 = arith.addf %dot_general3A_359, %add3A_360 : vector<512x256xf32>
    %add3A_362 = arith.addf %add3A_256, %add3A_361 : vector<512x256xf32>
    %get3A_363 = arith.constant 0 : index
    %get3A_364 = arith.constant 0 : index
    %get3A_365 = vector.load %arg10[%get3A_363, %get3A_364] : memref<512x1536xbf16, #tpu.memory_space<vmem>>, vector<512x1536xbf16>
    %get3A_366 = arith.constant 0 : index
    %get3A_367 = arith.constant 0 : index
    %get3A_368 = vector.load %arg11[%get3A_366, %get3A_367] : memref<512x1xf32, #tpu.memory_space<vmem>>, vector<512x1xf32>
    %get3A_369 = arith.constant 0 : index
    %get3A_370 = arith.constant 0 : index
    %get3A_371 = vector.load %arg12[%get3A_369, %get3A_370] : memref<512x512xbf16, #tpu.memory_space<vmem>>, vector<512x512xbf16>
    %get3A_372 = arith.constant 0 : index
    %get3A_373 = arith.constant 0 : index
    %get3A_374 = vector.load %arg13[%get3A_372, %get3A_373] : memref<512x1xf32, #tpu.memory_space<vmem>>, vector<512x1xf32>
    %max3A_375 = arith.constant 0.000000e+00 : f32
    %max3A_376 = vector.broadcast %max3A_375 : f32 to vector<512x256xf32>
    %max3A_377 = arith.maximumf %add3A_362, %max3A_376 : vector<512x256xf32>
    %convert_element_type3A_378 = arith.truncf %max3A_377 : vector<512x256xf32> to vector<512x256xbf16>
    %convert_element_type3A_379 = arith.extf %convert_element_type3A_378 : vector<512x256xbf16> to vector<512x256xf32>
    %iota3A_380 = tpu.iota {dimensions = array<i32: 1>} : vector<512x256xi32>
    %jit3A_381 = arith.constant 128 : i32
    %eq3A_382 = arith.constant 0 : i32
    %eq3A_383 = arith.cmpi eq, %jit3A_381, %eq3A_382 : i32
    %jit3A_384 = arith.constant 1 : i32
    %select_n3A_385 = arith.select %eq3A_383, %jit3A_384, %jit3A_381 : i32
    %rem3A_386 = vector.broadcast %select_n3A_385 : i32 to vector<512x256xi32>
    %rem3A_387 = arith.remsi %iota3A_380, %rem3A_386 : vector<512x256xi32>
    %ne3A_388 = arith.constant 0 : i32
    %ne3A_389 = vector.broadcast %ne3A_388 : i32 to vector<512x256xi32>
    %ne3A_390 = arith.cmpi ne, %rem3A_387, %ne3A_389 : vector<512x256xi32>
    %lt3A_391 = arith.constant 0 : i32
    %lt3A_392 = vector.broadcast %lt3A_391 : i32 to vector<512x256xi32>
    %lt3A_393 = arith.cmpi slt, %rem3A_387, %lt3A_392 : vector<512x256xi32>
    %lt3A_394 = arith.constant 0 : i32
    %lt3A_395 = arith.cmpi slt, %select_n3A_385, %lt3A_394 : i32
    %ne3A_396 = vector.broadcast %lt3A_395 : i1 to vector<512x256xi1>
    %ne3A_397 = vector.broadcast %ne3A_396 : vector<512x256xi1> to vector<512x256xi1>
    %ne3A_398 = arith.xori %lt3A_393, %ne3A_397 : vector<512x256xi1>
    %and3A_399 = arith.andi %ne3A_398, %ne3A_390 : vector<512x256xi1>
    %add3A_400 = vector.broadcast %select_n3A_385 : i32 to vector<512x256xi32>
    %add3A_401 = arith.addi %rem3A_387, %add3A_400 : vector<512x256xi32>
    %select_n3A_402 = arith.select %and3A_399, %add3A_401, %rem3A_387 : vector<512x256xi1>, vector<512x256xi32>
    %slice3A_403 = vector.extract_strided_slice %convert_element_type3A_379 {offsets = [0, 253], sizes = [512, 3], strides = [1, 1]} : vector<512x256xf32> to vector<512x3xf32>
    %slice3A_404 = vector.extract_strided_slice %convert_element_type3A_379 {offsets = [0, 0], sizes = [512, 253], strides = [1, 1]} : vector<512x256xf32> to vector<512x253xf32>
    %concatenate3A_405 = tpu.concatenate %slice3A_403, %slice3A_404 in 1 : vector<512x3xf32>, vector<512x253xf32> -> vector<512x256xf32>
    %ge3A_406 = arith.constant 3 : i32
    %ge3A_407 = vector.broadcast %ge3A_406 : i32 to vector<512x256xi32>
    %ge3A_408 = arith.cmpi sge, %select_n3A_402, %ge3A_407 : vector<512x256xi32>
    %jit3A_409 = arith.constant 0.000000e+00 : f32
    %broadcast_in_dim3A_410 = vector.broadcast %jit3A_409 : f32 to vector<512x256xf32>
    %select_n3A_411 = arith.select %ge3A_408, %concatenate3A_405, %broadcast_in_dim3A_410 : vector<512x256xi1>, vector<512x256xf32>
    %iota3A_412 = tpu.iota {dimensions = array<i32: 1>} : vector<512x256xi32>
    %jit3A_413 = arith.constant 128 : i32
    %eq3A_414 = arith.constant 0 : i32
    %eq3A_415 = arith.cmpi eq, %jit3A_413, %eq3A_414 : i32
    %jit3A_416 = arith.constant 1 : i32
    %select_n3A_417 = arith.select %eq3A_415, %jit3A_416, %jit3A_413 : i32
    %rem3A_418 = vector.broadcast %select_n3A_417 : i32 to vector<512x256xi32>
    %rem3A_419 = arith.remsi %iota3A_412, %rem3A_418 : vector<512x256xi32>
    %ne3A_420 = arith.constant 0 : i32
    %ne3A_421 = vector.broadcast %ne3A_420 : i32 to vector<512x256xi32>
    %ne3A_422 = arith.cmpi ne, %rem3A_419, %ne3A_421 : vector<512x256xi32>
    %lt3A_423 = arith.constant 0 : i32
    %lt3A_424 = vector.broadcast %lt3A_423 : i32 to vector<512x256xi32>
    %lt3A_425 = arith.cmpi slt, %rem3A_419, %lt3A_424 : vector<512x256xi32>
    %lt3A_426 = arith.constant 0 : i32
    %lt3A_427 = arith.cmpi slt, %select_n3A_417, %lt3A_426 : i32
    %ne3A_428 = vector.broadcast %lt3A_427 : i1 to vector<512x256xi1>
    %ne3A_429 = vector.broadcast %ne3A_428 : vector<512x256xi1> to vector<512x256xi1>
    %ne3A_430 = arith.xori %lt3A_425, %ne3A_429 : vector<512x256xi1>
    %and3A_431 = arith.andi %ne3A_430, %ne3A_422 : vector<512x256xi1>
    %add3A_432 = vector.broadcast %select_n3A_417 : i32 to vector<512x256xi32>
    %add3A_433 = arith.addi %rem3A_419, %add3A_432 : vector<512x256xi32>
    %select_n3A_434 = arith.select %and3A_431, %add3A_433, %rem3A_419 : vector<512x256xi1>, vector<512x256xi32>
    %slice3A_435 = vector.extract_strided_slice %convert_element_type3A_379 {offsets = [0, 3], sizes = [512, 253], strides = [1, 1]} : vector<512x256xf32> to vector<512x253xf32>
    %slice3A_436 = vector.extract_strided_slice %convert_element_type3A_379 {offsets = [0, 0], sizes = [512, 3], strides = [1, 1]} : vector<512x256xf32> to vector<512x3xf32>
    %concatenate3A_437 = tpu.concatenate %slice3A_435, %slice3A_436 in 1 : vector<512x253xf32>, vector<512x3xf32> -> vector<512x256xf32>
    %lt3A_438 = arith.constant 125 : i32
    %lt3A_439 = vector.broadcast %lt3A_438 : i32 to vector<512x256xi32>
    %lt3A_440 = arith.cmpi slt, %select_n3A_434, %lt3A_439 : vector<512x256xi32>
    %jit3A_441 = arith.constant 0.000000e+00 : f32
    %broadcast_in_dim3A_442 = vector.broadcast %jit3A_441 : f32 to vector<512x256xf32>
    %select_n3A_443 = arith.select %lt3A_440, %concatenate3A_437, %broadcast_in_dim3A_442 : vector<512x256xi1>, vector<512x256xf32>
    %convert_element_type3A_444 = arith.extf %get3A_365 : vector<512x1536xbf16> to vector<512x1536xf32>
    %slice3A_445 = vector.extract_strided_slice %convert_element_type3A_444 {offsets = [0, 0], sizes = [512, 512], strides = [1, 1]} : vector<512x1536xf32> to vector<512x512xf32>
    %dot_general3A_446 = arith.constant dense<0.000000e+00> : vector<512x256xf32>
    %dot_general3A_447 = tpu.matmul %slice3A_445, %select_n3A_411, %dot_general3A_446 {dimension_numbers = #tpu.dot_dimension_numbers<[1], [0], [0], [1], [0, 0, 1, 1], [], []>, precision = #tpu.contract_precision<fp32>, transpose_lhs_hint = false} : vector<512x512xf32>, vector<512x256xf32>, vector<512x256xf32> -> vector<512x256xf32>
    %slice3A_448 = vector.extract_strided_slice %convert_element_type3A_444 {offsets = [0, 512], sizes = [512, 512], strides = [1, 1]} : vector<512x1536xf32> to vector<512x512xf32>
    %dot_general3A_449 = arith.constant dense<0.000000e+00> : vector<512x256xf32>
    %dot_general3A_450 = tpu.matmul %slice3A_448, %convert_element_type3A_379, %dot_general3A_449 {dimension_numbers = #tpu.dot_dimension_numbers<[1], [0], [0], [1], [0, 0, 1, 1], [], []>, precision = #tpu.contract_precision<fp32>, transpose_lhs_hint = false} : vector<512x512xf32>, vector<512x256xf32>, vector<512x256xf32> -> vector<512x256xf32>
    %add3A_451 = arith.addf %dot_general3A_447, %dot_general3A_450 : vector<512x256xf32>
    %slice3A_452 = vector.extract_strided_slice %convert_element_type3A_444 {offsets = [0, 1024], sizes = [512, 512], strides = [1, 1]} : vector<512x1536xf32> to vector<512x512xf32>
    %dot_general3A_453 = arith.constant dense<0.000000e+00> : vector<512x256xf32>
    %dot_general3A_454 = tpu.matmul %slice3A_452, %select_n3A_443, %dot_general3A_453 {dimension_numbers = #tpu.dot_dimension_numbers<[1], [0], [0], [1], [0, 0, 1, 1], [], []>, precision = #tpu.contract_precision<fp32>, transpose_lhs_hint = false} : vector<512x512xf32>, vector<512x256xf32>, vector<512x256xf32> -> vector<512x256xf32>
    %add3A_455 = arith.addf %add3A_451, %dot_general3A_454 : vector<512x256xf32>
    %add3A_456 = vector.broadcast %get3A_368 : vector<512x1xf32> to vector<512x256xf32>
    %add3A_457 = arith.addf %add3A_455, %add3A_456 : vector<512x256xf32>
    %max3A_458 = arith.constant 0.000000e+00 : f32
    %max3A_459 = vector.broadcast %max3A_458 : f32 to vector<512x256xf32>
    %max3A_460 = arith.maximumf %add3A_457, %max3A_459 : vector<512x256xf32>
    %convert_element_type3A_461 = arith.extf %get3A_371 : vector<512x512xbf16> to vector<512x512xf32>
    %convert_element_type3A_462 = arith.truncf %max3A_460 : vector<512x256xf32> to vector<512x256xbf16>
    %convert_element_type3A_463 = arith.extf %convert_element_type3A_462 : vector<512x256xbf16> to vector<512x256xf32>
    %dot_general3A_464 = arith.constant dense<0.000000e+00> : vector<512x256xf32>
    %dot_general3A_465 = tpu.matmul %convert_element_type3A_461, %convert_element_type3A_463, %dot_general3A_464 {dimension_numbers = #tpu.dot_dimension_numbers<[1], [0], [0], [1], [0, 0, 1, 1], [], []>, precision = #tpu.contract_precision<fp32>, transpose_lhs_hint = false} : vector<512x512xf32>, vector<512x256xf32>, vector<512x256xf32> -> vector<512x256xf32>
    %add3A_466 = vector.broadcast %get3A_374 : vector<512x1xf32> to vector<512x256xf32>
    %add3A_467 = arith.addf %dot_general3A_465, %add3A_466 : vector<512x256xf32>
    %add3A_468 = arith.addf %add3A_362, %add3A_467 : vector<512x256xf32>
    %get3A_469 = arith.constant 0 : index
    %get3A_470 = arith.constant 0 : index
    %get3A_471 = vector.load %arg14[%get3A_469, %get3A_470] : memref<512x1536xbf16, #tpu.memory_space<vmem>>, vector<512x1536xbf16>
    %get3A_472 = arith.constant 0 : index
    %get3A_473 = arith.constant 0 : index
    %get3A_474 = vector.load %arg15[%get3A_472, %get3A_473] : memref<512x1xf32, #tpu.memory_space<vmem>>, vector<512x1xf32>
    %get3A_475 = arith.constant 0 : index
    %get3A_476 = arith.constant 0 : index
    %get3A_477 = vector.load %arg16[%get3A_475, %get3A_476] : memref<512x512xbf16, #tpu.memory_space<vmem>>, vector<512x512xbf16>
    %get3A_478 = arith.constant 0 : index
    %get3A_479 = arith.constant 0 : index
    %get3A_480 = vector.load %arg17[%get3A_478, %get3A_479] : memref<512x1xf32, #tpu.memory_space<vmem>>, vector<512x1xf32>
    %max3A_481 = arith.constant 0.000000e+00 : f32
    %max3A_482 = vector.broadcast %max3A_481 : f32 to vector<512x256xf32>
    %max3A_483 = arith.maximumf %add3A_468, %max3A_482 : vector<512x256xf32>
    %convert_element_type3A_484 = arith.truncf %max3A_483 : vector<512x256xf32> to vector<512x256xbf16>
    %convert_element_type3A_485 = arith.extf %convert_element_type3A_484 : vector<512x256xbf16> to vector<512x256xf32>
    %iota3A_486 = tpu.iota {dimensions = array<i32: 1>} : vector<512x256xi32>
    %jit3A_487 = arith.constant 128 : i32
    %eq3A_488 = arith.constant 0 : i32
    %eq3A_489 = arith.cmpi eq, %jit3A_487, %eq3A_488 : i32
    %jit3A_490 = arith.constant 1 : i32
    %select_n3A_491 = arith.select %eq3A_489, %jit3A_490, %jit3A_487 : i32
    %rem3A_492 = vector.broadcast %select_n3A_491 : i32 to vector<512x256xi32>
    %rem3A_493 = arith.remsi %iota3A_486, %rem3A_492 : vector<512x256xi32>
    %ne3A_494 = arith.constant 0 : i32
    %ne3A_495 = vector.broadcast %ne3A_494 : i32 to vector<512x256xi32>
    %ne3A_496 = arith.cmpi ne, %rem3A_493, %ne3A_495 : vector<512x256xi32>
    %lt3A_497 = arith.constant 0 : i32
    %lt3A_498 = vector.broadcast %lt3A_497 : i32 to vector<512x256xi32>
    %lt3A_499 = arith.cmpi slt, %rem3A_493, %lt3A_498 : vector<512x256xi32>
    %lt3A_500 = arith.constant 0 : i32
    %lt3A_501 = arith.cmpi slt, %select_n3A_491, %lt3A_500 : i32
    %ne3A_502 = vector.broadcast %lt3A_501 : i1 to vector<512x256xi1>
    %ne3A_503 = vector.broadcast %ne3A_502 : vector<512x256xi1> to vector<512x256xi1>
    %ne3A_504 = arith.xori %lt3A_499, %ne3A_503 : vector<512x256xi1>
    %and3A_505 = arith.andi %ne3A_504, %ne3A_496 : vector<512x256xi1>
    %add3A_506 = vector.broadcast %select_n3A_491 : i32 to vector<512x256xi32>
    %add3A_507 = arith.addi %rem3A_493, %add3A_506 : vector<512x256xi32>
    %select_n3A_508 = arith.select %and3A_505, %add3A_507, %rem3A_493 : vector<512x256xi1>, vector<512x256xi32>
    %slice3A_509 = vector.extract_strided_slice %convert_element_type3A_485 {offsets = [0, 247], sizes = [512, 9], strides = [1, 1]} : vector<512x256xf32> to vector<512x9xf32>
    %slice3A_510 = vector.extract_strided_slice %convert_element_type3A_485 {offsets = [0, 0], sizes = [512, 247], strides = [1, 1]} : vector<512x256xf32> to vector<512x247xf32>
    %concatenate3A_511 = tpu.concatenate %slice3A_509, %slice3A_510 in 1 : vector<512x9xf32>, vector<512x247xf32> -> vector<512x256xf32>
    %ge3A_512 = arith.constant 9 : i32
    %ge3A_513 = vector.broadcast %ge3A_512 : i32 to vector<512x256xi32>
    %ge3A_514 = arith.cmpi sge, %select_n3A_508, %ge3A_513 : vector<512x256xi32>
    %jit3A_515 = arith.constant 0.000000e+00 : f32
    %broadcast_in_dim3A_516 = vector.broadcast %jit3A_515 : f32 to vector<512x256xf32>
    %select_n3A_517 = arith.select %ge3A_514, %concatenate3A_511, %broadcast_in_dim3A_516 : vector<512x256xi1>, vector<512x256xf32>
    %iota3A_518 = tpu.iota {dimensions = array<i32: 1>} : vector<512x256xi32>
    %jit3A_519 = arith.constant 128 : i32
    %eq3A_520 = arith.constant 0 : i32
    %eq3A_521 = arith.cmpi eq, %jit3A_519, %eq3A_520 : i32
    %jit3A_522 = arith.constant 1 : i32
    %select_n3A_523 = arith.select %eq3A_521, %jit3A_522, %jit3A_519 : i32
    %rem3A_524 = vector.broadcast %select_n3A_523 : i32 to vector<512x256xi32>
    %rem3A_525 = arith.remsi %iota3A_518, %rem3A_524 : vector<512x256xi32>
    %ne3A_526 = arith.constant 0 : i32
    %ne3A_527 = vector.broadcast %ne3A_526 : i32 to vector<512x256xi32>
    %ne3A_528 = arith.cmpi ne, %rem3A_525, %ne3A_527 : vector<512x256xi32>
    %lt3A_529 = arith.constant 0 : i32
    %lt3A_530 = vector.broadcast %lt3A_529 : i32 to vector<512x256xi32>
    %lt3A_531 = arith.cmpi slt, %rem3A_525, %lt3A_530 : vector<512x256xi32>
    %lt3A_532 = arith.constant 0 : i32
    %lt3A_533 = arith.cmpi slt, %select_n3A_523, %lt3A_532 : i32
    %ne3A_534 = vector.broadcast %lt3A_533 : i1 to vector<512x256xi1>
    %ne3A_535 = vector.broadcast %ne3A_534 : vector<512x256xi1> to vector<512x256xi1>
    %ne3A_536 = arith.xori %lt3A_531, %ne3A_535 : vector<512x256xi1>
    %and3A_537 = arith.andi %ne3A_536, %ne3A_528 : vector<512x256xi1>
    %add3A_538 = vector.broadcast %select_n3A_523 : i32 to vector<512x256xi32>
    %add3A_539 = arith.addi %rem3A_525, %add3A_538 : vector<512x256xi32>
    %select_n3A_540 = arith.select %and3A_537, %add3A_539, %rem3A_525 : vector<512x256xi1>, vector<512x256xi32>
    %slice3A_541 = vector.extract_strided_slice %convert_element_type3A_485 {offsets = [0, 9], sizes = [512, 247], strides = [1, 1]} : vector<512x256xf32> to vector<512x247xf32>
    %slice3A_542 = vector.extract_strided_slice %convert_element_type3A_485 {offsets = [0, 0], sizes = [512, 9], strides = [1, 1]} : vector<512x256xf32> to vector<512x9xf32>
    %concatenate3A_543 = tpu.concatenate %slice3A_541, %slice3A_542 in 1 : vector<512x247xf32>, vector<512x9xf32> -> vector<512x256xf32>
    %lt3A_544 = arith.constant 119 : i32
    %lt3A_545 = vector.broadcast %lt3A_544 : i32 to vector<512x256xi32>
    %lt3A_546 = arith.cmpi slt, %select_n3A_540, %lt3A_545 : vector<512x256xi32>
    %jit3A_547 = arith.constant 0.000000e+00 : f32
    %broadcast_in_dim3A_548 = vector.broadcast %jit3A_547 : f32 to vector<512x256xf32>
    %select_n3A_549 = arith.select %lt3A_546, %concatenate3A_543, %broadcast_in_dim3A_548 : vector<512x256xi1>, vector<512x256xf32>
    %convert_element_type3A_550 = arith.extf %get3A_471 : vector<512x1536xbf16> to vector<512x1536xf32>
    %slice3A_551 = vector.extract_strided_slice %convert_element_type3A_550 {offsets = [0, 0], sizes = [512, 512], strides = [1, 1]} : vector<512x1536xf32> to vector<512x512xf32>
    %dot_general3A_552 = arith.constant dense<0.000000e+00> : vector<512x256xf32>
    %dot_general3A_553 = tpu.matmul %slice3A_551, %select_n3A_517, %dot_general3A_552 {dimension_numbers = #tpu.dot_dimension_numbers<[1], [0], [0], [1], [0, 0, 1, 1], [], []>, precision = #tpu.contract_precision<fp32>, transpose_lhs_hint = false} : vector<512x512xf32>, vector<512x256xf32>, vector<512x256xf32> -> vector<512x256xf32>
    %slice3A_554 = vector.extract_strided_slice %convert_element_type3A_550 {offsets = [0, 512], sizes = [512, 512], strides = [1, 1]} : vector<512x1536xf32> to vector<512x512xf32>
    %dot_general3A_555 = arith.constant dense<0.000000e+00> : vector<512x256xf32>
    %dot_general3A_556 = tpu.matmul %slice3A_554, %convert_element_type3A_485, %dot_general3A_555 {dimension_numbers = #tpu.dot_dimension_numbers<[1], [0], [0], [1], [0, 0, 1, 1], [], []>, precision = #tpu.contract_precision<fp32>, transpose_lhs_hint = false} : vector<512x512xf32>, vector<512x256xf32>, vector<512x256xf32> -> vector<512x256xf32>
    %add3A_557 = arith.addf %dot_general3A_553, %dot_general3A_556 : vector<512x256xf32>
    %slice3A_558 = vector.extract_strided_slice %convert_element_type3A_550 {offsets = [0, 1024], sizes = [512, 512], strides = [1, 1]} : vector<512x1536xf32> to vector<512x512xf32>
    %dot_general3A_559 = arith.constant dense<0.000000e+00> : vector<512x256xf32>
    %dot_general3A_560 = tpu.matmul %slice3A_558, %select_n3A_549, %dot_general3A_559 {dimension_numbers = #tpu.dot_dimension_numbers<[1], [0], [0], [1], [0, 0, 1, 1], [], []>, precision = #tpu.contract_precision<fp32>, transpose_lhs_hint = false} : vector<512x512xf32>, vector<512x256xf32>, vector<512x256xf32> -> vector<512x256xf32>
    %add3A_561 = arith.addf %add3A_557, %dot_general3A_560 : vector<512x256xf32>
    %add3A_562 = vector.broadcast %get3A_474 : vector<512x1xf32> to vector<512x256xf32>
    %add3A_563 = arith.addf %add3A_561, %add3A_562 : vector<512x256xf32>
    %max3A_564 = arith.constant 0.000000e+00 : f32
    %max3A_565 = vector.broadcast %max3A_564 : f32 to vector<512x256xf32>
    %max3A_566 = arith.maximumf %add3A_563, %max3A_565 : vector<512x256xf32>
    %convert_element_type3A_567 = arith.extf %get3A_477 : vector<512x512xbf16> to vector<512x512xf32>
    %convert_element_type3A_568 = arith.truncf %max3A_566 : vector<512x256xf32> to vector<512x256xbf16>
    %convert_element_type3A_569 = arith.extf %convert_element_type3A_568 : vector<512x256xbf16> to vector<512x256xf32>
    %dot_general3A_570 = arith.constant dense<0.000000e+00> : vector<512x256xf32>
    %dot_general3A_571 = tpu.matmul %convert_element_type3A_567, %convert_element_type3A_569, %dot_general3A_570 {dimension_numbers = #tpu.dot_dimension_numbers<[1], [0], [0], [1], [0, 0, 1, 1], [], []>, precision = #tpu.contract_precision<fp32>, transpose_lhs_hint = false} : vector<512x512xf32>, vector<512x256xf32>, vector<512x256xf32> -> vector<512x256xf32>
    %add3A_572 = vector.broadcast %get3A_480 : vector<512x1xf32> to vector<512x256xf32>
    %add3A_573 = arith.addf %dot_general3A_571, %add3A_572 : vector<512x256xf32>
    %add3A_574 = arith.addf %add3A_468, %add3A_573 : vector<512x256xf32>
    %swap3A = arith.constant 0 : index
    %swap3A_575 = arith.constant 0 : index
    %swap3A_576 = vector.load %arg18[%swap3A, %swap3A_575] : memref<512x256xf32, #tpu.memory_space<vmem>>, vector<512x256xf32>
    tpu.vector_store %arg18[%swap3A, %swap3A_575], %add3A_574 {strides = array<i32>} : memref<512x256xf32, #tpu.memory_space<vmem>>, vector<512x256xf32>,
    return
  }
  func.func @transform_0(%arg0: i32) -> (i32, i32, i32) {
    %c0_i32 = arith.constant 0 : i32
    %c0_i32_0 = arith.constant 0 : i32
    %c0_i32_1 = arith.constant 0 : i32
    return %arg0, %c0_i32, %c0_i32_0 : i32, i32, i32
  }
  func.func @transform_1(%arg0: i32) -> (i32, i32) {
    %c0_i32 = arith.constant 0 : i32
    %c0_i32_0 = arith.constant 0 : i32
    %c0_i32_1 = arith.constant 0 : i32
    return %c0_i32, %c0_i32_0 : i32, i32
  }
  func.func @transform_2(%arg0: i32) -> (i32, i32) {
    %c0_i32 = arith.constant 0 : i32
    %c0_i32_0 = arith.constant 0 : i32
    %c0_i32_1 = arith.constant 0 : i32
    return %c0_i32, %c0_i32_0 : i32, i32
  }
  func.func @transform_3(%arg0: i32) -> (i32, i32) {
    %c0_i32 = arith.constant 0 : i32
    %c0_i32_0 = arith.constant 0 : i32
    %c0_i32_1 = arith.constant 0 : i32
    return %c0_i32, %c0_i32_0 : i32, i32
  }
  func.func @transform_4(%arg0: i32) -> (i32, i32) {
    %c0_i32 = arith.constant 0 : i32
    %c0_i32_0 = arith.constant 0 : i32
    %c0_i32_1 = arith.constant 0 : i32
    return %c0_i32, %c0_i32_0 : i32, i32
  }
  func.func @transform_5(%arg0: i32) -> (i32, i32) {
    %c0_i32 = arith.constant 0 : i32
    %c0_i32_0 = arith.constant 0 : i32
    %c0_i32_1 = arith.constant 0 : i32
    return %c0_i32, %c0_i32_0 : i32, i32
  }
  func.func @transform_6(%arg0: i32) -> (i32, i32) {
    %c0_i32 = arith.constant 0 : i32
    %c0_i32_0 = arith.constant 0 : i32
    %c0_i32_1 = arith.constant 0 : i32
    return %c0_i32, %c0_i32_0 : i32, i32
  }
  func.func @transform_7(%arg0: i32) -> (i32, i32) {
    %c0_i32 = arith.constant 0 : i32
    %c0_i32_0 = arith.constant 0 : i32
    %c0_i32_1 = arith.constant 0 : i32
    return %c0_i32, %c0_i32_0 : i32, i32
  }
  func.func @transform_8(%arg0: i32) -> (i32, i32) {
    %c0_i32 = arith.constant 0 : i32
    %c0_i32_0 = arith.constant 0 : i32
    %c0_i32_1 = arith.constant 0 : i32
    return %c0_i32, %c0_i32_0 : i32, i32
  }
  func.func @transform_9(%arg0: i32) -> (i32, i32) {
    %c0_i32 = arith.constant 0 : i32
    %c0_i32_0 = arith.constant 0 : i32
    %c0_i32_1 = arith.constant 0 : i32
    return %c0_i32, %c0_i32_0 : i32, i32
  }
  func.func @transform_10(%arg0: i32) -> (i32, i32) {
    %c0_i32 = arith.constant 0 : i32
    %c0_i32_0 = arith.constant 0 : i32
    %c0_i32_1 = arith.constant 0 : i32
    return %c0_i32, %c0_i32_0 : i32, i32
  }
  func.func @transform_11(%arg0: i32) -> (i32, i32) {
    %c0_i32 = arith.constant 0 : i32
    %c0_i32_0 = arith.constant 0 : i32
    %c0_i32_1 = arith.constant 0 : i32
    return %c0_i32, %c0_i32_0 : i32, i32
  }
  func.func @transform_12(%arg0: i32) -> (i32, i32) {
    %c0_i32 = arith.constant 0 : i32
    %c0_i32_0 = arith.constant 0 : i32
    %c0_i32_1 = arith.constant 0 : i32
    return %c0_i32, %c0_i32_0 : i32, i32
  }
  func.func @transform_13(%arg0: i32) -> (i32, i32) {
    %c0_i32 = arith.constant 0 : i32
    %c0_i32_0 = arith.constant 0 : i32
    %c0_i32_1 = arith.constant 0 : i32
    return %c0_i32, %c0_i32_0 : i32, i32
  }
  func.func @transform_14(%arg0: i32) -> (i32, i32) {
    %c0_i32 = arith.constant 0 : i32
    %c0_i32_0 = arith.constant 0 : i32
    %c0_i32_1 = arith.constant 0 : i32
    return %c0_i32, %c0_i32_0 : i32, i32
  }
  func.func @transform_15(%arg0: i32) -> (i32, i32) {
    %c0_i32 = arith.constant 0 : i32
    %c0_i32_0 = arith.constant 0 : i32
    %c0_i32_1 = arith.constant 0 : i32
    return %c0_i32, %c0_i32_0 : i32, i32
  }
  func.func @transform_16(%arg0: i32) -> (i32, i32) {
    %c0_i32 = arith.constant 0 : i32
    %c0_i32_0 = arith.constant 0 : i32
    %c0_i32_1 = arith.constant 0 : i32
    return %c0_i32, %c0_i32_0 : i32, i32
  }
  func.func @transform_17(%arg0: i32) -> (i32, i32) {
    %c0_i32 = arith.constant 0 : i32
    %c0_i32_0 = arith.constant 0 : i32
    return %c0_i32, %arg0 : i32, i32
  }
}

module attributes {stable_mosaic.version = 14 : i64} {
  func.func @body(%arg0: i32, %arg1: memref<512x256xf32, #tpu.memory_space<vmem>>, %arg2: memref<1024x512xf32, #tpu.memory_space<vmem>>, %arg3: memref<1x1x256xi32, #tpu.memory_space<vmem>>, %arg4: memref<1x4x256xi32, #tpu.memory_space<vmem>>, %arg5: memref<1x1xf32, #tpu.memory_space<vmem>>) attributes {dimension_semantics = [#tpu.dimension_semantics<arbitrary>], iteration_bounds = array<i64: 8>, scalar_prefetch = 0 : i64, scratch_operands = 0 : i64, tpu.core_type = #tpu.core_type<tc>, window_params = [{transform_indices = @transform_0, window_bounds = array<i64: 512, 256>}, {pipeline_mode = #tpu.pipeline_mode<synchronous>, transform_indices = @transform_1, window_bounds = array<i64: 1024, 512>}, {transform_indices = @transform_2, window_bounds = array<i64: 1, 1, 256>}, {transform_indices = @transform_3, window_bounds = array<i64: 1, 4, 256>}, {pipeline_mode = #tpu.pipeline_mode<synchronous>, transform_indices = @transform_4, window_bounds = array<i64: 1, 1>}]} {
    %get3A = arith.constant 0 : index
    %get3A_0 = arith.constant 0 : index
    %get3A_1 = vector.load %arg1[%get3A, %get3A_0] : memref<512x256xf32, #tpu.memory_space<vmem>>, vector<512x256xf32>
    %get3A_2 = arith.constant 0 : index
    %get3A_3 = arith.constant 0 : index
    %get3A_4 = vector.load %arg2[%get3A_2, %get3A_3] : memref<1024x512xf32, #tpu.memory_space<vmem>>, vector<1024x512xf32>
    %mul3A = arith.mulf %get3A_4, %get3A_4 : vector<1024x512xf32>
    %reduce_sum3A = arith.constant dense<0.000000e+00> : vector<1024xf32>
    %reduce_sum3A_5 = vector.multi_reduction <add>, %mul3A, %reduce_sum3A [1] : vector<1024x512xf32> to vector<1024xf32>
    %broadcast_in_dim3A = vector.shape_cast %reduce_sum3A_5 : vector<1024xf32> to vector<1024x1xf32>
    %mul3A_6 = arith.mulf %get3A_1, %get3A_1 : vector<512x256xf32>
    %reduce_sum3A_7 = arith.constant dense<0.000000e+00> : vector<256xf32>
    %reduce_sum3A_8 = vector.multi_reduction <add>, %mul3A_6, %reduce_sum3A_7 [0] : vector<512x256xf32> to vector<256xf32>
    %broadcast_in_dim3A_9 = vector.shape_cast %reduce_sum3A_8 : vector<256xf32> to vector<1x256xf32>
    %dot_general3A = arith.constant dense<0.000000e+00> : vector<1024x256xf32>
    %dot_general3A_10 = tpu.matmul %get3A_4, %get3A_1, %dot_general3A {dimension_numbers = #tpu.dot_dimension_numbers<[1], [0], [0], [1], [0, 0, 1, 1], [], []>, transpose_lhs_hint = false} : vector<1024x512xf32>, vector<512x256xf32>, vector<1024x256xf32> -> vector<1024x256xf32>
    %mul3A_11 = arith.constant 2.000000e+00 : f32
    %mul3A_12 = vector.broadcast %mul3A_11 : f32 to vector<1024x256xf32>
    %mul3A_13 = arith.mulf %mul3A_12, %dot_general3A_10 : vector<1024x256xf32>
    %sub3A = vector.broadcast %broadcast_in_dim3A_9 : vector<1x256xf32> to vector<1024x256xf32>
    %sub3A_14 = arith.subf %sub3A, %mul3A_13 : vector<1024x256xf32>
    %add3A = vector.broadcast %broadcast_in_dim3A : vector<1024x1xf32> to vector<1024x256xf32>
    %add3A_15 = arith.addf %sub3A_14, %add3A : vector<1024x256xf32>
    %reduce_min3A = arith.constant dense<0x7F800000> : vector<256xf32>
    %reduce_min3A_16 = vector.multi_reduction <minimumf>, %add3A_15, %reduce_min3A [0] : vector<1024x256xf32> to vector<256xf32>
    %broadcast_in_dim3A_17 = vector.shape_cast %reduce_min3A_16 : vector<256xf32> to vector<1x256xf32>
    %iota3A = tpu.iota {dimensions = array<i32: 0>} : vector<1024x256xi32>
    %eq3A = vector.broadcast %broadcast_in_dim3A_17 : vector<1x256xf32> to vector<1024x256xf32>
    %eq3A_18 = arith.cmpf oeq, %add3A_15, %eq3A : vector<1024x256xf32>
    %jit3A = arith.constant 1024 : i32
    %broadcast_in_dim3A_19 = vector.broadcast %jit3A : i32 to vector<1024x256xi32>
    %select_n3A = arith.select %eq3A_18, %iota3A, %broadcast_in_dim3A_19 : vector<1024x256xi1>, vector<1024x256xi32>
    %reduce_min3A_20 = arith.constant dense<2147483647> : vector<256xi32>
    %reduce_min3A_21 = vector.multi_reduction <minsi>, %select_n3A, %reduce_min3A_20 [0] : vector<1024x256xi32> to vector<256xi32>
    %broadcast_in_dim3A_22 = vector.shape_cast %reduce_min3A_21 : vector<256xi32> to vector<1x256xi32>
    %swap3A = arith.constant 0 : index
    %swap3A_23 = arith.constant 0 : index
    %swap3A_24 = arith.constant 0 : index
    %swap3A_25 = vector.load %arg3[%swap3A, %swap3A_23, %swap3A_24] : memref<1x1x256xi32, #tpu.memory_space<vmem>>, vector<1x1x256xi32>
    %swap3A_26 = vector.shape_cast %swap3A_25 : vector<1x1x256xi32> to vector<1x256xi32>
    %swap3A_27 = vector.shape_cast %broadcast_in_dim3A_22 : vector<1x256xi32> to vector<1x1x256xi32>
    tpu.vector_store %arg3[%swap3A, %swap3A_23, %swap3A_24], %swap3A_27 {strides = array<i32>} : memref<1x1x256xi32, #tpu.memory_space<vmem>>, vector<1x1x256xi32>,
    %iota3A_28 = tpu.iota {dimensions = array<i32: 0>} : vector<4x256xi32>
    %mul3A_29 = arith.constant 4 : i32
    %mul3A_30 = vector.broadcast %mul3A_29 : i32 to vector<1x256xi32>
    %mul3A_31 = arith.muli %mul3A_30, %broadcast_in_dim3A_22 : vector<1x256xi32>
    %add3A_32 = vector.broadcast %mul3A_31 : vector<1x256xi32> to vector<4x256xi32>
    %add3A_33 = arith.addi %add3A_32, %iota3A_28 : vector<4x256xi32>
    %swap3A_34 = arith.constant 0 : index
    %swap3A_35 = arith.constant 0 : index
    %swap3A_36 = arith.constant 0 : index
    %swap3A_37 = vector.load %arg4[%swap3A_34, %swap3A_35, %swap3A_36] : memref<1x4x256xi32, #tpu.memory_space<vmem>>, vector<1x4x256xi32>
    %swap3A_38 = vector.shape_cast %swap3A_37 : vector<1x4x256xi32> to vector<4x256xi32>
    %swap3A_39 = vector.shape_cast %add3A_33 : vector<4x256xi32> to vector<1x4x256xi32>
    tpu.vector_store %arg4[%swap3A_34, %swap3A_35, %swap3A_36], %swap3A_39 {strides = array<i32>} : memref<1x4x256xi32, #tpu.memory_space<vmem>>, vector<1x4x256xi32>,
    %reduce_sum3A_40 = vector.shape_cast %broadcast_in_dim3A_17 : vector<1x256xf32> to vector<1x1x256xf32>
    %reduce_sum3A_41 = arith.constant dense<0.000000e+00> : vector<1xf32>
    %reduce_sum3A_42 = vector.multi_reduction <add>, %reduce_sum3A_40, %reduce_sum3A_41 [1, 2] : vector<1x1x256xf32> to vector<1xf32>
    %reduce_sum3A_43 = vector.shape_cast %reduce_sum3A_42 : vector<1xf32> to vector<1x1x1xf32>
    %reduce_sum3A_44 = vector.extract %reduce_sum3A_43[0, 0, 0] : f32 from vector<1x1x1xf32>
    %reshape3A = vector.broadcast %reduce_sum3A_44 : f32 to vector<1x1xf32>
    %eq3A_45 = arith.constant 0 : i32
    %eq3A_46 = arith.cmpi eq, %arg0, %eq3A_45 : i32
    %convert_element_type3A = arith.extui %eq3A_46 : i1 to i32
    %cond3A = arith.constant 0 : i32
    %cond3A_47 = arith.cmpi ne, %convert_element_type3A, %cond3A : i32
    scf.if %cond3A_47 {
      %swap3A_57 = arith.constant 0 : index
      %swap3A_58 = arith.constant 0 : index
      %swap3A_59 = vector.load %arg5[%swap3A_57, %swap3A_58] : memref<1x1xf32, #tpu.memory_space<vmem>>, vector<1x1xf32>
      tpu.vector_store %arg5[%swap3A_57, %swap3A_58], %reshape3A {strides = array<i32>} : memref<1x1xf32, #tpu.memory_space<vmem>>, vector<1x1xf32>,
    } else {
    }
    %ne3A = arith.constant 0 : i32
    %ne3A_48 = arith.cmpi ne, %arg0, %ne3A : i32
    %convert_element_type3A_49 = arith.extui %ne3A_48 : i1 to i32
    %cond3A_50 = arith.constant 0 : i32
    %cond3A_51 = arith.cmpi ne, %convert_element_type3A_49, %cond3A_50 : i32
    scf.if %cond3A_51 {
      %get3A_57 = arith.constant 0 : index
      %get3A_58 = arith.constant 0 : index
      %get3A_59 = vector.load %arg5[%get3A_57, %get3A_58] : memref<1x1xf32, #tpu.memory_space<vmem>>, vector<1x1xf32>
      %add3A_60 = arith.addf %get3A_59, %reshape3A : vector<1x1xf32>
      %swap3A_61 = arith.constant 0 : index
      %swap3A_62 = arith.constant 0 : index
      %swap3A_63 = vector.load %arg5[%swap3A_61, %swap3A_62] : memref<1x1xf32, #tpu.memory_space<vmem>>, vector<1x1xf32>
      tpu.vector_store %arg5[%swap3A_61, %swap3A_62], %add3A_60 {strides = array<i32>} : memref<1x1xf32, #tpu.memory_space<vmem>>, vector<1x1xf32>,
    } else {
    }
    %eq3A_52 = arith.constant 7 : i32
    %eq3A_53 = arith.cmpi eq, %arg0, %eq3A_52 : i32
    %convert_element_type3A_54 = arith.extui %eq3A_53 : i1 to i32
    %cond3A_55 = arith.constant 0 : i32
    %cond3A_56 = arith.cmpi ne, %convert_element_type3A_54, %cond3A_55 : i32
    scf.if %cond3A_56 {
      %get3A_57 = arith.constant 0 : index
      %get3A_58 = arith.constant 0 : index
      %get3A_59 = vector.load %arg5[%get3A_57, %get3A_58] : memref<1x1xf32, #tpu.memory_space<vmem>>, vector<1x1xf32>
      %div3A = arith.constant 0x49800000 : f32
      %div3A_60 = vector.broadcast %div3A : f32 to vector<1x1xf32>
      %div3A_61 = arith.divf %get3A_59, %div3A_60 : vector<1x1xf32>
      %swap3A_62 = arith.constant 0 : index
      %swap3A_63 = arith.constant 0 : index
      %swap3A_64 = vector.load %arg5[%swap3A_62, %swap3A_63] : memref<1x1xf32, #tpu.memory_space<vmem>>, vector<1x1xf32>
      tpu.vector_store %arg5[%swap3A_62, %swap3A_63], %div3A_61 {strides = array<i32>} : memref<1x1xf32, #tpu.memory_space<vmem>>, vector<1x1xf32>,
    } else {
    }
    return
  }
  func.func @transform_0(%arg0: i32) -> (i32, i32) {
    %c0_i32 = arith.constant 0 : i32
    %c0_i32_0 = arith.constant 0 : i32
    return %c0_i32, %arg0 : i32, i32
  }
  func.func @transform_1(%arg0: i32) -> (i32, i32) {
    %c0_i32 = arith.constant 0 : i32
    %c0_i32_0 = arith.constant 0 : i32
    %c0_i32_1 = arith.constant 0 : i32
    return %c0_i32, %c0_i32_0 : i32, i32
  }
  func.func @transform_2(%arg0: i32) -> (i32, i32, i32) {
    %c0_i32 = arith.constant 0 : i32
    %c0_i32_0 = arith.constant 0 : i32
    %c0_i32_1 = arith.constant 0 : i32
    return %arg0, %c0_i32, %c0_i32_0 : i32, i32, i32
  }
  func.func @transform_3(%arg0: i32) -> (i32, i32, i32) {
    %c0_i32 = arith.constant 0 : i32
    %c0_i32_0 = arith.constant 0 : i32
    %c0_i32_1 = arith.constant 0 : i32
    return %arg0, %c0_i32, %c0_i32_0 : i32, i32, i32
  }
  func.func @transform_4(%arg0: i32) -> (i32, i32) {
    %c0_i32 = arith.constant 0 : i32
    %c0_i32_0 = arith.constant 0 : i32
    %c0_i32_1 = arith.constant 0 : i32
    return %c0_i32, %c0_i32_0 : i32, i32
  }
}

module attributes {stable_mosaic.version = 14 : i64} {
  func.func @body(%arg0: i32, %arg1: memref<512x256xf32, #tpu.memory_space<vmem>>, %arg2: memref<512x1536xbf16, #tpu.memory_space<vmem>>, %arg3: memref<512x1xf32, #tpu.memory_space<vmem>>, %arg4: memref<512x1536xbf16, #tpu.memory_space<vmem>>, %arg5: memref<512x1xf32, #tpu.memory_space<vmem>>, %arg6: memref<512x512xbf16, #tpu.memory_space<vmem>>, %arg7: memref<512x1xf32, #tpu.memory_space<vmem>>, %arg8: memref<512x1536xbf16, #tpu.memory_space<vmem>>, %arg9: memref<512x1xf32, #tpu.memory_space<vmem>>, %arg10: memref<512x512xbf16, #tpu.memory_space<vmem>>, %arg11: memref<512x1xf32, #tpu.memory_space<vmem>>, %arg12: memref<512x1536xbf16, #tpu.memory_space<vmem>>, %arg13: memref<512x1xf32, #tpu.memory_space<vmem>>, %arg14: memref<512x512xbf16, #tpu.memory_space<vmem>>, %arg15: memref<512x1xf32, #tpu.memory_space<vmem>>, %arg16: memref<512x1536xbf16, #tpu.memory_space<vmem>>, %arg17: memref<512x1xf32, #tpu.memory_space<vmem>>, %arg18: memref<512x512xf32, #tpu.memory_space<vmem>>) attributes {dimension_semantics = [#tpu.dimension_semantics<parallel>], iteration_bounds = array<i64: 8>, scalar_prefetch = 0 : i64, scratch_operands = 0 : i64, tpu.core_type = #tpu.core_type<tc>, window_params = [{transform_indices = @transform_0, window_bounds = array<i64: 512, 256>}, {pipeline_mode = #tpu.pipeline_mode<synchronous>, transform_indices = @transform_1, window_bounds = array<i64: 512, 1536>}, {pipeline_mode = #tpu.pipeline_mode<synchronous>, transform_indices = @transform_2, window_bounds = array<i64: 512, 1>}, {pipeline_mode = #tpu.pipeline_mode<synchronous>, transform_indices = @transform_3, window_bounds = array<i64: 512, 1536>}, {pipeline_mode = #tpu.pipeline_mode<synchronous>, transform_indices = @transform_4, window_bounds = array<i64: 512, 1>}, {pipeline_mode = #tpu.pipeline_mode<synchronous>, transform_indices = @transform_5, window_bounds = array<i64: 512, 512>}, {pipeline_mode = #tpu.pipeline_mode<synchronous>, transform_indices = @transform_6, window_bounds = array<i64: 512, 1>}, {pipeline_mode = #tpu.pipeline_mode<synchronous>, transform_indices = @transform_7, window_bounds = array<i64: 512, 1536>}, {pipeline_mode = #tpu.pipeline_mode<synchronous>, transform_indices = @transform_8, window_bounds = array<i64: 512, 1>}, {pipeline_mode = #tpu.pipeline_mode<synchronous>, transform_indices = @transform_9, window_bounds = array<i64: 512, 512>}, {pipeline_mode = #tpu.pipeline_mode<synchronous>, transform_indices = @transform_10, window_bounds = array<i64: 512, 1>}, {pipeline_mode = #tpu.pipeline_mode<synchronous>, transform_indices = @transform_11, window_bounds = array<i64: 512, 1536>}, {pipeline_mode = #tpu.pipeline_mode<synchronous>, transform_indices = @transform_12, window_bounds = array<i64: 512, 1>}, {pipeline_mode = #tpu.pipeline_mode<synchronous>, transform_indices = @transform_13, window_bounds = array<i64: 512, 512>}, {pipeline_mode = #tpu.pipeline_mode<synchronous>, transform_indices = @transform_14, window_bounds = array<i64: 512, 1>}, {pipeline_mode = #tpu.pipeline_mode<synchronous>, transform_indices = @transform_15, window_bounds = array<i64: 512, 1536>}, {pipeline_mode = #tpu.pipeline_mode<synchronous>, transform_indices = @transform_16, window_bounds = array<i64: 512, 1>}, {transform_indices = @transform_17, window_bounds = array<i64: 512, 512>}]} {
    %get3A = arith.constant 0 : index
    %get3A_0 = arith.constant 0 : index
    %get3A_1 = vector.load %arg1[%get3A, %get3A_0] : memref<512x256xf32, #tpu.memory_space<vmem>>, vector<512x256xf32>
    %get3A_2 = arith.constant 0 : index
    %get3A_3 = arith.constant 0 : index
    %get3A_4 = vector.load %arg2[%get3A_2, %get3A_3] : memref<512x1536xbf16, #tpu.memory_space<vmem>>, vector<512x1536xbf16>
    %get3A_5 = arith.constant 0 : index
    %get3A_6 = arith.constant 0 : index
    %get3A_7 = vector.load %arg3[%get3A_5, %get3A_6] : memref<512x1xf32, #tpu.memory_space<vmem>>, vector<512x1xf32>
    %convert_element_type3A = arith.truncf %get3A_1 : vector<512x256xf32> to vector<512x256xbf16>
    %convert_element_type3A_8 = arith.extf %convert_element_type3A : vector<512x256xbf16> to vector<512x256xf32>
    %iota3A = tpu.iota {dimensions = array<i32: 1>} : vector<512x256xi32>
    %jit3A = arith.constant 64 : i32
    %eq3A = arith.constant 0 : i32
    %eq3A_9 = arith.cmpi eq, %jit3A, %eq3A : i32
    %jit3A_10 = arith.constant 1 : i32
    %select_n3A = arith.select %eq3A_9, %jit3A_10, %jit3A : i32
    %rem3A = vector.broadcast %select_n3A : i32 to vector<512x256xi32>
    %rem3A_11 = arith.remsi %iota3A, %rem3A : vector<512x256xi32>
    %ne3A = arith.constant 0 : i32
    %ne3A_12 = vector.broadcast %ne3A : i32 to vector<512x256xi32>
    %ne3A_13 = arith.cmpi ne, %rem3A_11, %ne3A_12 : vector<512x256xi32>
    %lt3A = arith.constant 0 : i32
    %lt3A_14 = vector.broadcast %lt3A : i32 to vector<512x256xi32>
    %lt3A_15 = arith.cmpi slt, %rem3A_11, %lt3A_14 : vector<512x256xi32>
    %lt3A_16 = arith.constant 0 : i32
    %lt3A_17 = arith.cmpi slt, %select_n3A, %lt3A_16 : i32
    %ne3A_18 = vector.broadcast %lt3A_17 : i1 to vector<512x256xi1>
    %ne3A_19 = vector.broadcast %ne3A_18 : vector<512x256xi1> to vector<512x256xi1>
    %ne3A_20 = arith.xori %lt3A_15, %ne3A_19 : vector<512x256xi1>
    %and3A = arith.andi %ne3A_20, %ne3A_13 : vector<512x256xi1>
    %add3A = vector.broadcast %select_n3A : i32 to vector<512x256xi32>
    %add3A_21 = arith.addi %rem3A_11, %add3A : vector<512x256xi32>
    %select_n3A_22 = arith.select %and3A, %add3A_21, %rem3A_11 : vector<512x256xi1>, vector<512x256xi32>
    %slice3A = vector.extract_strided_slice %convert_element_type3A_8 {offsets = [0, 255], sizes = [512, 1], strides = [1, 1]} : vector<512x256xf32> to vector<512x1xf32>
    %slice3A_23 = vector.extract_strided_slice %convert_element_type3A_8 {offsets = [0, 0], sizes = [512, 255], strides = [1, 1]} : vector<512x256xf32> to vector<512x255xf32>
    %concatenate3A = tpu.concatenate %slice3A, %slice3A_23 in 1 : vector<512x1xf32>, vector<512x255xf32> -> vector<512x256xf32>
    %ge3A = arith.constant 1 : i32
    %ge3A_24 = vector.broadcast %ge3A : i32 to vector<512x256xi32>
    %ge3A_25 = arith.cmpi sge, %select_n3A_22, %ge3A_24 : vector<512x256xi32>
    %jit3A_26 = arith.constant 0.000000e+00 : f32
    %broadcast_in_dim3A = vector.broadcast %jit3A_26 : f32 to vector<512x256xf32>
    %select_n3A_27 = arith.select %ge3A_25, %concatenate3A, %broadcast_in_dim3A : vector<512x256xi1>, vector<512x256xf32>
    %iota3A_28 = tpu.iota {dimensions = array<i32: 1>} : vector<512x256xi32>
    %jit3A_29 = arith.constant 64 : i32
    %eq3A_30 = arith.constant 0 : i32
    %eq3A_31 = arith.cmpi eq, %jit3A_29, %eq3A_30 : i32
    %jit3A_32 = arith.constant 1 : i32
    %select_n3A_33 = arith.select %eq3A_31, %jit3A_32, %jit3A_29 : i32
    %rem3A_34 = vector.broadcast %select_n3A_33 : i32 to vector<512x256xi32>
    %rem3A_35 = arith.remsi %iota3A_28, %rem3A_34 : vector<512x256xi32>
    %ne3A_36 = arith.constant 0 : i32
    %ne3A_37 = vector.broadcast %ne3A_36 : i32 to vector<512x256xi32>
    %ne3A_38 = arith.cmpi ne, %rem3A_35, %ne3A_37 : vector<512x256xi32>
    %lt3A_39 = arith.constant 0 : i32
    %lt3A_40 = vector.broadcast %lt3A_39 : i32 to vector<512x256xi32>
    %lt3A_41 = arith.cmpi slt, %rem3A_35, %lt3A_40 : vector<512x256xi32>
    %lt3A_42 = arith.constant 0 : i32
    %lt3A_43 = arith.cmpi slt, %select_n3A_33, %lt3A_42 : i32
    %ne3A_44 = vector.broadcast %lt3A_43 : i1 to vector<512x256xi1>
    %ne3A_45 = vector.broadcast %ne3A_44 : vector<512x256xi1> to vector<512x256xi1>
    %ne3A_46 = arith.xori %lt3A_41, %ne3A_45 : vector<512x256xi1>
    %and3A_47 = arith.andi %ne3A_46, %ne3A_38 : vector<512x256xi1>
    %add3A_48 = vector.broadcast %select_n3A_33 : i32 to vector<512x256xi32>
    %add3A_49 = arith.addi %rem3A_35, %add3A_48 : vector<512x256xi32>
    %select_n3A_50 = arith.select %and3A_47, %add3A_49, %rem3A_35 : vector<512x256xi1>, vector<512x256xi32>
    %slice3A_51 = vector.extract_strided_slice %convert_element_type3A_8 {offsets = [0, 1], sizes = [512, 255], strides = [1, 1]} : vector<512x256xf32> to vector<512x255xf32>
    %slice3A_52 = vector.extract_strided_slice %convert_element_type3A_8 {offsets = [0, 0], sizes = [512, 1], strides = [1, 1]} : vector<512x256xf32> to vector<512x1xf32>
    %concatenate3A_53 = tpu.concatenate %slice3A_51, %slice3A_52 in 1 : vector<512x255xf32>, vector<512x1xf32> -> vector<512x256xf32>
    %lt3A_54 = arith.constant 63 : i32
    %lt3A_55 = vector.broadcast %lt3A_54 : i32 to vector<512x256xi32>
    %lt3A_56 = arith.cmpi slt, %select_n3A_50, %lt3A_55 : vector<512x256xi32>
    %jit3A_57 = arith.constant 0.000000e+00 : f32
    %broadcast_in_dim3A_58 = vector.broadcast %jit3A_57 : f32 to vector<512x256xf32>
    %select_n3A_59 = arith.select %lt3A_56, %concatenate3A_53, %broadcast_in_dim3A_58 : vector<512x256xi1>, vector<512x256xf32>
    %convert_element_type3A_60 = arith.extf %get3A_4 : vector<512x1536xbf16> to vector<512x1536xf32>
    %slice3A_61 = vector.extract_strided_slice %convert_element_type3A_60 {offsets = [0, 0], sizes = [512, 512], strides = [1, 1]} : vector<512x1536xf32> to vector<512x512xf32>
    %dot_general3A = arith.constant dense<0.000000e+00> : vector<512x256xf32>
    %dot_general3A_62 = tpu.matmul %slice3A_61, %select_n3A_27, %dot_general3A {dimension_numbers = #tpu.dot_dimension_numbers<[1], [0], [0], [1], [0, 0, 1, 1], [], []>, precision = #tpu.contract_precision<fp32>, transpose_lhs_hint = false} : vector<512x512xf32>, vector<512x256xf32>, vector<512x256xf32> -> vector<512x256xf32>
    %slice3A_63 = vector.extract_strided_slice %convert_element_type3A_60 {offsets = [0, 512], sizes = [512, 512], strides = [1, 1]} : vector<512x1536xf32> to vector<512x512xf32>
    %dot_general3A_64 = arith.constant dense<0.000000e+00> : vector<512x256xf32>
    %dot_general3A_65 = tpu.matmul %slice3A_63, %convert_element_type3A_8, %dot_general3A_64 {dimension_numbers = #tpu.dot_dimension_numbers<[1], [0], [0], [1], [0, 0, 1, 1], [], []>, precision = #tpu.contract_precision<fp32>, transpose_lhs_hint = false} : vector<512x512xf32>, vector<512x256xf32>, vector<512x256xf32> -> vector<512x256xf32>
    %add3A_66 = arith.addf %dot_general3A_62, %dot_general3A_65 : vector<512x256xf32>
    %slice3A_67 = vector.extract_strided_slice %convert_element_type3A_60 {offsets = [0, 1024], sizes = [512, 512], strides = [1, 1]} : vector<512x1536xf32> to vector<512x512xf32>
    %dot_general3A_68 = arith.constant dense<0.000000e+00> : vector<512x256xf32>
    %dot_general3A_69 = tpu.matmul %slice3A_67, %select_n3A_59, %dot_general3A_68 {dimension_numbers = #tpu.dot_dimension_numbers<[1], [0], [0], [1], [0, 0, 1, 1], [], []>, precision = #tpu.contract_precision<fp32>, transpose_lhs_hint = false} : vector<512x512xf32>, vector<512x256xf32>, vector<512x256xf32> -> vector<512x256xf32>
    %add3A_70 = arith.addf %add3A_66, %dot_general3A_69 : vector<512x256xf32>
    %add3A_71 = vector.broadcast %get3A_7 : vector<512x1xf32> to vector<512x256xf32>
    %add3A_72 = arith.addf %add3A_70, %add3A_71 : vector<512x256xf32>
    %max3A = arith.constant 0.000000e+00 : f32
    %max3A_73 = vector.broadcast %max3A : f32 to vector<512x256xf32>
    %max3A_74 = arith.maximumf %add3A_72, %max3A_73 : vector<512x256xf32>
    %get3A_75 = arith.constant 0 : index
    %get3A_76 = arith.constant 0 : index
    %get3A_77 = vector.load %arg4[%get3A_75, %get3A_76] : memref<512x1536xbf16, #tpu.memory_space<vmem>>, vector<512x1536xbf16>
    %get3A_78 = arith.constant 0 : index
    %get3A_79 = arith.constant 0 : index
    %get3A_80 = vector.load %arg5[%get3A_78, %get3A_79] : memref<512x1xf32, #tpu.memory_space<vmem>>, vector<512x1xf32>
    %get3A_81 = arith.constant 0 : index
    %get3A_82 = arith.constant 0 : index
    %get3A_83 = vector.load %arg6[%get3A_81, %get3A_82] : memref<512x512xbf16, #tpu.memory_space<vmem>>, vector<512x512xbf16>
    %get3A_84 = arith.constant 0 : index
    %get3A_85 = arith.constant 0 : index
    %get3A_86 = vector.load %arg7[%get3A_84, %get3A_85] : memref<512x1xf32, #tpu.memory_space<vmem>>, vector<512x1xf32>
    %max3A_87 = arith.constant 0.000000e+00 : f32
    %max3A_88 = vector.broadcast %max3A_87 : f32 to vector<512x256xf32>
    %max3A_89 = arith.maximumf %max3A_74, %max3A_88 : vector<512x256xf32>
    %convert_element_type3A_90 = arith.truncf %max3A_89 : vector<512x256xf32> to vector<512x256xbf16>
    %convert_element_type3A_91 = arith.extf %convert_element_type3A_90 : vector<512x256xbf16> to vector<512x256xf32>
    %iota3A_92 = tpu.iota {dimensions = array<i32: 1>} : vector<512x256xi32>
    %jit3A_93 = arith.constant 64 : i32
    %eq3A_94 = arith.constant 0 : i32
    %eq3A_95 = arith.cmpi eq, %jit3A_93, %eq3A_94 : i32
    %jit3A_96 = arith.constant 1 : i32
    %select_n3A_97 = arith.select %eq3A_95, %jit3A_96, %jit3A_93 : i32
    %rem3A_98 = vector.broadcast %select_n3A_97 : i32 to vector<512x256xi32>
    %rem3A_99 = arith.remsi %iota3A_92, %rem3A_98 : vector<512x256xi32>
    %ne3A_100 = arith.constant 0 : i32
    %ne3A_101 = vector.broadcast %ne3A_100 : i32 to vector<512x256xi32>
    %ne3A_102 = arith.cmpi ne, %rem3A_99, %ne3A_101 : vector<512x256xi32>
    %lt3A_103 = arith.constant 0 : i32
    %lt3A_104 = vector.broadcast %lt3A_103 : i32 to vector<512x256xi32>
    %lt3A_105 = arith.cmpi slt, %rem3A_99, %lt3A_104 : vector<512x256xi32>
    %lt3A_106 = arith.constant 0 : i32
    %lt3A_107 = arith.cmpi slt, %select_n3A_97, %lt3A_106 : i32
    %ne3A_108 = vector.broadcast %lt3A_107 : i1 to vector<512x256xi1>
    %ne3A_109 = vector.broadcast %ne3A_108 : vector<512x256xi1> to vector<512x256xi1>
    %ne3A_110 = arith.xori %lt3A_105, %ne3A_109 : vector<512x256xi1>
    %and3A_111 = arith.andi %ne3A_110, %ne3A_102 : vector<512x256xi1>
    %add3A_112 = vector.broadcast %select_n3A_97 : i32 to vector<512x256xi32>
    %add3A_113 = arith.addi %rem3A_99, %add3A_112 : vector<512x256xi32>
    %select_n3A_114 = arith.select %and3A_111, %add3A_113, %rem3A_99 : vector<512x256xi1>, vector<512x256xi32>
    %slice3A_115 = vector.extract_strided_slice %convert_element_type3A_91 {offsets = [0, 247], sizes = [512, 9], strides = [1, 1]} : vector<512x256xf32> to vector<512x9xf32>
    %slice3A_116 = vector.extract_strided_slice %convert_element_type3A_91 {offsets = [0, 0], sizes = [512, 247], strides = [1, 1]} : vector<512x256xf32> to vector<512x247xf32>
    %concatenate3A_117 = tpu.concatenate %slice3A_115, %slice3A_116 in 1 : vector<512x9xf32>, vector<512x247xf32> -> vector<512x256xf32>
    %ge3A_118 = arith.constant 9 : i32
    %ge3A_119 = vector.broadcast %ge3A_118 : i32 to vector<512x256xi32>
    %ge3A_120 = arith.cmpi sge, %select_n3A_114, %ge3A_119 : vector<512x256xi32>
    %jit3A_121 = arith.constant 0.000000e+00 : f32
    %broadcast_in_dim3A_122 = vector.broadcast %jit3A_121 : f32 to vector<512x256xf32>
    %select_n3A_123 = arith.select %ge3A_120, %concatenate3A_117, %broadcast_in_dim3A_122 : vector<512x256xi1>, vector<512x256xf32>
    %iota3A_124 = tpu.iota {dimensions = array<i32: 1>} : vector<512x256xi32>
    %jit3A_125 = arith.constant 64 : i32
    %eq3A_126 = arith.constant 0 : i32
    %eq3A_127 = arith.cmpi eq, %jit3A_125, %eq3A_126 : i32
    %jit3A_128 = arith.constant 1 : i32
    %select_n3A_129 = arith.select %eq3A_127, %jit3A_128, %jit3A_125 : i32
    %rem3A_130 = vector.broadcast %select_n3A_129 : i32 to vector<512x256xi32>
    %rem3A_131 = arith.remsi %iota3A_124, %rem3A_130 : vector<512x256xi32>
    %ne3A_132 = arith.constant 0 : i32
    %ne3A_133 = vector.broadcast %ne3A_132 : i32 to vector<512x256xi32>
    %ne3A_134 = arith.cmpi ne, %rem3A_131, %ne3A_133 : vector<512x256xi32>
    %lt3A_135 = arith.constant 0 : i32
    %lt3A_136 = vector.broadcast %lt3A_135 : i32 to vector<512x256xi32>
    %lt3A_137 = arith.cmpi slt, %rem3A_131, %lt3A_136 : vector<512x256xi32>
    %lt3A_138 = arith.constant 0 : i32
    %lt3A_139 = arith.cmpi slt, %select_n3A_129, %lt3A_138 : i32
    %ne3A_140 = vector.broadcast %lt3A_139 : i1 to vector<512x256xi1>
    %ne3A_141 = vector.broadcast %ne3A_140 : vector<512x256xi1> to vector<512x256xi1>
    %ne3A_142 = arith.xori %lt3A_137, %ne3A_141 : vector<512x256xi1>
    %and3A_143 = arith.andi %ne3A_142, %ne3A_134 : vector<512x256xi1>
    %add3A_144 = vector.broadcast %select_n3A_129 : i32 to vector<512x256xi32>
    %add3A_145 = arith.addi %rem3A_131, %add3A_144 : vector<512x256xi32>
    %select_n3A_146 = arith.select %and3A_143, %add3A_145, %rem3A_131 : vector<512x256xi1>, vector<512x256xi32>
    %slice3A_147 = vector.extract_strided_slice %convert_element_type3A_91 {offsets = [0, 9], sizes = [512, 247], strides = [1, 1]} : vector<512x256xf32> to vector<512x247xf32>
    %slice3A_148 = vector.extract_strided_slice %convert_element_type3A_91 {offsets = [0, 0], sizes = [512, 9], strides = [1, 1]} : vector<512x256xf32> to vector<512x9xf32>
    %concatenate3A_149 = tpu.concatenate %slice3A_147, %slice3A_148 in 1 : vector<512x247xf32>, vector<512x9xf32> -> vector<512x256xf32>
    %lt3A_150 = arith.constant 55 : i32
    %lt3A_151 = vector.broadcast %lt3A_150 : i32 to vector<512x256xi32>
    %lt3A_152 = arith.cmpi slt, %select_n3A_146, %lt3A_151 : vector<512x256xi32>
    %jit3A_153 = arith.constant 0.000000e+00 : f32
    %broadcast_in_dim3A_154 = vector.broadcast %jit3A_153 : f32 to vector<512x256xf32>
    %select_n3A_155 = arith.select %lt3A_152, %concatenate3A_149, %broadcast_in_dim3A_154 : vector<512x256xi1>, vector<512x256xf32>
    %convert_element_type3A_156 = arith.extf %get3A_77 : vector<512x1536xbf16> to vector<512x1536xf32>
    %slice3A_157 = vector.extract_strided_slice %convert_element_type3A_156 {offsets = [0, 0], sizes = [512, 512], strides = [1, 1]} : vector<512x1536xf32> to vector<512x512xf32>
    %dot_general3A_158 = arith.constant dense<0.000000e+00> : vector<512x256xf32>
    %dot_general3A_159 = tpu.matmul %slice3A_157, %select_n3A_123, %dot_general3A_158 {dimension_numbers = #tpu.dot_dimension_numbers<[1], [0], [0], [1], [0, 0, 1, 1], [], []>, precision = #tpu.contract_precision<fp32>, transpose_lhs_hint = false} : vector<512x512xf32>, vector<512x256xf32>, vector<512x256xf32> -> vector<512x256xf32>
    %slice3A_160 = vector.extract_strided_slice %convert_element_type3A_156 {offsets = [0, 512], sizes = [512, 512], strides = [1, 1]} : vector<512x1536xf32> to vector<512x512xf32>
    %dot_general3A_161 = arith.constant dense<0.000000e+00> : vector<512x256xf32>
    %dot_general3A_162 = tpu.matmul %slice3A_160, %convert_element_type3A_91, %dot_general3A_161 {dimension_numbers = #tpu.dot_dimension_numbers<[1], [0], [0], [1], [0, 0, 1, 1], [], []>, precision = #tpu.contract_precision<fp32>, transpose_lhs_hint = false} : vector<512x512xf32>, vector<512x256xf32>, vector<512x256xf32> -> vector<512x256xf32>
    %add3A_163 = arith.addf %dot_general3A_159, %dot_general3A_162 : vector<512x256xf32>
    %slice3A_164 = vector.extract_strided_slice %convert_element_type3A_156 {offsets = [0, 1024], sizes = [512, 512], strides = [1, 1]} : vector<512x1536xf32> to vector<512x512xf32>
    %dot_general3A_165 = arith.constant dense<0.000000e+00> : vector<512x256xf32>
    %dot_general3A_166 = tpu.matmul %slice3A_164, %select_n3A_155, %dot_general3A_165 {dimension_numbers = #tpu.dot_dimension_numbers<[1], [0], [0], [1], [0, 0, 1, 1], [], []>, precision = #tpu.contract_precision<fp32>, transpose_lhs_hint = false} : vector<512x512xf32>, vector<512x256xf32>, vector<512x256xf32> -> vector<512x256xf32>
    %add3A_167 = arith.addf %add3A_163, %dot_general3A_166 : vector<512x256xf32>
    %add3A_168 = vector.broadcast %get3A_80 : vector<512x1xf32> to vector<512x256xf32>
    %add3A_169 = arith.addf %add3A_167, %add3A_168 : vector<512x256xf32>
    %max3A_170 = arith.constant 0.000000e+00 : f32
    %max3A_171 = vector.broadcast %max3A_170 : f32 to vector<512x256xf32>
    %max3A_172 = arith.maximumf %add3A_169, %max3A_171 : vector<512x256xf32>
    %convert_element_type3A_173 = arith.extf %get3A_83 : vector<512x512xbf16> to vector<512x512xf32>
    %convert_element_type3A_174 = arith.truncf %max3A_172 : vector<512x256xf32> to vector<512x256xbf16>
    %convert_element_type3A_175 = arith.extf %convert_element_type3A_174 : vector<512x256xbf16> to vector<512x256xf32>
    %dot_general3A_176 = arith.constant dense<0.000000e+00> : vector<512x256xf32>
    %dot_general3A_177 = tpu.matmul %convert_element_type3A_173, %convert_element_type3A_175, %dot_general3A_176 {dimension_numbers = #tpu.dot_dimension_numbers<[1], [0], [0], [1], [0, 0, 1, 1], [], []>, precision = #tpu.contract_precision<fp32>, transpose_lhs_hint = false} : vector<512x512xf32>, vector<512x256xf32>, vector<512x256xf32> -> vector<512x256xf32>
    %add3A_178 = vector.broadcast %get3A_86 : vector<512x1xf32> to vector<512x256xf32>
    %add3A_179 = arith.addf %dot_general3A_177, %add3A_178 : vector<512x256xf32>
    %add3A_180 = arith.addf %max3A_74, %add3A_179 : vector<512x256xf32>
    %get3A_181 = arith.constant 0 : index
    %get3A_182 = arith.constant 0 : index
    %get3A_183 = vector.load %arg8[%get3A_181, %get3A_182] : memref<512x1536xbf16, #tpu.memory_space<vmem>>, vector<512x1536xbf16>
    %get3A_184 = arith.constant 0 : index
    %get3A_185 = arith.constant 0 : index
    %get3A_186 = vector.load %arg9[%get3A_184, %get3A_185] : memref<512x1xf32, #tpu.memory_space<vmem>>, vector<512x1xf32>
    %get3A_187 = arith.constant 0 : index
    %get3A_188 = arith.constant 0 : index
    %get3A_189 = vector.load %arg10[%get3A_187, %get3A_188] : memref<512x512xbf16, #tpu.memory_space<vmem>>, vector<512x512xbf16>
    %get3A_190 = arith.constant 0 : index
    %get3A_191 = arith.constant 0 : index
    %get3A_192 = vector.load %arg11[%get3A_190, %get3A_191] : memref<512x1xf32, #tpu.memory_space<vmem>>, vector<512x1xf32>
    %max3A_193 = arith.constant 0.000000e+00 : f32
    %max3A_194 = vector.broadcast %max3A_193 : f32 to vector<512x256xf32>
    %max3A_195 = arith.maximumf %add3A_180, %max3A_194 : vector<512x256xf32>
    %convert_element_type3A_196 = arith.truncf %max3A_195 : vector<512x256xf32> to vector<512x256xbf16>
    %convert_element_type3A_197 = arith.extf %convert_element_type3A_196 : vector<512x256xbf16> to vector<512x256xf32>
    %iota3A_198 = tpu.iota {dimensions = array<i32: 1>} : vector<512x256xi32>
    %jit3A_199 = arith.constant 64 : i32
    %eq3A_200 = arith.constant 0 : i32
    %eq3A_201 = arith.cmpi eq, %jit3A_199, %eq3A_200 : i32
    %jit3A_202 = arith.constant 1 : i32
    %select_n3A_203 = arith.select %eq3A_201, %jit3A_202, %jit3A_199 : i32
    %rem3A_204 = vector.broadcast %select_n3A_203 : i32 to vector<512x256xi32>
    %rem3A_205 = arith.remsi %iota3A_198, %rem3A_204 : vector<512x256xi32>
    %ne3A_206 = arith.constant 0 : i32
    %ne3A_207 = vector.broadcast %ne3A_206 : i32 to vector<512x256xi32>
    %ne3A_208 = arith.cmpi ne, %rem3A_205, %ne3A_207 : vector<512x256xi32>
    %lt3A_209 = arith.constant 0 : i32
    %lt3A_210 = vector.broadcast %lt3A_209 : i32 to vector<512x256xi32>
    %lt3A_211 = arith.cmpi slt, %rem3A_205, %lt3A_210 : vector<512x256xi32>
    %lt3A_212 = arith.constant 0 : i32
    %lt3A_213 = arith.cmpi slt, %select_n3A_203, %lt3A_212 : i32
    %ne3A_214 = vector.broadcast %lt3A_213 : i1 to vector<512x256xi1>
    %ne3A_215 = vector.broadcast %ne3A_214 : vector<512x256xi1> to vector<512x256xi1>
    %ne3A_216 = arith.xori %lt3A_211, %ne3A_215 : vector<512x256xi1>
    %and3A_217 = arith.andi %ne3A_216, %ne3A_208 : vector<512x256xi1>
    %add3A_218 = vector.broadcast %select_n3A_203 : i32 to vector<512x256xi32>
    %add3A_219 = arith.addi %rem3A_205, %add3A_218 : vector<512x256xi32>
    %select_n3A_220 = arith.select %and3A_217, %add3A_219, %rem3A_205 : vector<512x256xi1>, vector<512x256xi32>
    %slice3A_221 = vector.extract_strided_slice %convert_element_type3A_197 {offsets = [0, 253], sizes = [512, 3], strides = [1, 1]} : vector<512x256xf32> to vector<512x3xf32>
    %slice3A_222 = vector.extract_strided_slice %convert_element_type3A_197 {offsets = [0, 0], sizes = [512, 253], strides = [1, 1]} : vector<512x256xf32> to vector<512x253xf32>
    %concatenate3A_223 = tpu.concatenate %slice3A_221, %slice3A_222 in 1 : vector<512x3xf32>, vector<512x253xf32> -> vector<512x256xf32>
    %ge3A_224 = arith.constant 3 : i32
    %ge3A_225 = vector.broadcast %ge3A_224 : i32 to vector<512x256xi32>
    %ge3A_226 = arith.cmpi sge, %select_n3A_220, %ge3A_225 : vector<512x256xi32>
    %jit3A_227 = arith.constant 0.000000e+00 : f32
    %broadcast_in_dim3A_228 = vector.broadcast %jit3A_227 : f32 to vector<512x256xf32>
    %select_n3A_229 = arith.select %ge3A_226, %concatenate3A_223, %broadcast_in_dim3A_228 : vector<512x256xi1>, vector<512x256xf32>
    %iota3A_230 = tpu.iota {dimensions = array<i32: 1>} : vector<512x256xi32>
    %jit3A_231 = arith.constant 64 : i32
    %eq3A_232 = arith.constant 0 : i32
    %eq3A_233 = arith.cmpi eq, %jit3A_231, %eq3A_232 : i32
    %jit3A_234 = arith.constant 1 : i32
    %select_n3A_235 = arith.select %eq3A_233, %jit3A_234, %jit3A_231 : i32
    %rem3A_236 = vector.broadcast %select_n3A_235 : i32 to vector<512x256xi32>
    %rem3A_237 = arith.remsi %iota3A_230, %rem3A_236 : vector<512x256xi32>
    %ne3A_238 = arith.constant 0 : i32
    %ne3A_239 = vector.broadcast %ne3A_238 : i32 to vector<512x256xi32>
    %ne3A_240 = arith.cmpi ne, %rem3A_237, %ne3A_239 : vector<512x256xi32>
    %lt3A_241 = arith.constant 0 : i32
    %lt3A_242 = vector.broadcast %lt3A_241 : i32 to vector<512x256xi32>
    %lt3A_243 = arith.cmpi slt, %rem3A_237, %lt3A_242 : vector<512x256xi32>
    %lt3A_244 = arith.constant 0 : i32
    %lt3A_245 = arith.cmpi slt, %select_n3A_235, %lt3A_244 : i32
    %ne3A_246 = vector.broadcast %lt3A_245 : i1 to vector<512x256xi1>
    %ne3A_247 = vector.broadcast %ne3A_246 : vector<512x256xi1> to vector<512x256xi1>
    %ne3A_248 = arith.xori %lt3A_243, %ne3A_247 : vector<512x256xi1>
    %and3A_249 = arith.andi %ne3A_248, %ne3A_240 : vector<512x256xi1>
    %add3A_250 = vector.broadcast %select_n3A_235 : i32 to vector<512x256xi32>
    %add3A_251 = arith.addi %rem3A_237, %add3A_250 : vector<512x256xi32>
    %select_n3A_252 = arith.select %and3A_249, %add3A_251, %rem3A_237 : vector<512x256xi1>, vector<512x256xi32>
    %slice3A_253 = vector.extract_strided_slice %convert_element_type3A_197 {offsets = [0, 3], sizes = [512, 253], strides = [1, 1]} : vector<512x256xf32> to vector<512x253xf32>
    %slice3A_254 = vector.extract_strided_slice %convert_element_type3A_197 {offsets = [0, 0], sizes = [512, 3], strides = [1, 1]} : vector<512x256xf32> to vector<512x3xf32>
    %concatenate3A_255 = tpu.concatenate %slice3A_253, %slice3A_254 in 1 : vector<512x253xf32>, vector<512x3xf32> -> vector<512x256xf32>
    %lt3A_256 = arith.constant 61 : i32
    %lt3A_257 = vector.broadcast %lt3A_256 : i32 to vector<512x256xi32>
    %lt3A_258 = arith.cmpi slt, %select_n3A_252, %lt3A_257 : vector<512x256xi32>
    %jit3A_259 = arith.constant 0.000000e+00 : f32
    %broadcast_in_dim3A_260 = vector.broadcast %jit3A_259 : f32 to vector<512x256xf32>
    %select_n3A_261 = arith.select %lt3A_258, %concatenate3A_255, %broadcast_in_dim3A_260 : vector<512x256xi1>, vector<512x256xf32>
    %convert_element_type3A_262 = arith.extf %get3A_183 : vector<512x1536xbf16> to vector<512x1536xf32>
    %slice3A_263 = vector.extract_strided_slice %convert_element_type3A_262 {offsets = [0, 0], sizes = [512, 512], strides = [1, 1]} : vector<512x1536xf32> to vector<512x512xf32>
    %dot_general3A_264 = arith.constant dense<0.000000e+00> : vector<512x256xf32>
    %dot_general3A_265 = tpu.matmul %slice3A_263, %select_n3A_229, %dot_general3A_264 {dimension_numbers = #tpu.dot_dimension_numbers<[1], [0], [0], [1], [0, 0, 1, 1], [], []>, precision = #tpu.contract_precision<fp32>, transpose_lhs_hint = false} : vector<512x512xf32>, vector<512x256xf32>, vector<512x256xf32> -> vector<512x256xf32>
    %slice3A_266 = vector.extract_strided_slice %convert_element_type3A_262 {offsets = [0, 512], sizes = [512, 512], strides = [1, 1]} : vector<512x1536xf32> to vector<512x512xf32>
    %dot_general3A_267 = arith.constant dense<0.000000e+00> : vector<512x256xf32>
    %dot_general3A_268 = tpu.matmul %slice3A_266, %convert_element_type3A_197, %dot_general3A_267 {dimension_numbers = #tpu.dot_dimension_numbers<[1], [0], [0], [1], [0, 0, 1, 1], [], []>, precision = #tpu.contract_precision<fp32>, transpose_lhs_hint = false} : vector<512x512xf32>, vector<512x256xf32>, vector<512x256xf32> -> vector<512x256xf32>
    %add3A_269 = arith.addf %dot_general3A_265, %dot_general3A_268 : vector<512x256xf32>
    %slice3A_270 = vector.extract_strided_slice %convert_element_type3A_262 {offsets = [0, 1024], sizes = [512, 512], strides = [1, 1]} : vector<512x1536xf32> to vector<512x512xf32>
    %dot_general3A_271 = arith.constant dense<0.000000e+00> : vector<512x256xf32>
    %dot_general3A_272 = tpu.matmul %slice3A_270, %select_n3A_261, %dot_general3A_271 {dimension_numbers = #tpu.dot_dimension_numbers<[1], [0], [0], [1], [0, 0, 1, 1], [], []>, precision = #tpu.contract_precision<fp32>, transpose_lhs_hint = false} : vector<512x512xf32>, vector<512x256xf32>, vector<512x256xf32> -> vector<512x256xf32>
    %add3A_273 = arith.addf %add3A_269, %dot_general3A_272 : vector<512x256xf32>
    %add3A_274 = vector.broadcast %get3A_186 : vector<512x1xf32> to vector<512x256xf32>
    %add3A_275 = arith.addf %add3A_273, %add3A_274 : vector<512x256xf32>
    %max3A_276 = arith.constant 0.000000e+00 : f32
    %max3A_277 = vector.broadcast %max3A_276 : f32 to vector<512x256xf32>
    %max3A_278 = arith.maximumf %add3A_275, %max3A_277 : vector<512x256xf32>
    %convert_element_type3A_279 = arith.extf %get3A_189 : vector<512x512xbf16> to vector<512x512xf32>
    %convert_element_type3A_280 = arith.truncf %max3A_278 : vector<512x256xf32> to vector<512x256xbf16>
    %convert_element_type3A_281 = arith.extf %convert_element_type3A_280 : vector<512x256xbf16> to vector<512x256xf32>
    %dot_general3A_282 = arith.constant dense<0.000000e+00> : vector<512x256xf32>
    %dot_general3A_283 = tpu.matmul %convert_element_type3A_279, %convert_element_type3A_281, %dot_general3A_282 {dimension_numbers = #tpu.dot_dimension_numbers<[1], [0], [0], [1], [0, 0, 1, 1], [], []>, precision = #tpu.contract_precision<fp32>, transpose_lhs_hint = false} : vector<512x512xf32>, vector<512x256xf32>, vector<512x256xf32> -> vector<512x256xf32>
    %add3A_284 = vector.broadcast %get3A_192 : vector<512x1xf32> to vector<512x256xf32>
    %add3A_285 = arith.addf %dot_general3A_283, %add3A_284 : vector<512x256xf32>
    %add3A_286 = arith.addf %add3A_180, %add3A_285 : vector<512x256xf32>
    %get3A_287 = arith.constant 0 : index
    %get3A_288 = arith.constant 0 : index
    %get3A_289 = vector.load %arg12[%get3A_287, %get3A_288] : memref<512x1536xbf16, #tpu.memory_space<vmem>>, vector<512x1536xbf16>
    %get3A_290 = arith.constant 0 : index
    %get3A_291 = arith.constant 0 : index
    %get3A_292 = vector.load %arg13[%get3A_290, %get3A_291] : memref<512x1xf32, #tpu.memory_space<vmem>>, vector<512x1xf32>
    %get3A_293 = arith.constant 0 : index
    %get3A_294 = arith.constant 0 : index
    %get3A_295 = vector.load %arg14[%get3A_293, %get3A_294] : memref<512x512xbf16, #tpu.memory_space<vmem>>, vector<512x512xbf16>
    %get3A_296 = arith.constant 0 : index
    %get3A_297 = arith.constant 0 : index
    %get3A_298 = vector.load %arg15[%get3A_296, %get3A_297] : memref<512x1xf32, #tpu.memory_space<vmem>>, vector<512x1xf32>
    %max3A_299 = arith.constant 0.000000e+00 : f32
    %max3A_300 = vector.broadcast %max3A_299 : f32 to vector<512x256xf32>
    %max3A_301 = arith.maximumf %add3A_286, %max3A_300 : vector<512x256xf32>
    %convert_element_type3A_302 = arith.truncf %max3A_301 : vector<512x256xf32> to vector<512x256xbf16>
    %convert_element_type3A_303 = arith.extf %convert_element_type3A_302 : vector<512x256xbf16> to vector<512x256xf32>
    %iota3A_304 = tpu.iota {dimensions = array<i32: 1>} : vector<512x256xi32>
    %jit3A_305 = arith.constant 64 : i32
    %eq3A_306 = arith.constant 0 : i32
    %eq3A_307 = arith.cmpi eq, %jit3A_305, %eq3A_306 : i32
    %jit3A_308 = arith.constant 1 : i32
    %select_n3A_309 = arith.select %eq3A_307, %jit3A_308, %jit3A_305 : i32
    %rem3A_310 = vector.broadcast %select_n3A_309 : i32 to vector<512x256xi32>
    %rem3A_311 = arith.remsi %iota3A_304, %rem3A_310 : vector<512x256xi32>
    %ne3A_312 = arith.constant 0 : i32
    %ne3A_313 = vector.broadcast %ne3A_312 : i32 to vector<512x256xi32>
    %ne3A_314 = arith.cmpi ne, %rem3A_311, %ne3A_313 : vector<512x256xi32>
    %lt3A_315 = arith.constant 0 : i32
    %lt3A_316 = vector.broadcast %lt3A_315 : i32 to vector<512x256xi32>
    %lt3A_317 = arith.cmpi slt, %rem3A_311, %lt3A_316 : vector<512x256xi32>
    %lt3A_318 = arith.constant 0 : i32
    %lt3A_319 = arith.cmpi slt, %select_n3A_309, %lt3A_318 : i32
    %ne3A_320 = vector.broadcast %lt3A_319 : i1 to vector<512x256xi1>
    %ne3A_321 = vector.broadcast %ne3A_320 : vector<512x256xi1> to vector<512x256xi1>
    %ne3A_322 = arith.xori %lt3A_317, %ne3A_321 : vector<512x256xi1>
    %and3A_323 = arith.andi %ne3A_322, %ne3A_314 : vector<512x256xi1>
    %add3A_324 = vector.broadcast %select_n3A_309 : i32 to vector<512x256xi32>
    %add3A_325 = arith.addi %rem3A_311, %add3A_324 : vector<512x256xi32>
    %select_n3A_326 = arith.select %and3A_323, %add3A_325, %rem3A_311 : vector<512x256xi1>, vector<512x256xi32>
    %slice3A_327 = vector.extract_strided_slice %convert_element_type3A_303 {offsets = [0, 255], sizes = [512, 1], strides = [1, 1]} : vector<512x256xf32> to vector<512x1xf32>
    %slice3A_328 = vector.extract_strided_slice %convert_element_type3A_303 {offsets = [0, 0], sizes = [512, 255], strides = [1, 1]} : vector<512x256xf32> to vector<512x255xf32>
    %concatenate3A_329 = tpu.concatenate %slice3A_327, %slice3A_328 in 1 : vector<512x1xf32>, vector<512x255xf32> -> vector<512x256xf32>
    %ge3A_330 = arith.constant 1 : i32
    %ge3A_331 = vector.broadcast %ge3A_330 : i32 to vector<512x256xi32>
    %ge3A_332 = arith.cmpi sge, %select_n3A_326, %ge3A_331 : vector<512x256xi32>
    %jit3A_333 = arith.constant 0.000000e+00 : f32
    %broadcast_in_dim3A_334 = vector.broadcast %jit3A_333 : f32 to vector<512x256xf32>
    %select_n3A_335 = arith.select %ge3A_332, %concatenate3A_329, %broadcast_in_dim3A_334 : vector<512x256xi1>, vector<512x256xf32>
    %iota3A_336 = tpu.iota {dimensions = array<i32: 1>} : vector<512x256xi32>
    %jit3A_337 = arith.constant 64 : i32
    %eq3A_338 = arith.constant 0 : i32
    %eq3A_339 = arith.cmpi eq, %jit3A_337, %eq3A_338 : i32
    %jit3A_340 = arith.constant 1 : i32
    %select_n3A_341 = arith.select %eq3A_339, %jit3A_340, %jit3A_337 : i32
    %rem3A_342 = vector.broadcast %select_n3A_341 : i32 to vector<512x256xi32>
    %rem3A_343 = arith.remsi %iota3A_336, %rem3A_342 : vector<512x256xi32>
    %ne3A_344 = arith.constant 0 : i32
    %ne3A_345 = vector.broadcast %ne3A_344 : i32 to vector<512x256xi32>
    %ne3A_346 = arith.cmpi ne, %rem3A_343, %ne3A_345 : vector<512x256xi32>
    %lt3A_347 = arith.constant 0 : i32
    %lt3A_348 = vector.broadcast %lt3A_347 : i32 to vector<512x256xi32>
    %lt3A_349 = arith.cmpi slt, %rem3A_343, %lt3A_348 : vector<512x256xi32>
    %lt3A_350 = arith.constant 0 : i32
    %lt3A_351 = arith.cmpi slt, %select_n3A_341, %lt3A_350 : i32
    %ne3A_352 = vector.broadcast %lt3A_351 : i1 to vector<512x256xi1>
    %ne3A_353 = vector.broadcast %ne3A_352 : vector<512x256xi1> to vector<512x256xi1>
    %ne3A_354 = arith.xori %lt3A_349, %ne3A_353 : vector<512x256xi1>
    %and3A_355 = arith.andi %ne3A_354, %ne3A_346 : vector<512x256xi1>
    %add3A_356 = vector.broadcast %select_n3A_341 : i32 to vector<512x256xi32>
    %add3A_357 = arith.addi %rem3A_343, %add3A_356 : vector<512x256xi32>
    %select_n3A_358 = arith.select %and3A_355, %add3A_357, %rem3A_343 : vector<512x256xi1>, vector<512x256xi32>
    %slice3A_359 = vector.extract_strided_slice %convert_element_type3A_303 {offsets = [0, 1], sizes = [512, 255], strides = [1, 1]} : vector<512x256xf32> to vector<512x255xf32>
    %slice3A_360 = vector.extract_strided_slice %convert_element_type3A_303 {offsets = [0, 0], sizes = [512, 1], strides = [1, 1]} : vector<512x256xf32> to vector<512x1xf32>
    %concatenate3A_361 = tpu.concatenate %slice3A_359, %slice3A_360 in 1 : vector<512x255xf32>, vector<512x1xf32> -> vector<512x256xf32>
    %lt3A_362 = arith.constant 63 : i32
    %lt3A_363 = vector.broadcast %lt3A_362 : i32 to vector<512x256xi32>
    %lt3A_364 = arith.cmpi slt, %select_n3A_358, %lt3A_363 : vector<512x256xi32>
    %jit3A_365 = arith.constant 0.000000e+00 : f32
    %broadcast_in_dim3A_366 = vector.broadcast %jit3A_365 : f32 to vector<512x256xf32>
    %select_n3A_367 = arith.select %lt3A_364, %concatenate3A_361, %broadcast_in_dim3A_366 : vector<512x256xi1>, vector<512x256xf32>
    %convert_element_type3A_368 = arith.extf %get3A_289 : vector<512x1536xbf16> to vector<512x1536xf32>
    %slice3A_369 = vector.extract_strided_slice %convert_element_type3A_368 {offsets = [0, 0], sizes = [512, 512], strides = [1, 1]} : vector<512x1536xf32> to vector<512x512xf32>
    %dot_general3A_370 = arith.constant dense<0.000000e+00> : vector<512x256xf32>
    %dot_general3A_371 = tpu.matmul %slice3A_369, %select_n3A_335, %dot_general3A_370 {dimension_numbers = #tpu.dot_dimension_numbers<[1], [0], [0], [1], [0, 0, 1, 1], [], []>, precision = #tpu.contract_precision<fp32>, transpose_lhs_hint = false} : vector<512x512xf32>, vector<512x256xf32>, vector<512x256xf32> -> vector<512x256xf32>
    %slice3A_372 = vector.extract_strided_slice %convert_element_type3A_368 {offsets = [0, 512], sizes = [512, 512], strides = [1, 1]} : vector<512x1536xf32> to vector<512x512xf32>
    %dot_general3A_373 = arith.constant dense<0.000000e+00> : vector<512x256xf32>
    %dot_general3A_374 = tpu.matmul %slice3A_372, %convert_element_type3A_303, %dot_general3A_373 {dimension_numbers = #tpu.dot_dimension_numbers<[1], [0], [0], [1], [0, 0, 1, 1], [], []>, precision = #tpu.contract_precision<fp32>, transpose_lhs_hint = false} : vector<512x512xf32>, vector<512x256xf32>, vector<512x256xf32> -> vector<512x256xf32>
    %add3A_375 = arith.addf %dot_general3A_371, %dot_general3A_374 : vector<512x256xf32>
    %slice3A_376 = vector.extract_strided_slice %convert_element_type3A_368 {offsets = [0, 1024], sizes = [512, 512], strides = [1, 1]} : vector<512x1536xf32> to vector<512x512xf32>
    %dot_general3A_377 = arith.constant dense<0.000000e+00> : vector<512x256xf32>
    %dot_general3A_378 = tpu.matmul %slice3A_376, %select_n3A_367, %dot_general3A_377 {dimension_numbers = #tpu.dot_dimension_numbers<[1], [0], [0], [1], [0, 0, 1, 1], [], []>, precision = #tpu.contract_precision<fp32>, transpose_lhs_hint = false} : vector<512x512xf32>, vector<512x256xf32>, vector<512x256xf32> -> vector<512x256xf32>
    %add3A_379 = arith.addf %add3A_375, %dot_general3A_378 : vector<512x256xf32>
    %add3A_380 = vector.broadcast %get3A_292 : vector<512x1xf32> to vector<512x256xf32>
    %add3A_381 = arith.addf %add3A_379, %add3A_380 : vector<512x256xf32>
    %max3A_382 = arith.constant 0.000000e+00 : f32
    %max3A_383 = vector.broadcast %max3A_382 : f32 to vector<512x256xf32>
    %max3A_384 = arith.maximumf %add3A_381, %max3A_383 : vector<512x256xf32>
    %convert_element_type3A_385 = arith.extf %get3A_295 : vector<512x512xbf16> to vector<512x512xf32>
    %convert_element_type3A_386 = arith.truncf %max3A_384 : vector<512x256xf32> to vector<512x256xbf16>
    %convert_element_type3A_387 = arith.extf %convert_element_type3A_386 : vector<512x256xbf16> to vector<512x256xf32>
    %dot_general3A_388 = arith.constant dense<0.000000e+00> : vector<512x256xf32>
    %dot_general3A_389 = tpu.matmul %convert_element_type3A_385, %convert_element_type3A_387, %dot_general3A_388 {dimension_numbers = #tpu.dot_dimension_numbers<[1], [0], [0], [1], [0, 0, 1, 1], [], []>, precision = #tpu.contract_precision<fp32>, transpose_lhs_hint = false} : vector<512x512xf32>, vector<512x256xf32>, vector<512x256xf32> -> vector<512x256xf32>
    %add3A_390 = vector.broadcast %get3A_298 : vector<512x1xf32> to vector<512x256xf32>
    %add3A_391 = arith.addf %dot_general3A_389, %add3A_390 : vector<512x256xf32>
    %add3A_392 = arith.addf %add3A_286, %add3A_391 : vector<512x256xf32>
    %iota3A_393 = tpu.iota {dimensions = array<i32: 0>} : vector<256x512xi32>
    %iota3A_394 = tpu.iota {dimensions = array<i32: 1>} : vector<256x512xi32>
    %jit3A_395 = arith.constant 2 : i32
    %div3A = vector.broadcast %jit3A_395 : i32 to vector<256x512xi32>
    %div3A_396 = arith.divsi %iota3A_394, %div3A : vector<256x512xi32>
    %sign3A = arith.constant 0 : i32
    %sign3A_397 = vector.broadcast %sign3A : i32 to vector<256x512xi32>
    %sign3A_398 = arith.cmpi sgt, %iota3A_394, %sign3A_397 : vector<256x512xi32>
    %sign3A_399 = arith.extui %sign3A_398 : vector<256x512xi1> to vector<256x512xi32>
    %sign3A_400 = arith.constant 0 : i32
    %sign3A_401 = vector.broadcast %sign3A_400 : i32 to vector<256x512xi32>
    %sign3A_402 = arith.cmpi slt, %iota3A_394, %sign3A_401 : vector<256x512xi32>
    %sign3A_403 = arith.extui %sign3A_402 : vector<256x512xi1> to vector<256x512xi32>
    %sign3A_404 = arith.subi %sign3A_399, %sign3A_403 : vector<256x512xi32>
    %sign3A_405 = arith.constant 0 : i32
    %sign3A_406 = arith.cmpi sgt, %jit3A_395, %sign3A_405 : i32
    %sign3A_407 = arith.extui %sign3A_406 : i1 to i32
    %sign3A_408 = arith.constant 0 : i32
    %sign3A_409 = arith.cmpi slt, %jit3A_395, %sign3A_408 : i32
    %sign3A_410 = arith.extui %sign3A_409 : i1 to i32
    %sign3A_411 = arith.subi %sign3A_407, %sign3A_410 : i32
    %ne3A_412 = vector.broadcast %sign3A_411 : i32 to vector<256x512xi32>
    %ne3A_413 = arith.cmpi ne, %sign3A_404, %ne3A_412 : vector<256x512xi32>
    %rem3A_414 = vector.broadcast %jit3A_395 : i32 to vector<256x512xi32>
    %rem3A_415 = arith.remsi %iota3A_394, %rem3A_414 : vector<256x512xi32>
    %ne3A_416 = arith.constant 0 : i32
    %ne3A_417 = vector.broadcast %ne3A_416 : i32 to vector<256x512xi32>
    %ne3A_418 = arith.cmpi ne, %rem3A_415, %ne3A_417 : vector<256x512xi32>
    %and3A_419 = arith.andi %ne3A_413, %ne3A_418 : vector<256x512xi1>
    %sub3A = arith.constant 1 : i32
    %sub3A_420 = vector.broadcast %sub3A : i32 to vector<256x512xi32>
    %sub3A_421 = arith.subi %div3A_396, %sub3A_420 : vector<256x512xi32>
    %select_n3A_422 = arith.select %and3A_419, %sub3A_421, %div3A_396 : vector<256x512xi1>, vector<256x512xi32>
    %eq3A_423 = arith.cmpi eq, %iota3A_393, %select_n3A_422 : vector<256x512xi32>
    %convert_element_type3A_424 = arith.extui %eq3A_423 : vector<256x512xi1> to vector<256x512xi32>
    %convert_element_type3A_425 = arith.sitofp %convert_element_type3A_424 : vector<256x512xi32> to vector<256x512xf32>
    %dot_general3A_426 = arith.constant dense<0.000000e+00> : vector<512x512xf32>
    %dot_general3A_427 = tpu.matmul %add3A_392, %convert_element_type3A_425, %dot_general3A_426 {dimension_numbers = #tpu.dot_dimension_numbers<[1], [0], [0], [1], [0, 0, 1, 1], [], []>, precision = #tpu.contract_precision<fp32>, transpose_lhs_hint = false} : vector<512x256xf32>, vector<256x512xf32>, vector<512x512xf32> -> vector<512x512xf32>
    %get3A_428 = arith.constant 0 : index
    %get3A_429 = arith.constant 0 : index
    %get3A_430 = vector.load %arg16[%get3A_428, %get3A_429] : memref<512x1536xbf16, #tpu.memory_space<vmem>>, vector<512x1536xbf16>
    %get3A_431 = arith.constant 0 : index
    %get3A_432 = arith.constant 0 : index
    %get3A_433 = vector.load %arg17[%get3A_431, %get3A_432] : memref<512x1xf32, #tpu.memory_space<vmem>>, vector<512x1xf32>
    %convert_element_type3A_434 = arith.truncf %dot_general3A_427 : vector<512x512xf32> to vector<512x512xbf16>
    %convert_element_type3A_435 = arith.extf %convert_element_type3A_434 : vector<512x512xbf16> to vector<512x512xf32>
    %iota3A_436 = tpu.iota {dimensions = array<i32: 1>} : vector<512x512xi32>
    %jit3A_437 = arith.constant 128 : i32
    %eq3A_438 = arith.constant 0 : i32
    %eq3A_439 = arith.cmpi eq, %jit3A_437, %eq3A_438 : i32
    %jit3A_440 = arith.constant 1 : i32
    %select_n3A_441 = arith.select %eq3A_439, %jit3A_440, %jit3A_437 : i32
    %rem3A_442 = vector.broadcast %select_n3A_441 : i32 to vector<512x512xi32>
    %rem3A_443 = arith.remsi %iota3A_436, %rem3A_442 : vector<512x512xi32>
    %ne3A_444 = arith.constant 0 : i32
    %ne3A_445 = vector.broadcast %ne3A_444 : i32 to vector<512x512xi32>
    %ne3A_446 = arith.cmpi ne, %rem3A_443, %ne3A_445 : vector<512x512xi32>
    %lt3A_447 = arith.constant 0 : i32
    %lt3A_448 = vector.broadcast %lt3A_447 : i32 to vector<512x512xi32>
    %lt3A_449 = arith.cmpi slt, %rem3A_443, %lt3A_448 : vector<512x512xi32>
    %lt3A_450 = arith.constant 0 : i32
    %lt3A_451 = arith.cmpi slt, %select_n3A_441, %lt3A_450 : i32
    %ne3A_452 = vector.broadcast %lt3A_451 : i1 to vector<512x512xi1>
    %ne3A_453 = vector.broadcast %ne3A_452 : vector<512x512xi1> to vector<512x512xi1>
    %ne3A_454 = arith.xori %lt3A_449, %ne3A_453 : vector<512x512xi1>
    %and3A_455 = arith.andi %ne3A_454, %ne3A_446 : vector<512x512xi1>
    %add3A_456 = vector.broadcast %select_n3A_441 : i32 to vector<512x512xi32>
    %add3A_457 = arith.addi %rem3A_443, %add3A_456 : vector<512x512xi32>
    %select_n3A_458 = arith.select %and3A_455, %add3A_457, %rem3A_443 : vector<512x512xi1>, vector<512x512xi32>
    %slice3A_459 = vector.extract_strided_slice %convert_element_type3A_435 {offsets = [0, 511], sizes = [512, 1], strides = [1, 1]} : vector<512x512xf32> to vector<512x1xf32>
    %slice3A_460 = vector.extract_strided_slice %convert_element_type3A_435 {offsets = [0, 0], sizes = [512, 511], strides = [1, 1]} : vector<512x512xf32> to vector<512x511xf32>
    %concatenate3A_461 = tpu.concatenate %slice3A_459, %slice3A_460 in 1 : vector<512x1xf32>, vector<512x511xf32> -> vector<512x512xf32>
    %ge3A_462 = arith.constant 1 : i32
    %ge3A_463 = vector.broadcast %ge3A_462 : i32 to vector<512x512xi32>
    %ge3A_464 = arith.cmpi sge, %select_n3A_458, %ge3A_463 : vector<512x512xi32>
    %jit3A_465 = arith.constant 0.000000e+00 : f32
    %broadcast_in_dim3A_466 = vector.broadcast %jit3A_465 : f32 to vector<512x512xf32>
    %select_n3A_467 = arith.select %ge3A_464, %concatenate3A_461, %broadcast_in_dim3A_466 : vector<512x512xi1>, vector<512x512xf32>
    %iota3A_468 = tpu.iota {dimensions = array<i32: 1>} : vector<512x512xi32>
    %jit3A_469 = arith.constant 128 : i32
    %eq3A_470 = arith.constant 0 : i32
    %eq3A_471 = arith.cmpi eq, %jit3A_469, %eq3A_470 : i32
    %jit3A_472 = arith.constant 1 : i32
    %select_n3A_473 = arith.select %eq3A_471, %jit3A_472, %jit3A_469 : i32
    %rem3A_474 = vector.broadcast %select_n3A_473 : i32 to vector<512x512xi32>
    %rem3A_475 = arith.remsi %iota3A_468, %rem3A_474 : vector<512x512xi32>
    %ne3A_476 = arith.constant 0 : i32
    %ne3A_477 = vector.broadcast %ne3A_476 : i32 to vector<512x512xi32>
    %ne3A_478 = arith.cmpi ne, %rem3A_475, %ne3A_477 : vector<512x512xi32>
    %lt3A_479 = arith.constant 0 : i32
    %lt3A_480 = vector.broadcast %lt3A_479 : i32 to vector<512x512xi32>
    %lt3A_481 = arith.cmpi slt, %rem3A_475, %lt3A_480 : vector<512x512xi32>
    %lt3A_482 = arith.constant 0 : i32
    %lt3A_483 = arith.cmpi slt, %select_n3A_473, %lt3A_482 : i32
    %ne3A_484 = vector.broadcast %lt3A_483 : i1 to vector<512x512xi1>
    %ne3A_485 = vector.broadcast %ne3A_484 : vector<512x512xi1> to vector<512x512xi1>
    %ne3A_486 = arith.xori %lt3A_481, %ne3A_485 : vector<512x512xi1>
    %and3A_487 = arith.andi %ne3A_486, %ne3A_478 : vector<512x512xi1>
    %add3A_488 = vector.broadcast %select_n3A_473 : i32 to vector<512x512xi32>
    %add3A_489 = arith.addi %rem3A_475, %add3A_488 : vector<512x512xi32>
    %select_n3A_490 = arith.select %and3A_487, %add3A_489, %rem3A_475 : vector<512x512xi1>, vector<512x512xi32>
    %slice3A_491 = vector.extract_strided_slice %convert_element_type3A_435 {offsets = [0, 1], sizes = [512, 511], strides = [1, 1]} : vector<512x512xf32> to vector<512x511xf32>
    %slice3A_492 = vector.extract_strided_slice %convert_element_type3A_435 {offsets = [0, 0], sizes = [512, 1], strides = [1, 1]} : vector<512x512xf32> to vector<512x1xf32>
    %concatenate3A_493 = tpu.concatenate %slice3A_491, %slice3A_492 in 1 : vector<512x511xf32>, vector<512x1xf32> -> vector<512x512xf32>
    %lt3A_494 = arith.constant 127 : i32
    %lt3A_495 = vector.broadcast %lt3A_494 : i32 to vector<512x512xi32>
    %lt3A_496 = arith.cmpi slt, %select_n3A_490, %lt3A_495 : vector<512x512xi32>
    %jit3A_497 = arith.constant 0.000000e+00 : f32
    %broadcast_in_dim3A_498 = vector.broadcast %jit3A_497 : f32 to vector<512x512xf32>
    %select_n3A_499 = arith.select %lt3A_496, %concatenate3A_493, %broadcast_in_dim3A_498 : vector<512x512xi1>, vector<512x512xf32>
    %convert_element_type3A_500 = arith.extf %get3A_430 : vector<512x1536xbf16> to vector<512x1536xf32>
    %slice3A_501 = vector.extract_strided_slice %convert_element_type3A_500 {offsets = [0, 0], sizes = [512, 512], strides = [1, 1]} : vector<512x1536xf32> to vector<512x512xf32>
    %dot_general3A_502 = arith.constant dense<0.000000e+00> : vector<512x512xf32>
    %dot_general3A_503 = tpu.matmul %slice3A_501, %select_n3A_467, %dot_general3A_502 {dimension_numbers = #tpu.dot_dimension_numbers<[1], [0], [0], [1], [0, 0, 1, 1], [], []>, precision = #tpu.contract_precision<fp32>, transpose_lhs_hint = false} : vector<512x512xf32>, vector<512x512xf32>, vector<512x512xf32> -> vector<512x512xf32>
    %slice3A_504 = vector.extract_strided_slice %convert_element_type3A_500 {offsets = [0, 512], sizes = [512, 512], strides = [1, 1]} : vector<512x1536xf32> to vector<512x512xf32>
    %dot_general3A_505 = arith.constant dense<0.000000e+00> : vector<512x512xf32>
    %dot_general3A_506 = tpu.matmul %slice3A_504, %convert_element_type3A_435, %dot_general3A_505 {dimension_numbers = #tpu.dot_dimension_numbers<[1], [0], [0], [1], [0, 0, 1, 1], [], []>, precision = #tpu.contract_precision<fp32>, transpose_lhs_hint = false} : vector<512x512xf32>, vector<512x512xf32>, vector<512x512xf32> -> vector<512x512xf32>
    %add3A_507 = arith.addf %dot_general3A_503, %dot_general3A_506 : vector<512x512xf32>
    %slice3A_508 = vector.extract_strided_slice %convert_element_type3A_500 {offsets = [0, 1024], sizes = [512, 512], strides = [1, 1]} : vector<512x1536xf32> to vector<512x512xf32>
    %dot_general3A_509 = arith.constant dense<0.000000e+00> : vector<512x512xf32>
    %dot_general3A_510 = tpu.matmul %slice3A_508, %select_n3A_499, %dot_general3A_509 {dimension_numbers = #tpu.dot_dimension_numbers<[1], [0], [0], [1], [0, 0, 1, 1], [], []>, precision = #tpu.contract_precision<fp32>, transpose_lhs_hint = false} : vector<512x512xf32>, vector<512x512xf32>, vector<512x512xf32> -> vector<512x512xf32>
    %add3A_511 = arith.addf %add3A_507, %dot_general3A_510 : vector<512x512xf32>
    %add3A_512 = vector.broadcast %get3A_433 : vector<512x1xf32> to vector<512x512xf32>
    %add3A_513 = arith.addf %add3A_511, %add3A_512 : vector<512x512xf32>
    %swap3A = arith.constant 0 : index
    %swap3A_514 = arith.constant 0 : index
    %swap3A_515 = vector.load %arg18[%swap3A, %swap3A_514] : memref<512x512xf32, #tpu.memory_space<vmem>>, vector<512x512xf32>
    tpu.vector_store %arg18[%swap3A, %swap3A_514], %add3A_513 {strides = array<i32>} : memref<512x512xf32, #tpu.memory_space<vmem>>, vector<512x512xf32>,
    return
  }
  func.func @transform_0(%arg0: i32) -> (i32, i32) {
    %c0_i32 = arith.constant 0 : i32
    %c0_i32_0 = arith.constant 0 : i32
    return %c0_i32, %arg0 : i32, i32
  }
  func.func @transform_1(%arg0: i32) -> (i32, i32) {
    %c0_i32 = arith.constant 0 : i32
    %c0_i32_0 = arith.constant 0 : i32
    %c0_i32_1 = arith.constant 0 : i32
    return %c0_i32, %c0_i32_0 : i32, i32
  }
  func.func @transform_2(%arg0: i32) -> (i32, i32) {
    %c0_i32 = arith.constant 0 : i32
    %c0_i32_0 = arith.constant 0 : i32
    %c0_i32_1 = arith.constant 0 : i32
    return %c0_i32, %c0_i32_0 : i32, i32
  }
  func.func @transform_3(%arg0: i32) -> (i32, i32) {
    %c0_i32 = arith.constant 0 : i32
    %c0_i32_0 = arith.constant 0 : i32
    %c0_i32_1 = arith.constant 0 : i32
    return %c0_i32, %c0_i32_0 : i32, i32
  }
  func.func @transform_4(%arg0: i32) -> (i32, i32) {
    %c0_i32 = arith.constant 0 : i32
    %c0_i32_0 = arith.constant 0 : i32
    %c0_i32_1 = arith.constant 0 : i32
    return %c0_i32, %c0_i32_0 : i32, i32
  }
  func.func @transform_5(%arg0: i32) -> (i32, i32) {
    %c0_i32 = arith.constant 0 : i32
    %c0_i32_0 = arith.constant 0 : i32
    %c0_i32_1 = arith.constant 0 : i32
    return %c0_i32, %c0_i32_0 : i32, i32
  }
  func.func @transform_6(%arg0: i32) -> (i32, i32) {
    %c0_i32 = arith.constant 0 : i32
    %c0_i32_0 = arith.constant 0 : i32
    %c0_i32_1 = arith.constant 0 : i32
    return %c0_i32, %c0_i32_0 : i32, i32
  }
  func.func @transform_7(%arg0: i32) -> (i32, i32) {
    %c0_i32 = arith.constant 0 : i32
    %c0_i32_0 = arith.constant 0 : i32
    %c0_i32_1 = arith.constant 0 : i32
    return %c0_i32, %c0_i32_0 : i32, i32
  }
  func.func @transform_8(%arg0: i32) -> (i32, i32) {
    %c0_i32 = arith.constant 0 : i32
    %c0_i32_0 = arith.constant 0 : i32
    %c0_i32_1 = arith.constant 0 : i32
    return %c0_i32, %c0_i32_0 : i32, i32
  }
  func.func @transform_9(%arg0: i32) -> (i32, i32) {
    %c0_i32 = arith.constant 0 : i32
    %c0_i32_0 = arith.constant 0 : i32
    %c0_i32_1 = arith.constant 0 : i32
    return %c0_i32, %c0_i32_0 : i32, i32
  }
  func.func @transform_10(%arg0: i32) -> (i32, i32) {
    %c0_i32 = arith.constant 0 : i32
    %c0_i32_0 = arith.constant 0 : i32
    %c0_i32_1 = arith.constant 0 : i32
    return %c0_i32, %c0_i32_0 : i32, i32
  }
  func.func @transform_11(%arg0: i32) -> (i32, i32) {
    %c0_i32 = arith.constant 0 : i32
    %c0_i32_0 = arith.constant 0 : i32
    %c0_i32_1 = arith.constant 0 : i32
    return %c0_i32, %c0_i32_0 : i32, i32
  }
  func.func @transform_12(%arg0: i32) -> (i32, i32) {
    %c0_i32 = arith.constant 0 : i32
    %c0_i32_0 = arith.constant 0 : i32
    %c0_i32_1 = arith.constant 0 : i32
    return %c0_i32, %c0_i32_0 : i32, i32
  }
  func.func @transform_13(%arg0: i32) -> (i32, i32) {
    %c0_i32 = arith.constant 0 : i32
    %c0_i32_0 = arith.constant 0 : i32
    %c0_i32_1 = arith.constant 0 : i32
    return %c0_i32, %c0_i32_0 : i32, i32
  }
  func.func @transform_14(%arg0: i32) -> (i32, i32) {
    %c0_i32 = arith.constant 0 : i32
    %c0_i32_0 = arith.constant 0 : i32
    %c0_i32_1 = arith.constant 0 : i32
    return %c0_i32, %c0_i32_0 : i32, i32
  }
  func.func @transform_15(%arg0: i32) -> (i32, i32) {
    %c0_i32 = arith.constant 0 : i32
    %c0_i32_0 = arith.constant 0 : i32
    %c0_i32_1 = arith.constant 0 : i32
    return %c0_i32, %c0_i32_0 : i32, i32
  }
  func.func @transform_16(%arg0: i32) -> (i32, i32) {
    %c0_i32 = arith.constant 0 : i32
    %c0_i32_0 = arith.constant 0 : i32
    %c0_i32_1 = arith.constant 0 : i32
    return %c0_i32, %c0_i32_0 : i32, i32
  }
  func.func @transform_17(%arg0: i32) -> (i32, i32) {
    %c0_i32 = arith.constant 0 : i32
    %c0_i32_0 = arith.constant 0 : i32
    return %c0_i32, %arg0 : i32, i32
  }
}

module attributes {stable_mosaic.version = 14 : i64} {
  func.func @body(%arg0: i32, %arg1: memref<512x512xf32, #tpu.memory_space<vmem>>, %arg2: memref<512x1536xbf16, #tpu.memory_space<vmem>>, %arg3: memref<512x1xf32, #tpu.memory_space<vmem>>, %arg4: memref<512x512xbf16, #tpu.memory_space<vmem>>, %arg5: memref<512x1xf32, #tpu.memory_space<vmem>>, %arg6: memref<512x1536xbf16, #tpu.memory_space<vmem>>, %arg7: memref<512x1xf32, #tpu.memory_space<vmem>>, %arg8: memref<512x512xbf16, #tpu.memory_space<vmem>>, %arg9: memref<512x1xf32, #tpu.memory_space<vmem>>, %arg10: memref<512x1536xbf16, #tpu.memory_space<vmem>>, %arg11: memref<512x1xf32, #tpu.memory_space<vmem>>, %arg12: memref<512x512xbf16, #tpu.memory_space<vmem>>, %arg13: memref<512x1xf32, #tpu.memory_space<vmem>>, %arg14: memref<512x1536xbf16, #tpu.memory_space<vmem>>, %arg15: memref<512x1xf32, #tpu.memory_space<vmem>>, %arg16: memref<512x1536xbf16, #tpu.memory_space<vmem>>, %arg17: memref<512x1xf32, #tpu.memory_space<vmem>>, %arg18: memref<8x1536xbf16, #tpu.memory_space<vmem>>, %arg19: memref<8x1xf32, #tpu.memory_space<vmem>>, %arg20: memref<8x1024xf32, #tpu.memory_space<vmem>>) attributes {dimension_semantics = [#tpu.dimension_semantics<parallel>], iteration_bounds = array<i64: 8>, scalar_prefetch = 0 : i64, scratch_operands = 0 : i64, tpu.core_type = #tpu.core_type<tc>, window_params = [{transform_indices = @transform_0, window_bounds = array<i64: 512, 512>}, {pipeline_mode = #tpu.pipeline_mode<synchronous>, transform_indices = @transform_1, window_bounds = array<i64: 512, 1536>}, {pipeline_mode = #tpu.pipeline_mode<synchronous>, transform_indices = @transform_2, window_bounds = array<i64: 512, 1>}, {pipeline_mode = #tpu.pipeline_mode<synchronous>, transform_indices = @transform_3, window_bounds = array<i64: 512, 512>}, {pipeline_mode = #tpu.pipeline_mode<synchronous>, transform_indices = @transform_4, window_bounds = array<i64: 512, 1>}, {pipeline_mode = #tpu.pipeline_mode<synchronous>, transform_indices = @transform_5, window_bounds = array<i64: 512, 1536>}, {pipeline_mode = #tpu.pipeline_mode<synchronous>, transform_indices = @transform_6, window_bounds = array<i64: 512, 1>}, {pipeline_mode = #tpu.pipeline_mode<synchronous>, transform_indices = @transform_7, window_bounds = array<i64: 512, 512>}, {pipeline_mode = #tpu.pipeline_mode<synchronous>, transform_indices = @transform_8, window_bounds = array<i64: 512, 1>}, {pipeline_mode = #tpu.pipeline_mode<synchronous>, transform_indices = @transform_9, window_bounds = array<i64: 512, 1536>}, {pipeline_mode = #tpu.pipeline_mode<synchronous>, transform_indices = @transform_10, window_bounds = array<i64: 512, 1>}, {pipeline_mode = #tpu.pipeline_mode<synchronous>, transform_indices = @transform_11, window_bounds = array<i64: 512, 512>}, {pipeline_mode = #tpu.pipeline_mode<synchronous>, transform_indices = @transform_12, window_bounds = array<i64: 512, 1>}, {pipeline_mode = #tpu.pipeline_mode<synchronous>, transform_indices = @transform_13, window_bounds = array<i64: 512, 1536>}, {pipeline_mode = #tpu.pipeline_mode<synchronous>, transform_indices = @transform_14, window_bounds = array<i64: 512, 1>}, {pipeline_mode = #tpu.pipeline_mode<synchronous>, transform_indices = @transform_15, window_bounds = array<i64: 512, 1536>}, {pipeline_mode = #tpu.pipeline_mode<synchronous>, transform_indices = @transform_16, window_bounds = array<i64: 512, 1>}, {pipeline_mode = #tpu.pipeline_mode<synchronous>, transform_indices = @transform_17, window_bounds = array<i64: 8, 1536>}, {pipeline_mode = #tpu.pipeline_mode<synchronous>, transform_indices = @transform_18, window_bounds = array<i64: 8, 1>}, {transform_indices = @transform_19, window_bounds = array<i64: 8, 1024>}]} {
    %get3A = arith.constant 0 : index
    %get3A_0 = arith.constant 0 : index
    %get3A_1 = vector.load %arg1[%get3A, %get3A_0] : memref<512x512xf32, #tpu.memory_space<vmem>>, vector<512x512xf32>
    %get3A_2 = arith.constant 0 : index
    %get3A_3 = arith.constant 0 : index
    %get3A_4 = vector.load %arg2[%get3A_2, %get3A_3] : memref<512x1536xbf16, #tpu.memory_space<vmem>>, vector<512x1536xbf16>
    %get3A_5 = arith.constant 0 : index
    %get3A_6 = arith.constant 0 : index
    %get3A_7 = vector.load %arg3[%get3A_5, %get3A_6] : memref<512x1xf32, #tpu.memory_space<vmem>>, vector<512x1xf32>
    %get3A_8 = arith.constant 0 : index
    %get3A_9 = arith.constant 0 : index
    %get3A_10 = vector.load %arg4[%get3A_8, %get3A_9] : memref<512x512xbf16, #tpu.memory_space<vmem>>, vector<512x512xbf16>
    %get3A_11 = arith.constant 0 : index
    %get3A_12 = arith.constant 0 : index
    %get3A_13 = vector.load %arg5[%get3A_11, %get3A_12] : memref<512x1xf32, #tpu.memory_space<vmem>>, vector<512x1xf32>
    %max3A = arith.constant 0.000000e+00 : f32
    %max3A_14 = vector.broadcast %max3A : f32 to vector<512x512xf32>
    %max3A_15 = arith.maximumf %get3A_1, %max3A_14 : vector<512x512xf32>
    %convert_element_type3A = arith.truncf %max3A_15 : vector<512x512xf32> to vector<512x512xbf16>
    %convert_element_type3A_16 = arith.extf %convert_element_type3A : vector<512x512xbf16> to vector<512x512xf32>
    %iota3A = tpu.iota {dimensions = array<i32: 1>} : vector<512x512xi32>
    %jit3A = arith.constant 128 : i32
    %eq3A = arith.constant 0 : i32
    %eq3A_17 = arith.cmpi eq, %jit3A, %eq3A : i32
    %jit3A_18 = arith.constant 1 : i32
    %select_n3A = arith.select %eq3A_17, %jit3A_18, %jit3A : i32
    %rem3A = vector.broadcast %select_n3A : i32 to vector<512x512xi32>
    %rem3A_19 = arith.remsi %iota3A, %rem3A : vector<512x512xi32>
    %ne3A = arith.constant 0 : i32
    %ne3A_20 = vector.broadcast %ne3A : i32 to vector<512x512xi32>
    %ne3A_21 = arith.cmpi ne, %rem3A_19, %ne3A_20 : vector<512x512xi32>
    %lt3A = arith.constant 0 : i32
    %lt3A_22 = vector.broadcast %lt3A : i32 to vector<512x512xi32>
    %lt3A_23 = arith.cmpi slt, %rem3A_19, %lt3A_22 : vector<512x512xi32>
    %lt3A_24 = arith.constant 0 : i32
    %lt3A_25 = arith.cmpi slt, %select_n3A, %lt3A_24 : i32
    %ne3A_26 = vector.broadcast %lt3A_25 : i1 to vector<512x512xi1>
    %ne3A_27 = vector.broadcast %ne3A_26 : vector<512x512xi1> to vector<512x512xi1>
    %ne3A_28 = arith.xori %lt3A_23, %ne3A_27 : vector<512x512xi1>
    %and3A = arith.andi %ne3A_28, %ne3A_21 : vector<512x512xi1>
    %add3A = vector.broadcast %select_n3A : i32 to vector<512x512xi32>
    %add3A_29 = arith.addi %rem3A_19, %add3A : vector<512x512xi32>
    %select_n3A_30 = arith.select %and3A, %add3A_29, %rem3A_19 : vector<512x512xi1>, vector<512x512xi32>
    %slice3A = vector.extract_strided_slice %convert_element_type3A_16 {offsets = [0, 503], sizes = [512, 9], strides = [1, 1]} : vector<512x512xf32> to vector<512x9xf32>
    %slice3A_31 = vector.extract_strided_slice %convert_element_type3A_16 {offsets = [0, 0], sizes = [512, 503], strides = [1, 1]} : vector<512x512xf32> to vector<512x503xf32>
    %concatenate3A = tpu.concatenate %slice3A, %slice3A_31 in 1 : vector<512x9xf32>, vector<512x503xf32> -> vector<512x512xf32>
    %ge3A = arith.constant 9 : i32
    %ge3A_32 = vector.broadcast %ge3A : i32 to vector<512x512xi32>
    %ge3A_33 = arith.cmpi sge, %select_n3A_30, %ge3A_32 : vector<512x512xi32>
    %jit3A_34 = arith.constant 0.000000e+00 : f32
    %broadcast_in_dim3A = vector.broadcast %jit3A_34 : f32 to vector<512x512xf32>
    %select_n3A_35 = arith.select %ge3A_33, %concatenate3A, %broadcast_in_dim3A : vector<512x512xi1>, vector<512x512xf32>
    %iota3A_36 = tpu.iota {dimensions = array<i32: 1>} : vector<512x512xi32>
    %jit3A_37 = arith.constant 128 : i32
    %eq3A_38 = arith.constant 0 : i32
    %eq3A_39 = arith.cmpi eq, %jit3A_37, %eq3A_38 : i32
    %jit3A_40 = arith.constant 1 : i32
    %select_n3A_41 = arith.select %eq3A_39, %jit3A_40, %jit3A_37 : i32
    %rem3A_42 = vector.broadcast %select_n3A_41 : i32 to vector<512x512xi32>
    %rem3A_43 = arith.remsi %iota3A_36, %rem3A_42 : vector<512x512xi32>
    %ne3A_44 = arith.constant 0 : i32
    %ne3A_45 = vector.broadcast %ne3A_44 : i32 to vector<512x512xi32>
    %ne3A_46 = arith.cmpi ne, %rem3A_43, %ne3A_45 : vector<512x512xi32>
    %lt3A_47 = arith.constant 0 : i32
    %lt3A_48 = vector.broadcast %lt3A_47 : i32 to vector<512x512xi32>
    %lt3A_49 = arith.cmpi slt, %rem3A_43, %lt3A_48 : vector<512x512xi32>
    %lt3A_50 = arith.constant 0 : i32
    %lt3A_51 = arith.cmpi slt, %select_n3A_41, %lt3A_50 : i32
    %ne3A_52 = vector.broadcast %lt3A_51 : i1 to vector<512x512xi1>
    %ne3A_53 = vector.broadcast %ne3A_52 : vector<512x512xi1> to vector<512x512xi1>
    %ne3A_54 = arith.xori %lt3A_49, %ne3A_53 : vector<512x512xi1>
    %and3A_55 = arith.andi %ne3A_54, %ne3A_46 : vector<512x512xi1>
    %add3A_56 = vector.broadcast %select_n3A_41 : i32 to vector<512x512xi32>
    %add3A_57 = arith.addi %rem3A_43, %add3A_56 : vector<512x512xi32>
    %select_n3A_58 = arith.select %and3A_55, %add3A_57, %rem3A_43 : vector<512x512xi1>, vector<512x512xi32>
    %slice3A_59 = vector.extract_strided_slice %convert_element_type3A_16 {offsets = [0, 9], sizes = [512, 503], strides = [1, 1]} : vector<512x512xf32> to vector<512x503xf32>
    %slice3A_60 = vector.extract_strided_slice %convert_element_type3A_16 {offsets = [0, 0], sizes = [512, 9], strides = [1, 1]} : vector<512x512xf32> to vector<512x9xf32>
    %concatenate3A_61 = tpu.concatenate %slice3A_59, %slice3A_60 in 1 : vector<512x503xf32>, vector<512x9xf32> -> vector<512x512xf32>
    %lt3A_62 = arith.constant 119 : i32
    %lt3A_63 = vector.broadcast %lt3A_62 : i32 to vector<512x512xi32>
    %lt3A_64 = arith.cmpi slt, %select_n3A_58, %lt3A_63 : vector<512x512xi32>
    %jit3A_65 = arith.constant 0.000000e+00 : f32
    %broadcast_in_dim3A_66 = vector.broadcast %jit3A_65 : f32 to vector<512x512xf32>
    %select_n3A_67 = arith.select %lt3A_64, %concatenate3A_61, %broadcast_in_dim3A_66 : vector<512x512xi1>, vector<512x512xf32>
    %convert_element_type3A_68 = arith.extf %get3A_4 : vector<512x1536xbf16> to vector<512x1536xf32>
    %slice3A_69 = vector.extract_strided_slice %convert_element_type3A_68 {offsets = [0, 0], sizes = [512, 512], strides = [1, 1]} : vector<512x1536xf32> to vector<512x512xf32>
    %dot_general3A = arith.constant dense<0.000000e+00> : vector<512x512xf32>
    %dot_general3A_70 = tpu.matmul %slice3A_69, %select_n3A_35, %dot_general3A {dimension_numbers = #tpu.dot_dimension_numbers<[1], [0], [0], [1], [0, 0, 1, 1], [], []>, precision = #tpu.contract_precision<fp32>, transpose_lhs_hint = false} : vector<512x512xf32>, vector<512x512xf32>, vector<512x512xf32> -> vector<512x512xf32>
    %slice3A_71 = vector.extract_strided_slice %convert_element_type3A_68 {offsets = [0, 512], sizes = [512, 512], strides = [1, 1]} : vector<512x1536xf32> to vector<512x512xf32>
    %dot_general3A_72 = arith.constant dense<0.000000e+00> : vector<512x512xf32>
    %dot_general3A_73 = tpu.matmul %slice3A_71, %convert_element_type3A_16, %dot_general3A_72 {dimension_numbers = #tpu.dot_dimension_numbers<[1], [0], [0], [1], [0, 0, 1, 1], [], []>, precision = #tpu.contract_precision<fp32>, transpose_lhs_hint = false} : vector<512x512xf32>, vector<512x512xf32>, vector<512x512xf32> -> vector<512x512xf32>
    %add3A_74 = arith.addf %dot_general3A_70, %dot_general3A_73 : vector<512x512xf32>
    %slice3A_75 = vector.extract_strided_slice %convert_element_type3A_68 {offsets = [0, 1024], sizes = [512, 512], strides = [1, 1]} : vector<512x1536xf32> to vector<512x512xf32>
    %dot_general3A_76 = arith.constant dense<0.000000e+00> : vector<512x512xf32>
    %dot_general3A_77 = tpu.matmul %slice3A_75, %select_n3A_67, %dot_general3A_76 {dimension_numbers = #tpu.dot_dimension_numbers<[1], [0], [0], [1], [0, 0, 1, 1], [], []>, precision = #tpu.contract_precision<fp32>, transpose_lhs_hint = false} : vector<512x512xf32>, vector<512x512xf32>, vector<512x512xf32> -> vector<512x512xf32>
    %add3A_78 = arith.addf %add3A_74, %dot_general3A_77 : vector<512x512xf32>
    %add3A_79 = vector.broadcast %get3A_7 : vector<512x1xf32> to vector<512x512xf32>
    %add3A_80 = arith.addf %add3A_78, %add3A_79 : vector<512x512xf32>
    %max3A_81 = arith.constant 0.000000e+00 : f32
    %max3A_82 = vector.broadcast %max3A_81 : f32 to vector<512x512xf32>
    %max3A_83 = arith.maximumf %add3A_80, %max3A_82 : vector<512x512xf32>
    %convert_element_type3A_84 = arith.extf %get3A_10 : vector<512x512xbf16> to vector<512x512xf32>
    %convert_element_type3A_85 = arith.truncf %max3A_83 : vector<512x512xf32> to vector<512x512xbf16>
    %convert_element_type3A_86 = arith.extf %convert_element_type3A_85 : vector<512x512xbf16> to vector<512x512xf32>
    %dot_general3A_87 = arith.constant dense<0.000000e+00> : vector<512x512xf32>
    %dot_general3A_88 = tpu.matmul %convert_element_type3A_84, %convert_element_type3A_86, %dot_general3A_87 {dimension_numbers = #tpu.dot_dimension_numbers<[1], [0], [0], [1], [0, 0, 1, 1], [], []>, precision = #tpu.contract_precision<fp32>, transpose_lhs_hint = false} : vector<512x512xf32>, vector<512x512xf32>, vector<512x512xf32> -> vector<512x512xf32>
    %add3A_89 = vector.broadcast %get3A_13 : vector<512x1xf32> to vector<512x512xf32>
    %add3A_90 = arith.addf %dot_general3A_88, %add3A_89 : vector<512x512xf32>
    %add3A_91 = arith.addf %get3A_1, %add3A_90 : vector<512x512xf32>
    %get3A_92 = arith.constant 0 : index
    %get3A_93 = arith.constant 0 : index
    %get3A_94 = vector.load %arg6[%get3A_92, %get3A_93] : memref<512x1536xbf16, #tpu.memory_space<vmem>>, vector<512x1536xbf16>
    %get3A_95 = arith.constant 0 : index
    %get3A_96 = arith.constant 0 : index
    %get3A_97 = vector.load %arg7[%get3A_95, %get3A_96] : memref<512x1xf32, #tpu.memory_space<vmem>>, vector<512x1xf32>
    %get3A_98 = arith.constant 0 : index
    %get3A_99 = arith.constant 0 : index
    %get3A_100 = vector.load %arg8[%get3A_98, %get3A_99] : memref<512x512xbf16, #tpu.memory_space<vmem>>, vector<512x512xbf16>
    %get3A_101 = arith.constant 0 : index
    %get3A_102 = arith.constant 0 : index
    %get3A_103 = vector.load %arg9[%get3A_101, %get3A_102] : memref<512x1xf32, #tpu.memory_space<vmem>>, vector<512x1xf32>
    %max3A_104 = arith.constant 0.000000e+00 : f32
    %max3A_105 = vector.broadcast %max3A_104 : f32 to vector<512x512xf32>
    %max3A_106 = arith.maximumf %add3A_91, %max3A_105 : vector<512x512xf32>
    %convert_element_type3A_107 = arith.truncf %max3A_106 : vector<512x512xf32> to vector<512x512xbf16>
    %convert_element_type3A_108 = arith.extf %convert_element_type3A_107 : vector<512x512xbf16> to vector<512x512xf32>
    %iota3A_109 = tpu.iota {dimensions = array<i32: 1>} : vector<512x512xi32>
    %jit3A_110 = arith.constant 128 : i32
    %eq3A_111 = arith.constant 0 : i32
    %eq3A_112 = arith.cmpi eq, %jit3A_110, %eq3A_111 : i32
    %jit3A_113 = arith.constant 1 : i32
    %select_n3A_114 = arith.select %eq3A_112, %jit3A_113, %jit3A_110 : i32
    %rem3A_115 = vector.broadcast %select_n3A_114 : i32 to vector<512x512xi32>
    %rem3A_116 = arith.remsi %iota3A_109, %rem3A_115 : vector<512x512xi32>
    %ne3A_117 = arith.constant 0 : i32
    %ne3A_118 = vector.broadcast %ne3A_117 : i32 to vector<512x512xi32>
    %ne3A_119 = arith.cmpi ne, %rem3A_116, %ne3A_118 : vector<512x512xi32>
    %lt3A_120 = arith.constant 0 : i32
    %lt3A_121 = vector.broadcast %lt3A_120 : i32 to vector<512x512xi32>
    %lt3A_122 = arith.cmpi slt, %rem3A_116, %lt3A_121 : vector<512x512xi32>
    %lt3A_123 = arith.constant 0 : i32
    %lt3A_124 = arith.cmpi slt, %select_n3A_114, %lt3A_123 : i32
    %ne3A_125 = vector.broadcast %lt3A_124 : i1 to vector<512x512xi1>
    %ne3A_126 = vector.broadcast %ne3A_125 : vector<512x512xi1> to vector<512x512xi1>
    %ne3A_127 = arith.xori %lt3A_122, %ne3A_126 : vector<512x512xi1>
    %and3A_128 = arith.andi %ne3A_127, %ne3A_119 : vector<512x512xi1>
    %add3A_129 = vector.broadcast %select_n3A_114 : i32 to vector<512x512xi32>
    %add3A_130 = arith.addi %rem3A_116, %add3A_129 : vector<512x512xi32>
    %select_n3A_131 = arith.select %and3A_128, %add3A_130, %rem3A_116 : vector<512x512xi1>, vector<512x512xi32>
    %slice3A_132 = vector.extract_strided_slice %convert_element_type3A_108 {offsets = [0, 509], sizes = [512, 3], strides = [1, 1]} : vector<512x512xf32> to vector<512x3xf32>
    %slice3A_133 = vector.extract_strided_slice %convert_element_type3A_108 {offsets = [0, 0], sizes = [512, 509], strides = [1, 1]} : vector<512x512xf32> to vector<512x509xf32>
    %concatenate3A_134 = tpu.concatenate %slice3A_132, %slice3A_133 in 1 : vector<512x3xf32>, vector<512x509xf32> -> vector<512x512xf32>
    %ge3A_135 = arith.constant 3 : i32
    %ge3A_136 = vector.broadcast %ge3A_135 : i32 to vector<512x512xi32>
    %ge3A_137 = arith.cmpi sge, %select_n3A_131, %ge3A_136 : vector<512x512xi32>
    %jit3A_138 = arith.constant 0.000000e+00 : f32
    %broadcast_in_dim3A_139 = vector.broadcast %jit3A_138 : f32 to vector<512x512xf32>
    %select_n3A_140 = arith.select %ge3A_137, %concatenate3A_134, %broadcast_in_dim3A_139 : vector<512x512xi1>, vector<512x512xf32>
    %iota3A_141 = tpu.iota {dimensions = array<i32: 1>} : vector<512x512xi32>
    %jit3A_142 = arith.constant 128 : i32
    %eq3A_143 = arith.constant 0 : i32
    %eq3A_144 = arith.cmpi eq, %jit3A_142, %eq3A_143 : i32
    %jit3A_145 = arith.constant 1 : i32
    %select_n3A_146 = arith.select %eq3A_144, %jit3A_145, %jit3A_142 : i32
    %rem3A_147 = vector.broadcast %select_n3A_146 : i32 to vector<512x512xi32>
    %rem3A_148 = arith.remsi %iota3A_141, %rem3A_147 : vector<512x512xi32>
    %ne3A_149 = arith.constant 0 : i32
    %ne3A_150 = vector.broadcast %ne3A_149 : i32 to vector<512x512xi32>
    %ne3A_151 = arith.cmpi ne, %rem3A_148, %ne3A_150 : vector<512x512xi32>
    %lt3A_152 = arith.constant 0 : i32
    %lt3A_153 = vector.broadcast %lt3A_152 : i32 to vector<512x512xi32>
    %lt3A_154 = arith.cmpi slt, %rem3A_148, %lt3A_153 : vector<512x512xi32>
    %lt3A_155 = arith.constant 0 : i32
    %lt3A_156 = arith.cmpi slt, %select_n3A_146, %lt3A_155 : i32
    %ne3A_157 = vector.broadcast %lt3A_156 : i1 to vector<512x512xi1>
    %ne3A_158 = vector.broadcast %ne3A_157 : vector<512x512xi1> to vector<512x512xi1>
    %ne3A_159 = arith.xori %lt3A_154, %ne3A_158 : vector<512x512xi1>
    %and3A_160 = arith.andi %ne3A_159, %ne3A_151 : vector<512x512xi1>
    %add3A_161 = vector.broadcast %select_n3A_146 : i32 to vector<512x512xi32>
    %add3A_162 = arith.addi %rem3A_148, %add3A_161 : vector<512x512xi32>
    %select_n3A_163 = arith.select %and3A_160, %add3A_162, %rem3A_148 : vector<512x512xi1>, vector<512x512xi32>
    %slice3A_164 = vector.extract_strided_slice %convert_element_type3A_108 {offsets = [0, 3], sizes = [512, 509], strides = [1, 1]} : vector<512x512xf32> to vector<512x509xf32>
    %slice3A_165 = vector.extract_strided_slice %convert_element_type3A_108 {offsets = [0, 0], sizes = [512, 3], strides = [1, 1]} : vector<512x512xf32> to vector<512x3xf32>
    %concatenate3A_166 = tpu.concatenate %slice3A_164, %slice3A_165 in 1 : vector<512x509xf32>, vector<512x3xf32> -> vector<512x512xf32>
    %lt3A_167 = arith.constant 125 : i32
    %lt3A_168 = vector.broadcast %lt3A_167 : i32 to vector<512x512xi32>
    %lt3A_169 = arith.cmpi slt, %select_n3A_163, %lt3A_168 : vector<512x512xi32>
    %jit3A_170 = arith.constant 0.000000e+00 : f32
    %broadcast_in_dim3A_171 = vector.broadcast %jit3A_170 : f32 to vector<512x512xf32>
    %select_n3A_172 = arith.select %lt3A_169, %concatenate3A_166, %broadcast_in_dim3A_171 : vector<512x512xi1>, vector<512x512xf32>
    %convert_element_type3A_173 = arith.extf %get3A_94 : vector<512x1536xbf16> to vector<512x1536xf32>
    %slice3A_174 = vector.extract_strided_slice %convert_element_type3A_173 {offsets = [0, 0], sizes = [512, 512], strides = [1, 1]} : vector<512x1536xf32> to vector<512x512xf32>
    %dot_general3A_175 = arith.constant dense<0.000000e+00> : vector<512x512xf32>
    %dot_general3A_176 = tpu.matmul %slice3A_174, %select_n3A_140, %dot_general3A_175 {dimension_numbers = #tpu.dot_dimension_numbers<[1], [0], [0], [1], [0, 0, 1, 1], [], []>, precision = #tpu.contract_precision<fp32>, transpose_lhs_hint = false} : vector<512x512xf32>, vector<512x512xf32>, vector<512x512xf32> -> vector<512x512xf32>
    %slice3A_177 = vector.extract_strided_slice %convert_element_type3A_173 {offsets = [0, 512], sizes = [512, 512], strides = [1, 1]} : vector<512x1536xf32> to vector<512x512xf32>
    %dot_general3A_178 = arith.constant dense<0.000000e+00> : vector<512x512xf32>
    %dot_general3A_179 = tpu.matmul %slice3A_177, %convert_element_type3A_108, %dot_general3A_178 {dimension_numbers = #tpu.dot_dimension_numbers<[1], [0], [0], [1], [0, 0, 1, 1], [], []>, precision = #tpu.contract_precision<fp32>, transpose_lhs_hint = false} : vector<512x512xf32>, vector<512x512xf32>, vector<512x512xf32> -> vector<512x512xf32>
    %add3A_180 = arith.addf %dot_general3A_176, %dot_general3A_179 : vector<512x512xf32>
    %slice3A_181 = vector.extract_strided_slice %convert_element_type3A_173 {offsets = [0, 1024], sizes = [512, 512], strides = [1, 1]} : vector<512x1536xf32> to vector<512x512xf32>
    %dot_general3A_182 = arith.constant dense<0.000000e+00> : vector<512x512xf32>
    %dot_general3A_183 = tpu.matmul %slice3A_181, %select_n3A_172, %dot_general3A_182 {dimension_numbers = #tpu.dot_dimension_numbers<[1], [0], [0], [1], [0, 0, 1, 1], [], []>, precision = #tpu.contract_precision<fp32>, transpose_lhs_hint = false} : vector<512x512xf32>, vector<512x512xf32>, vector<512x512xf32> -> vector<512x512xf32>
    %add3A_184 = arith.addf %add3A_180, %dot_general3A_183 : vector<512x512xf32>
    %add3A_185 = vector.broadcast %get3A_97 : vector<512x1xf32> to vector<512x512xf32>
    %add3A_186 = arith.addf %add3A_184, %add3A_185 : vector<512x512xf32>
    %max3A_187 = arith.constant 0.000000e+00 : f32
    %max3A_188 = vector.broadcast %max3A_187 : f32 to vector<512x512xf32>
    %max3A_189 = arith.maximumf %add3A_186, %max3A_188 : vector<512x512xf32>
    %convert_element_type3A_190 = arith.extf %get3A_100 : vector<512x512xbf16> to vector<512x512xf32>
    %convert_element_type3A_191 = arith.truncf %max3A_189 : vector<512x512xf32> to vector<512x512xbf16>
    %convert_element_type3A_192 = arith.extf %convert_element_type3A_191 : vector<512x512xbf16> to vector<512x512xf32>
    %dot_general3A_193 = arith.constant dense<0.000000e+00> : vector<512x512xf32>
    %dot_general3A_194 = tpu.matmul %convert_element_type3A_190, %convert_element_type3A_192, %dot_general3A_193 {dimension_numbers = #tpu.dot_dimension_numbers<[1], [0], [0], [1], [0, 0, 1, 1], [], []>, precision = #tpu.contract_precision<fp32>, transpose_lhs_hint = false} : vector<512x512xf32>, vector<512x512xf32>, vector<512x512xf32> -> vector<512x512xf32>
    %add3A_195 = vector.broadcast %get3A_103 : vector<512x1xf32> to vector<512x512xf32>
    %add3A_196 = arith.addf %dot_general3A_194, %add3A_195 : vector<512x512xf32>
    %add3A_197 = arith.addf %add3A_91, %add3A_196 : vector<512x512xf32>
    %get3A_198 = arith.constant 0 : index
    %get3A_199 = arith.constant 0 : index
    %get3A_200 = vector.load %arg10[%get3A_198, %get3A_199] : memref<512x1536xbf16, #tpu.memory_space<vmem>>, vector<512x1536xbf16>
    %get3A_201 = arith.constant 0 : index
    %get3A_202 = arith.constant 0 : index
    %get3A_203 = vector.load %arg11[%get3A_201, %get3A_202] : memref<512x1xf32, #tpu.memory_space<vmem>>, vector<512x1xf32>
    %get3A_204 = arith.constant 0 : index
    %get3A_205 = arith.constant 0 : index
    %get3A_206 = vector.load %arg12[%get3A_204, %get3A_205] : memref<512x512xbf16, #tpu.memory_space<vmem>>, vector<512x512xbf16>
    %get3A_207 = arith.constant 0 : index
    %get3A_208 = arith.constant 0 : index
    %get3A_209 = vector.load %arg13[%get3A_207, %get3A_208] : memref<512x1xf32, #tpu.memory_space<vmem>>, vector<512x1xf32>
    %max3A_210 = arith.constant 0.000000e+00 : f32
    %max3A_211 = vector.broadcast %max3A_210 : f32 to vector<512x512xf32>
    %max3A_212 = arith.maximumf %add3A_197, %max3A_211 : vector<512x512xf32>
    %convert_element_type3A_213 = arith.truncf %max3A_212 : vector<512x512xf32> to vector<512x512xbf16>
    %convert_element_type3A_214 = arith.extf %convert_element_type3A_213 : vector<512x512xbf16> to vector<512x512xf32>
    %iota3A_215 = tpu.iota {dimensions = array<i32: 1>} : vector<512x512xi32>
    %jit3A_216 = arith.constant 128 : i32
    %eq3A_217 = arith.constant 0 : i32
    %eq3A_218 = arith.cmpi eq, %jit3A_216, %eq3A_217 : i32
    %jit3A_219 = arith.constant 1 : i32
    %select_n3A_220 = arith.select %eq3A_218, %jit3A_219, %jit3A_216 : i32
    %rem3A_221 = vector.broadcast %select_n3A_220 : i32 to vector<512x512xi32>
    %rem3A_222 = arith.remsi %iota3A_215, %rem3A_221 : vector<512x512xi32>
    %ne3A_223 = arith.constant 0 : i32
    %ne3A_224 = vector.broadcast %ne3A_223 : i32 to vector<512x512xi32>
    %ne3A_225 = arith.cmpi ne, %rem3A_222, %ne3A_224 : vector<512x512xi32>
    %lt3A_226 = arith.constant 0 : i32
    %lt3A_227 = vector.broadcast %lt3A_226 : i32 to vector<512x512xi32>
    %lt3A_228 = arith.cmpi slt, %rem3A_222, %lt3A_227 : vector<512x512xi32>
    %lt3A_229 = arith.constant 0 : i32
    %lt3A_230 = arith.cmpi slt, %select_n3A_220, %lt3A_229 : i32
    %ne3A_231 = vector.broadcast %lt3A_230 : i1 to vector<512x512xi1>
    %ne3A_232 = vector.broadcast %ne3A_231 : vector<512x512xi1> to vector<512x512xi1>
    %ne3A_233 = arith.xori %lt3A_228, %ne3A_232 : vector<512x512xi1>
    %and3A_234 = arith.andi %ne3A_233, %ne3A_225 : vector<512x512xi1>
    %add3A_235 = vector.broadcast %select_n3A_220 : i32 to vector<512x512xi32>
    %add3A_236 = arith.addi %rem3A_222, %add3A_235 : vector<512x512xi32>
    %select_n3A_237 = arith.select %and3A_234, %add3A_236, %rem3A_222 : vector<512x512xi1>, vector<512x512xi32>
    %slice3A_238 = vector.extract_strided_slice %convert_element_type3A_214 {offsets = [0, 511], sizes = [512, 1], strides = [1, 1]} : vector<512x512xf32> to vector<512x1xf32>
    %slice3A_239 = vector.extract_strided_slice %convert_element_type3A_214 {offsets = [0, 0], sizes = [512, 511], strides = [1, 1]} : vector<512x512xf32> to vector<512x511xf32>
    %concatenate3A_240 = tpu.concatenate %slice3A_238, %slice3A_239 in 1 : vector<512x1xf32>, vector<512x511xf32> -> vector<512x512xf32>
    %ge3A_241 = arith.constant 1 : i32
    %ge3A_242 = vector.broadcast %ge3A_241 : i32 to vector<512x512xi32>
    %ge3A_243 = arith.cmpi sge, %select_n3A_237, %ge3A_242 : vector<512x512xi32>
    %jit3A_244 = arith.constant 0.000000e+00 : f32
    %broadcast_in_dim3A_245 = vector.broadcast %jit3A_244 : f32 to vector<512x512xf32>
    %select_n3A_246 = arith.select %ge3A_243, %concatenate3A_240, %broadcast_in_dim3A_245 : vector<512x512xi1>, vector<512x512xf32>
    %iota3A_247 = tpu.iota {dimensions = array<i32: 1>} : vector<512x512xi32>
    %jit3A_248 = arith.constant 128 : i32
    %eq3A_249 = arith.constant 0 : i32
    %eq3A_250 = arith.cmpi eq, %jit3A_248, %eq3A_249 : i32
    %jit3A_251 = arith.constant 1 : i32
    %select_n3A_252 = arith.select %eq3A_250, %jit3A_251, %jit3A_248 : i32
    %rem3A_253 = vector.broadcast %select_n3A_252 : i32 to vector<512x512xi32>
    %rem3A_254 = arith.remsi %iota3A_247, %rem3A_253 : vector<512x512xi32>
    %ne3A_255 = arith.constant 0 : i32
    %ne3A_256 = vector.broadcast %ne3A_255 : i32 to vector<512x512xi32>
    %ne3A_257 = arith.cmpi ne, %rem3A_254, %ne3A_256 : vector<512x512xi32>
    %lt3A_258 = arith.constant 0 : i32
    %lt3A_259 = vector.broadcast %lt3A_258 : i32 to vector<512x512xi32>
    %lt3A_260 = arith.cmpi slt, %rem3A_254, %lt3A_259 : vector<512x512xi32>
    %lt3A_261 = arith.constant 0 : i32
    %lt3A_262 = arith.cmpi slt, %select_n3A_252, %lt3A_261 : i32
    %ne3A_263 = vector.broadcast %lt3A_262 : i1 to vector<512x512xi1>
    %ne3A_264 = vector.broadcast %ne3A_263 : vector<512x512xi1> to vector<512x512xi1>
    %ne3A_265 = arith.xori %lt3A_260, %ne3A_264 : vector<512x512xi1>
    %and3A_266 = arith.andi %ne3A_265, %ne3A_257 : vector<512x512xi1>
    %add3A_267 = vector.broadcast %select_n3A_252 : i32 to vector<512x512xi32>
    %add3A_268 = arith.addi %rem3A_254, %add3A_267 : vector<512x512xi32>
    %select_n3A_269 = arith.select %and3A_266, %add3A_268, %rem3A_254 : vector<512x512xi1>, vector<512x512xi32>
    %slice3A_270 = vector.extract_strided_slice %convert_element_type3A_214 {offsets = [0, 1], sizes = [512, 511], strides = [1, 1]} : vector<512x512xf32> to vector<512x511xf32>
    %slice3A_271 = vector.extract_strided_slice %convert_element_type3A_214 {offsets = [0, 0], sizes = [512, 1], strides = [1, 1]} : vector<512x512xf32> to vector<512x1xf32>
    %concatenate3A_272 = tpu.concatenate %slice3A_270, %slice3A_271 in 1 : vector<512x511xf32>, vector<512x1xf32> -> vector<512x512xf32>
    %lt3A_273 = arith.constant 127 : i32
    %lt3A_274 = vector.broadcast %lt3A_273 : i32 to vector<512x512xi32>
    %lt3A_275 = arith.cmpi slt, %select_n3A_269, %lt3A_274 : vector<512x512xi32>
    %jit3A_276 = arith.constant 0.000000e+00 : f32
    %broadcast_in_dim3A_277 = vector.broadcast %jit3A_276 : f32 to vector<512x512xf32>
    %select_n3A_278 = arith.select %lt3A_275, %concatenate3A_272, %broadcast_in_dim3A_277 : vector<512x512xi1>, vector<512x512xf32>
    %convert_element_type3A_279 = arith.extf %get3A_200 : vector<512x1536xbf16> to vector<512x1536xf32>
    %slice3A_280 = vector.extract_strided_slice %convert_element_type3A_279 {offsets = [0, 0], sizes = [512, 512], strides = [1, 1]} : vector<512x1536xf32> to vector<512x512xf32>
    %dot_general3A_281 = arith.constant dense<0.000000e+00> : vector<512x512xf32>
    %dot_general3A_282 = tpu.matmul %slice3A_280, %select_n3A_246, %dot_general3A_281 {dimension_numbers = #tpu.dot_dimension_numbers<[1], [0], [0], [1], [0, 0, 1, 1], [], []>, precision = #tpu.contract_precision<fp32>, transpose_lhs_hint = false} : vector<512x512xf32>, vector<512x512xf32>, vector<512x512xf32> -> vector<512x512xf32>
    %slice3A_283 = vector.extract_strided_slice %convert_element_type3A_279 {offsets = [0, 512], sizes = [512, 512], strides = [1, 1]} : vector<512x1536xf32> to vector<512x512xf32>
    %dot_general3A_284 = arith.constant dense<0.000000e+00> : vector<512x512xf32>
    %dot_general3A_285 = tpu.matmul %slice3A_283, %convert_element_type3A_214, %dot_general3A_284 {dimension_numbers = #tpu.dot_dimension_numbers<[1], [0], [0], [1], [0, 0, 1, 1], [], []>, precision = #tpu.contract_precision<fp32>, transpose_lhs_hint = false} : vector<512x512xf32>, vector<512x512xf32>, vector<512x512xf32> -> vector<512x512xf32>
    %add3A_286 = arith.addf %dot_general3A_282, %dot_general3A_285 : vector<512x512xf32>
    %slice3A_287 = vector.extract_strided_slice %convert_element_type3A_279 {offsets = [0, 1024], sizes = [512, 512], strides = [1, 1]} : vector<512x1536xf32> to vector<512x512xf32>
    %dot_general3A_288 = arith.constant dense<0.000000e+00> : vector<512x512xf32>
    %dot_general3A_289 = tpu.matmul %slice3A_287, %select_n3A_278, %dot_general3A_288 {dimension_numbers = #tpu.dot_dimension_numbers<[1], [0], [0], [1], [0, 0, 1, 1], [], []>, precision = #tpu.contract_precision<fp32>, transpose_lhs_hint = false} : vector<512x512xf32>, vector<512x512xf32>, vector<512x512xf32> -> vector<512x512xf32>
    %add3A_290 = arith.addf %add3A_286, %dot_general3A_289 : vector<512x512xf32>
    %add3A_291 = vector.broadcast %get3A_203 : vector<512x1xf32> to vector<512x512xf32>
    %add3A_292 = arith.addf %add3A_290, %add3A_291 : vector<512x512xf32>
    %max3A_293 = arith.constant 0.000000e+00 : f32
    %max3A_294 = vector.broadcast %max3A_293 : f32 to vector<512x512xf32>
    %max3A_295 = arith.maximumf %add3A_292, %max3A_294 : vector<512x512xf32>
    %convert_element_type3A_296 = arith.extf %get3A_206 : vector<512x512xbf16> to vector<512x512xf32>
    %convert_element_type3A_297 = arith.truncf %max3A_295 : vector<512x512xf32> to vector<512x512xbf16>
    %convert_element_type3A_298 = arith.extf %convert_element_type3A_297 : vector<512x512xbf16> to vector<512x512xf32>
    %dot_general3A_299 = arith.constant dense<0.000000e+00> : vector<512x512xf32>
    %dot_general3A_300 = tpu.matmul %convert_element_type3A_296, %convert_element_type3A_298, %dot_general3A_299 {dimension_numbers = #tpu.dot_dimension_numbers<[1], [0], [0], [1], [0, 0, 1, 1], [], []>, precision = #tpu.contract_precision<fp32>, transpose_lhs_hint = false} : vector<512x512xf32>, vector<512x512xf32>, vector<512x512xf32> -> vector<512x512xf32>
    %add3A_301 = vector.broadcast %get3A_209 : vector<512x1xf32> to vector<512x512xf32>
    %add3A_302 = arith.addf %dot_general3A_300, %add3A_301 : vector<512x512xf32>
    %add3A_303 = arith.addf %add3A_197, %add3A_302 : vector<512x512xf32>
    %iota3A_304 = tpu.iota {dimensions = array<i32: 0>} : vector<512x1024xi32>
    %iota3A_305 = tpu.iota {dimensions = array<i32: 1>} : vector<512x1024xi32>
    %jit3A_306 = arith.constant 2 : i32
    %div3A = vector.broadcast %jit3A_306 : i32 to vector<512x1024xi32>
    %div3A_307 = arith.divsi %iota3A_305, %div3A : vector<512x1024xi32>
    %sign3A = arith.constant 0 : i32
    %sign3A_308 = vector.broadcast %sign3A : i32 to vector<512x1024xi32>
    %sign3A_309 = arith.cmpi sgt, %iota3A_305, %sign3A_308 : vector<512x1024xi32>
    %sign3A_310 = arith.extui %sign3A_309 : vector<512x1024xi1> to vector<512x1024xi32>
    %sign3A_311 = arith.constant 0 : i32
    %sign3A_312 = vector.broadcast %sign3A_311 : i32 to vector<512x1024xi32>
    %sign3A_313 = arith.cmpi slt, %iota3A_305, %sign3A_312 : vector<512x1024xi32>
    %sign3A_314 = arith.extui %sign3A_313 : vector<512x1024xi1> to vector<512x1024xi32>
    %sign3A_315 = arith.subi %sign3A_310, %sign3A_314 : vector<512x1024xi32>
    %sign3A_316 = arith.constant 0 : i32
    %sign3A_317 = arith.cmpi sgt, %jit3A_306, %sign3A_316 : i32
    %sign3A_318 = arith.extui %sign3A_317 : i1 to i32
    %sign3A_319 = arith.constant 0 : i32
    %sign3A_320 = arith.cmpi slt, %jit3A_306, %sign3A_319 : i32
    %sign3A_321 = arith.extui %sign3A_320 : i1 to i32
    %sign3A_322 = arith.subi %sign3A_318, %sign3A_321 : i32
    %ne3A_323 = vector.broadcast %sign3A_322 : i32 to vector<512x1024xi32>
    %ne3A_324 = arith.cmpi ne, %sign3A_315, %ne3A_323 : vector<512x1024xi32>
    %rem3A_325 = vector.broadcast %jit3A_306 : i32 to vector<512x1024xi32>
    %rem3A_326 = arith.remsi %iota3A_305, %rem3A_325 : vector<512x1024xi32>
    %ne3A_327 = arith.constant 0 : i32
    %ne3A_328 = vector.broadcast %ne3A_327 : i32 to vector<512x1024xi32>
    %ne3A_329 = arith.cmpi ne, %rem3A_326, %ne3A_328 : vector<512x1024xi32>
    %and3A_330 = arith.andi %ne3A_324, %ne3A_329 : vector<512x1024xi1>
    %sub3A = arith.constant 1 : i32
    %sub3A_331 = vector.broadcast %sub3A : i32 to vector<512x1024xi32>
    %sub3A_332 = arith.subi %div3A_307, %sub3A_331 : vector<512x1024xi32>
    %select_n3A_333 = arith.select %and3A_330, %sub3A_332, %div3A_307 : vector<512x1024xi1>, vector<512x1024xi32>
    %eq3A_334 = arith.cmpi eq, %iota3A_304, %select_n3A_333 : vector<512x1024xi32>
    %convert_element_type3A_335 = arith.extui %eq3A_334 : vector<512x1024xi1> to vector<512x1024xi32>
    %convert_element_type3A_336 = arith.sitofp %convert_element_type3A_335 : vector<512x1024xi32> to vector<512x1024xf32>
    %dot_general3A_337 = arith.constant dense<0.000000e+00> : vector<512x1024xf32>
    %dot_general3A_338 = tpu.matmul %add3A_303, %convert_element_type3A_336, %dot_general3A_337 {dimension_numbers = #tpu.dot_dimension_numbers<[1], [0], [0], [1], [0, 0, 1, 1], [], []>, precision = #tpu.contract_precision<fp32>, transpose_lhs_hint = false} : vector<512x512xf32>, vector<512x1024xf32>, vector<512x1024xf32> -> vector<512x1024xf32>
    %get3A_339 = arith.constant 0 : index
    %get3A_340 = arith.constant 0 : index
    %get3A_341 = vector.load %arg14[%get3A_339, %get3A_340] : memref<512x1536xbf16, #tpu.memory_space<vmem>>, vector<512x1536xbf16>
    %get3A_342 = arith.constant 0 : index
    %get3A_343 = arith.constant 0 : index
    %get3A_344 = vector.load %arg15[%get3A_342, %get3A_343] : memref<512x1xf32, #tpu.memory_space<vmem>>, vector<512x1xf32>
    %convert_element_type3A_345 = arith.truncf %dot_general3A_338 : vector<512x1024xf32> to vector<512x1024xbf16>
    %convert_element_type3A_346 = arith.extf %convert_element_type3A_345 : vector<512x1024xbf16> to vector<512x1024xf32>
    %iota3A_347 = tpu.iota {dimensions = array<i32: 1>} : vector<512x1024xi32>
    %jit3A_348 = arith.constant 256 : i32
    %eq3A_349 = arith.constant 0 : i32
    %eq3A_350 = arith.cmpi eq, %jit3A_348, %eq3A_349 : i32
    %jit3A_351 = arith.constant 1 : i32
    %select_n3A_352 = arith.select %eq3A_350, %jit3A_351, %jit3A_348 : i32
    %rem3A_353 = vector.broadcast %select_n3A_352 : i32 to vector<512x1024xi32>
    %rem3A_354 = arith.remsi %iota3A_347, %rem3A_353 : vector<512x1024xi32>
    %ne3A_355 = arith.constant 0 : i32
    %ne3A_356 = vector.broadcast %ne3A_355 : i32 to vector<512x1024xi32>
    %ne3A_357 = arith.cmpi ne, %rem3A_354, %ne3A_356 : vector<512x1024xi32>
    %lt3A_358 = arith.constant 0 : i32
    %lt3A_359 = vector.broadcast %lt3A_358 : i32 to vector<512x1024xi32>
    %lt3A_360 = arith.cmpi slt, %rem3A_354, %lt3A_359 : vector<512x1024xi32>
    %lt3A_361 = arith.constant 0 : i32
    %lt3A_362 = arith.cmpi slt, %select_n3A_352, %lt3A_361 : i32
    %ne3A_363 = vector.broadcast %lt3A_362 : i1 to vector<512x1024xi1>
    %ne3A_364 = vector.broadcast %ne3A_363 : vector<512x1024xi1> to vector<512x1024xi1>
    %ne3A_365 = arith.xori %lt3A_360, %ne3A_364 : vector<512x1024xi1>
    %and3A_366 = arith.andi %ne3A_365, %ne3A_357 : vector<512x1024xi1>
    %add3A_367 = vector.broadcast %select_n3A_352 : i32 to vector<512x1024xi32>
    %add3A_368 = arith.addi %rem3A_354, %add3A_367 : vector<512x1024xi32>
    %select_n3A_369 = arith.select %and3A_366, %add3A_368, %rem3A_354 : vector<512x1024xi1>, vector<512x1024xi32>
    %slice3A_370 = vector.extract_strided_slice %convert_element_type3A_346 {offsets = [0, 1023], sizes = [512, 1], strides = [1, 1]} : vector<512x1024xf32> to vector<512x1xf32>
    %slice3A_371 = vector.extract_strided_slice %convert_element_type3A_346 {offsets = [0, 0], sizes = [512, 1023], strides = [1, 1]} : vector<512x1024xf32> to vector<512x1023xf32>
    %concatenate3A_372 = tpu.concatenate %slice3A_370, %slice3A_371 in 1 : vector<512x1xf32>, vector<512x1023xf32> -> vector<512x1024xf32>
    %ge3A_373 = arith.constant 1 : i32
    %ge3A_374 = vector.broadcast %ge3A_373 : i32 to vector<512x1024xi32>
    %ge3A_375 = arith.cmpi sge, %select_n3A_369, %ge3A_374 : vector<512x1024xi32>
    %jit3A_376 = arith.constant 0.000000e+00 : f32
    %broadcast_in_dim3A_377 = vector.broadcast %jit3A_376 : f32 to vector<512x1024xf32>
    %select_n3A_378 = arith.select %ge3A_375, %concatenate3A_372, %broadcast_in_dim3A_377 : vector<512x1024xi1>, vector<512x1024xf32>
    %iota3A_379 = tpu.iota {dimensions = array<i32: 1>} : vector<512x1024xi32>
    %jit3A_380 = arith.constant 256 : i32
    %eq3A_381 = arith.constant 0 : i32
    %eq3A_382 = arith.cmpi eq, %jit3A_380, %eq3A_381 : i32
    %jit3A_383 = arith.constant 1 : i32
    %select_n3A_384 = arith.select %eq3A_382, %jit3A_383, %jit3A_380 : i32
    %rem3A_385 = vector.broadcast %select_n3A_384 : i32 to vector<512x1024xi32>
    %rem3A_386 = arith.remsi %iota3A_379, %rem3A_385 : vector<512x1024xi32>
    %ne3A_387 = arith.constant 0 : i32
    %ne3A_388 = vector.broadcast %ne3A_387 : i32 to vector<512x1024xi32>
    %ne3A_389 = arith.cmpi ne, %rem3A_386, %ne3A_388 : vector<512x1024xi32>
    %lt3A_390 = arith.constant 0 : i32
    %lt3A_391 = vector.broadcast %lt3A_390 : i32 to vector<512x1024xi32>
    %lt3A_392 = arith.cmpi slt, %rem3A_386, %lt3A_391 : vector<512x1024xi32>
    %lt3A_393 = arith.constant 0 : i32
    %lt3A_394 = arith.cmpi slt, %select_n3A_384, %lt3A_393 : i32
    %ne3A_395 = vector.broadcast %lt3A_394 : i1 to vector<512x1024xi1>
    %ne3A_396 = vector.broadcast %ne3A_395 : vector<512x1024xi1> to vector<512x1024xi1>
    %ne3A_397 = arith.xori %lt3A_392, %ne3A_396 : vector<512x1024xi1>
    %and3A_398 = arith.andi %ne3A_397, %ne3A_389 : vector<512x1024xi1>
    %add3A_399 = vector.broadcast %select_n3A_384 : i32 to vector<512x1024xi32>
    %add3A_400 = arith.addi %rem3A_386, %add3A_399 : vector<512x1024xi32>
    %select_n3A_401 = arith.select %and3A_398, %add3A_400, %rem3A_386 : vector<512x1024xi1>, vector<512x1024xi32>
    %slice3A_402 = vector.extract_strided_slice %convert_element_type3A_346 {offsets = [0, 1], sizes = [512, 1023], strides = [1, 1]} : vector<512x1024xf32> to vector<512x1023xf32>
    %slice3A_403 = vector.extract_strided_slice %convert_element_type3A_346 {offsets = [0, 0], sizes = [512, 1], strides = [1, 1]} : vector<512x1024xf32> to vector<512x1xf32>
    %concatenate3A_404 = tpu.concatenate %slice3A_402, %slice3A_403 in 1 : vector<512x1023xf32>, vector<512x1xf32> -> vector<512x1024xf32>
    %lt3A_405 = arith.constant 255 : i32
    %lt3A_406 = vector.broadcast %lt3A_405 : i32 to vector<512x1024xi32>
    %lt3A_407 = arith.cmpi slt, %select_n3A_401, %lt3A_406 : vector<512x1024xi32>
    %jit3A_408 = arith.constant 0.000000e+00 : f32
    %broadcast_in_dim3A_409 = vector.broadcast %jit3A_408 : f32 to vector<512x1024xf32>
    %select_n3A_410 = arith.select %lt3A_407, %concatenate3A_404, %broadcast_in_dim3A_409 : vector<512x1024xi1>, vector<512x1024xf32>
    %convert_element_type3A_411 = arith.extf %get3A_341 : vector<512x1536xbf16> to vector<512x1536xf32>
    %slice3A_412 = vector.extract_strided_slice %convert_element_type3A_411 {offsets = [0, 0], sizes = [512, 512], strides = [1, 1]} : vector<512x1536xf32> to vector<512x512xf32>
    %dot_general3A_413 = arith.constant dense<0.000000e+00> : vector<512x1024xf32>
    %dot_general3A_414 = tpu.matmul %slice3A_412, %select_n3A_378, %dot_general3A_413 {dimension_numbers = #tpu.dot_dimension_numbers<[1], [0], [0], [1], [0, 0, 1, 1], [], []>, precision = #tpu.contract_precision<fp32>, transpose_lhs_hint = false} : vector<512x512xf32>, vector<512x1024xf32>, vector<512x1024xf32> -> vector<512x1024xf32>
    %slice3A_415 = vector.extract_strided_slice %convert_element_type3A_411 {offsets = [0, 512], sizes = [512, 512], strides = [1, 1]} : vector<512x1536xf32> to vector<512x512xf32>
    %dot_general3A_416 = arith.constant dense<0.000000e+00> : vector<512x1024xf32>
    %dot_general3A_417 = tpu.matmul %slice3A_415, %convert_element_type3A_346, %dot_general3A_416 {dimension_numbers = #tpu.dot_dimension_numbers<[1], [0], [0], [1], [0, 0, 1, 1], [], []>, precision = #tpu.contract_precision<fp32>, transpose_lhs_hint = false} : vector<512x512xf32>, vector<512x1024xf32>, vector<512x1024xf32> -> vector<512x1024xf32>
    %add3A_418 = arith.addf %dot_general3A_414, %dot_general3A_417 : vector<512x1024xf32>
    %slice3A_419 = vector.extract_strided_slice %convert_element_type3A_411 {offsets = [0, 1024], sizes = [512, 512], strides = [1, 1]} : vector<512x1536xf32> to vector<512x512xf32>
    %dot_general3A_420 = arith.constant dense<0.000000e+00> : vector<512x1024xf32>
    %dot_general3A_421 = tpu.matmul %slice3A_419, %select_n3A_410, %dot_general3A_420 {dimension_numbers = #tpu.dot_dimension_numbers<[1], [0], [0], [1], [0, 0, 1, 1], [], []>, precision = #tpu.contract_precision<fp32>, transpose_lhs_hint = false} : vector<512x512xf32>, vector<512x1024xf32>, vector<512x1024xf32> -> vector<512x1024xf32>
    %add3A_422 = arith.addf %add3A_418, %dot_general3A_421 : vector<512x1024xf32>
    %add3A_423 = vector.broadcast %get3A_344 : vector<512x1xf32> to vector<512x1024xf32>
    %add3A_424 = arith.addf %add3A_422, %add3A_423 : vector<512x1024xf32>
    %get3A_425 = arith.constant 0 : index
    %get3A_426 = arith.constant 0 : index
    %get3A_427 = vector.load %arg16[%get3A_425, %get3A_426] : memref<512x1536xbf16, #tpu.memory_space<vmem>>, vector<512x1536xbf16>
    %get3A_428 = arith.constant 0 : index
    %get3A_429 = arith.constant 0 : index
    %get3A_430 = vector.load %arg17[%get3A_428, %get3A_429] : memref<512x1xf32, #tpu.memory_space<vmem>>, vector<512x1xf32>
    %convert_element_type3A_431 = arith.truncf %add3A_424 : vector<512x1024xf32> to vector<512x1024xbf16>
    %convert_element_type3A_432 = arith.extf %convert_element_type3A_431 : vector<512x1024xbf16> to vector<512x1024xf32>
    %iota3A_433 = tpu.iota {dimensions = array<i32: 1>} : vector<512x1024xi32>
    %jit3A_434 = arith.constant 256 : i32
    %eq3A_435 = arith.constant 0 : i32
    %eq3A_436 = arith.cmpi eq, %jit3A_434, %eq3A_435 : i32
    %jit3A_437 = arith.constant 1 : i32
    %select_n3A_438 = arith.select %eq3A_436, %jit3A_437, %jit3A_434 : i32
    %rem3A_439 = vector.broadcast %select_n3A_438 : i32 to vector<512x1024xi32>
    %rem3A_440 = arith.remsi %iota3A_433, %rem3A_439 : vector<512x1024xi32>
    %ne3A_441 = arith.constant 0 : i32
    %ne3A_442 = vector.broadcast %ne3A_441 : i32 to vector<512x1024xi32>
    %ne3A_443 = arith.cmpi ne, %rem3A_440, %ne3A_442 : vector<512x1024xi32>
    %lt3A_444 = arith.constant 0 : i32
    %lt3A_445 = vector.broadcast %lt3A_444 : i32 to vector<512x1024xi32>
    %lt3A_446 = arith.cmpi slt, %rem3A_440, %lt3A_445 : vector<512x1024xi32>
    %lt3A_447 = arith.constant 0 : i32
    %lt3A_448 = arith.cmpi slt, %select_n3A_438, %lt3A_447 : i32
    %ne3A_449 = vector.broadcast %lt3A_448 : i1 to vector<512x1024xi1>
    %ne3A_450 = vector.broadcast %ne3A_449 : vector<512x1024xi1> to vector<512x1024xi1>
    %ne3A_451 = arith.xori %lt3A_446, %ne3A_450 : vector<512x1024xi1>
    %and3A_452 = arith.andi %ne3A_451, %ne3A_443 : vector<512x1024xi1>
    %add3A_453 = vector.broadcast %select_n3A_438 : i32 to vector<512x1024xi32>
    %add3A_454 = arith.addi %rem3A_440, %add3A_453 : vector<512x1024xi32>
    %select_n3A_455 = arith.select %and3A_452, %add3A_454, %rem3A_440 : vector<512x1024xi1>, vector<512x1024xi32>
    %slice3A_456 = vector.extract_strided_slice %convert_element_type3A_432 {offsets = [0, 1023], sizes = [512, 1], strides = [1, 1]} : vector<512x1024xf32> to vector<512x1xf32>
    %slice3A_457 = vector.extract_strided_slice %convert_element_type3A_432 {offsets = [0, 0], sizes = [512, 1023], strides = [1, 1]} : vector<512x1024xf32> to vector<512x1023xf32>
    %concatenate3A_458 = tpu.concatenate %slice3A_456, %slice3A_457 in 1 : vector<512x1xf32>, vector<512x1023xf32> -> vector<512x1024xf32>
    %ge3A_459 = arith.constant 1 : i32
    %ge3A_460 = vector.broadcast %ge3A_459 : i32 to vector<512x1024xi32>
    %ge3A_461 = arith.cmpi sge, %select_n3A_455, %ge3A_460 : vector<512x1024xi32>
    %jit3A_462 = arith.constant 0.000000e+00 : f32
    %broadcast_in_dim3A_463 = vector.broadcast %jit3A_462 : f32 to vector<512x1024xf32>
    %select_n3A_464 = arith.select %ge3A_461, %concatenate3A_458, %broadcast_in_dim3A_463 : vector<512x1024xi1>, vector<512x1024xf32>
    %iota3A_465 = tpu.iota {dimensions = array<i32: 1>} : vector<512x1024xi32>
    %jit3A_466 = arith.constant 256 : i32
    %eq3A_467 = arith.constant 0 : i32
    %eq3A_468 = arith.cmpi eq, %jit3A_466, %eq3A_467 : i32
    %jit3A_469 = arith.constant 1 : i32
    %select_n3A_470 = arith.select %eq3A_468, %jit3A_469, %jit3A_466 : i32
    %rem3A_471 = vector.broadcast %select_n3A_470 : i32 to vector<512x1024xi32>
    %rem3A_472 = arith.remsi %iota3A_465, %rem3A_471 : vector<512x1024xi32>
    %ne3A_473 = arith.constant 0 : i32
    %ne3A_474 = vector.broadcast %ne3A_473 : i32 to vector<512x1024xi32>
    %ne3A_475 = arith.cmpi ne, %rem3A_472, %ne3A_474 : vector<512x1024xi32>
    %lt3A_476 = arith.constant 0 : i32
    %lt3A_477 = vector.broadcast %lt3A_476 : i32 to vector<512x1024xi32>
    %lt3A_478 = arith.cmpi slt, %rem3A_472, %lt3A_477 : vector<512x1024xi32>
    %lt3A_479 = arith.constant 0 : i32
    %lt3A_480 = arith.cmpi slt, %select_n3A_470, %lt3A_479 : i32
    %ne3A_481 = vector.broadcast %lt3A_480 : i1 to vector<512x1024xi1>
    %ne3A_482 = vector.broadcast %ne3A_481 : vector<512x1024xi1> to vector<512x1024xi1>
    %ne3A_483 = arith.xori %lt3A_478, %ne3A_482 : vector<512x1024xi1>
    %and3A_484 = arith.andi %ne3A_483, %ne3A_475 : vector<512x1024xi1>
    %add3A_485 = vector.broadcast %select_n3A_470 : i32 to vector<512x1024xi32>
    %add3A_486 = arith.addi %rem3A_472, %add3A_485 : vector<512x1024xi32>
    %select_n3A_487 = arith.select %and3A_484, %add3A_486, %rem3A_472 : vector<512x1024xi1>, vector<512x1024xi32>
    %slice3A_488 = vector.extract_strided_slice %convert_element_type3A_432 {offsets = [0, 1], sizes = [512, 1023], strides = [1, 1]} : vector<512x1024xf32> to vector<512x1023xf32>
    %slice3A_489 = vector.extract_strided_slice %convert_element_type3A_432 {offsets = [0, 0], sizes = [512, 1], strides = [1, 1]} : vector<512x1024xf32> to vector<512x1xf32>
    %concatenate3A_490 = tpu.concatenate %slice3A_488, %slice3A_489 in 1 : vector<512x1023xf32>, vector<512x1xf32> -> vector<512x1024xf32>
    %lt3A_491 = arith.constant 255 : i32
    %lt3A_492 = vector.broadcast %lt3A_491 : i32 to vector<512x1024xi32>
    %lt3A_493 = arith.cmpi slt, %select_n3A_487, %lt3A_492 : vector<512x1024xi32>
    %jit3A_494 = arith.constant 0.000000e+00 : f32
    %broadcast_in_dim3A_495 = vector.broadcast %jit3A_494 : f32 to vector<512x1024xf32>
    %select_n3A_496 = arith.select %lt3A_493, %concatenate3A_490, %broadcast_in_dim3A_495 : vector<512x1024xi1>, vector<512x1024xf32>
    %convert_element_type3A_497 = arith.extf %get3A_427 : vector<512x1536xbf16> to vector<512x1536xf32>
    %slice3A_498 = vector.extract_strided_slice %convert_element_type3A_497 {offsets = [0, 0], sizes = [512, 512], strides = [1, 1]} : vector<512x1536xf32> to vector<512x512xf32>
    %dot_general3A_499 = arith.constant dense<0.000000e+00> : vector<512x1024xf32>
    %dot_general3A_500 = tpu.matmul %slice3A_498, %select_n3A_464, %dot_general3A_499 {dimension_numbers = #tpu.dot_dimension_numbers<[1], [0], [0], [1], [0, 0, 1, 1], [], []>, precision = #tpu.contract_precision<fp32>, transpose_lhs_hint = false} : vector<512x512xf32>, vector<512x1024xf32>, vector<512x1024xf32> -> vector<512x1024xf32>
    %slice3A_501 = vector.extract_strided_slice %convert_element_type3A_497 {offsets = [0, 512], sizes = [512, 512], strides = [1, 1]} : vector<512x1536xf32> to vector<512x512xf32>
    %dot_general3A_502 = arith.constant dense<0.000000e+00> : vector<512x1024xf32>
    %dot_general3A_503 = tpu.matmul %slice3A_501, %convert_element_type3A_432, %dot_general3A_502 {dimension_numbers = #tpu.dot_dimension_numbers<[1], [0], [0], [1], [0, 0, 1, 1], [], []>, precision = #tpu.contract_precision<fp32>, transpose_lhs_hint = false} : vector<512x512xf32>, vector<512x1024xf32>, vector<512x1024xf32> -> vector<512x1024xf32>
    %add3A_504 = arith.addf %dot_general3A_500, %dot_general3A_503 : vector<512x1024xf32>
    %slice3A_505 = vector.extract_strided_slice %convert_element_type3A_497 {offsets = [0, 1024], sizes = [512, 512], strides = [1, 1]} : vector<512x1536xf32> to vector<512x512xf32>
    %dot_general3A_506 = arith.constant dense<0.000000e+00> : vector<512x1024xf32>
    %dot_general3A_507 = tpu.matmul %slice3A_505, %select_n3A_496, %dot_general3A_506 {dimension_numbers = #tpu.dot_dimension_numbers<[1], [0], [0], [1], [0, 0, 1, 1], [], []>, precision = #tpu.contract_precision<fp32>, transpose_lhs_hint = false} : vector<512x512xf32>, vector<512x1024xf32>, vector<512x1024xf32> -> vector<512x1024xf32>
    %add3A_508 = arith.addf %add3A_504, %dot_general3A_507 : vector<512x1024xf32>
    %add3A_509 = vector.broadcast %get3A_430 : vector<512x1xf32> to vector<512x1024xf32>
    %add3A_510 = arith.addf %add3A_508, %add3A_509 : vector<512x1024xf32>
    %max3A_511 = arith.constant 0.000000e+00 : f32
    %max3A_512 = vector.broadcast %max3A_511 : f32 to vector<512x1024xf32>
    %max3A_513 = arith.maximumf %add3A_510, %max3A_512 : vector<512x1024xf32>
    %get3A_514 = arith.constant 0 : index
    %get3A_515 = arith.constant 0 : index
    %get3A_516 = vector.load %arg18[%get3A_514, %get3A_515] : memref<8x1536xbf16, #tpu.memory_space<vmem>>, vector<8x1536xbf16>
    %get3A_517 = arith.constant 0 : index
    %get3A_518 = arith.constant 0 : index
    %get3A_519 = vector.load %arg19[%get3A_517, %get3A_518] : memref<8x1xf32, #tpu.memory_space<vmem>>, vector<8x1xf32>
    %convert_element_type3A_520 = arith.truncf %max3A_513 : vector<512x1024xf32> to vector<512x1024xbf16>
    %convert_element_type3A_521 = arith.extf %convert_element_type3A_520 : vector<512x1024xbf16> to vector<512x1024xf32>
    %iota3A_522 = tpu.iota {dimensions = array<i32: 1>} : vector<512x1024xi32>
    %jit3A_523 = arith.constant 256 : i32
    %eq3A_524 = arith.constant 0 : i32
    %eq3A_525 = arith.cmpi eq, %jit3A_523, %eq3A_524 : i32
    %jit3A_526 = arith.constant 1 : i32
    %select_n3A_527 = arith.select %eq3A_525, %jit3A_526, %jit3A_523 : i32
    %rem3A_528 = vector.broadcast %select_n3A_527 : i32 to vector<512x1024xi32>
    %rem3A_529 = arith.remsi %iota3A_522, %rem3A_528 : vector<512x1024xi32>
    %ne3A_530 = arith.constant 0 : i32
    %ne3A_531 = vector.broadcast %ne3A_530 : i32 to vector<512x1024xi32>
    %ne3A_532 = arith.cmpi ne, %rem3A_529, %ne3A_531 : vector<512x1024xi32>
    %lt3A_533 = arith.constant 0 : i32
    %lt3A_534 = vector.broadcast %lt3A_533 : i32 to vector<512x1024xi32>
    %lt3A_535 = arith.cmpi slt, %rem3A_529, %lt3A_534 : vector<512x1024xi32>
    %lt3A_536 = arith.constant 0 : i32
    %lt3A_537 = arith.cmpi slt, %select_n3A_527, %lt3A_536 : i32
    %ne3A_538 = vector.broadcast %lt3A_537 : i1 to vector<512x1024xi1>
    %ne3A_539 = vector.broadcast %ne3A_538 : vector<512x1024xi1> to vector<512x1024xi1>
    %ne3A_540 = arith.xori %lt3A_535, %ne3A_539 : vector<512x1024xi1>
    %and3A_541 = arith.andi %ne3A_540, %ne3A_532 : vector<512x1024xi1>
    %add3A_542 = vector.broadcast %select_n3A_527 : i32 to vector<512x1024xi32>
    %add3A_543 = arith.addi %rem3A_529, %add3A_542 : vector<512x1024xi32>
    %select_n3A_544 = arith.select %and3A_541, %add3A_543, %rem3A_529 : vector<512x1024xi1>, vector<512x1024xi32>
    %slice3A_545 = vector.extract_strided_slice %convert_element_type3A_521 {offsets = [0, 1023], sizes = [512, 1], strides = [1, 1]} : vector<512x1024xf32> to vector<512x1xf32>
    %slice3A_546 = vector.extract_strided_slice %convert_element_type3A_521 {offsets = [0, 0], sizes = [512, 1023], strides = [1, 1]} : vector<512x1024xf32> to vector<512x1023xf32>
    %concatenate3A_547 = tpu.concatenate %slice3A_545, %slice3A_546 in 1 : vector<512x1xf32>, vector<512x1023xf32> -> vector<512x1024xf32>
    %ge3A_548 = arith.constant 1 : i32
    %ge3A_549 = vector.broadcast %ge3A_548 : i32 to vector<512x1024xi32>
    %ge3A_550 = arith.cmpi sge, %select_n3A_544, %ge3A_549 : vector<512x1024xi32>
    %jit3A_551 = arith.constant 0.000000e+00 : f32
    %broadcast_in_dim3A_552 = vector.broadcast %jit3A_551 : f32 to vector<512x1024xf32>
    %select_n3A_553 = arith.select %ge3A_550, %concatenate3A_547, %broadcast_in_dim3A_552 : vector<512x1024xi1>, vector<512x1024xf32>
    %iota3A_554 = tpu.iota {dimensions = array<i32: 1>} : vector<512x1024xi32>
    %jit3A_555 = arith.constant 256 : i32
    %eq3A_556 = arith.constant 0 : i32
    %eq3A_557 = arith.cmpi eq, %jit3A_555, %eq3A_556 : i32
    %jit3A_558 = arith.constant 1 : i32
    %select_n3A_559 = arith.select %eq3A_557, %jit3A_558, %jit3A_555 : i32
    %rem3A_560 = vector.broadcast %select_n3A_559 : i32 to vector<512x1024xi32>
    %rem3A_561 = arith.remsi %iota3A_554, %rem3A_560 : vector<512x1024xi32>
    %ne3A_562 = arith.constant 0 : i32
    %ne3A_563 = vector.broadcast %ne3A_562 : i32 to vector<512x1024xi32>
    %ne3A_564 = arith.cmpi ne, %rem3A_561, %ne3A_563 : vector<512x1024xi32>
    %lt3A_565 = arith.constant 0 : i32
    %lt3A_566 = vector.broadcast %lt3A_565 : i32 to vector<512x1024xi32>
    %lt3A_567 = arith.cmpi slt, %rem3A_561, %lt3A_566 : vector<512x1024xi32>
    %lt3A_568 = arith.constant 0 : i32
    %lt3A_569 = arith.cmpi slt, %select_n3A_559, %lt3A_568 : i32
    %ne3A_570 = vector.broadcast %lt3A_569 : i1 to vector<512x1024xi1>
    %ne3A_571 = vector.broadcast %ne3A_570 : vector<512x1024xi1> to vector<512x1024xi1>
    %ne3A_572 = arith.xori %lt3A_567, %ne3A_571 : vector<512x1024xi1>
    %and3A_573 = arith.andi %ne3A_572, %ne3A_564 : vector<512x1024xi1>
    %add3A_574 = vector.broadcast %select_n3A_559 : i32 to vector<512x1024xi32>
    %add3A_575 = arith.addi %rem3A_561, %add3A_574 : vector<512x1024xi32>
    %select_n3A_576 = arith.select %and3A_573, %add3A_575, %rem3A_561 : vector<512x1024xi1>, vector<512x1024xi32>
    %slice3A_577 = vector.extract_strided_slice %convert_element_type3A_521 {offsets = [0, 1], sizes = [512, 1023], strides = [1, 1]} : vector<512x1024xf32> to vector<512x1023xf32>
    %slice3A_578 = vector.extract_strided_slice %convert_element_type3A_521 {offsets = [0, 0], sizes = [512, 1], strides = [1, 1]} : vector<512x1024xf32> to vector<512x1xf32>
    %concatenate3A_579 = tpu.concatenate %slice3A_577, %slice3A_578 in 1 : vector<512x1023xf32>, vector<512x1xf32> -> vector<512x1024xf32>
    %lt3A_580 = arith.constant 255 : i32
    %lt3A_581 = vector.broadcast %lt3A_580 : i32 to vector<512x1024xi32>
    %lt3A_582 = arith.cmpi slt, %select_n3A_576, %lt3A_581 : vector<512x1024xi32>
    %jit3A_583 = arith.constant 0.000000e+00 : f32
    %broadcast_in_dim3A_584 = vector.broadcast %jit3A_583 : f32 to vector<512x1024xf32>
    %select_n3A_585 = arith.select %lt3A_582, %concatenate3A_579, %broadcast_in_dim3A_584 : vector<512x1024xi1>, vector<512x1024xf32>
    %convert_element_type3A_586 = arith.extf %get3A_516 : vector<8x1536xbf16> to vector<8x1536xf32>
    %slice3A_587 = vector.extract_strided_slice %convert_element_type3A_586 {offsets = [0, 0], sizes = [8, 512], strides = [1, 1]} : vector<8x1536xf32> to vector<8x512xf32>
    %dot_general3A_588 = arith.constant dense<0.000000e+00> : vector<8x1024xf32>
    %dot_general3A_589 = tpu.matmul %slice3A_587, %select_n3A_553, %dot_general3A_588 {dimension_numbers = #tpu.dot_dimension_numbers<[1], [0], [0], [1], [0, 0, 1, 1], [], []>, precision = #tpu.contract_precision<fp32>, transpose_lhs_hint = false} : vector<8x512xf32>, vector<512x1024xf32>, vector<8x1024xf32> -> vector<8x1024xf32>
    %slice3A_590 = vector.extract_strided_slice %convert_element_type3A_586 {offsets = [0, 512], sizes = [8, 512], strides = [1, 1]} : vector<8x1536xf32> to vector<8x512xf32>
    %dot_general3A_591 = arith.constant dense<0.000000e+00> : vector<8x1024xf32>
    %dot_general3A_592 = tpu.matmul %slice3A_590, %convert_element_type3A_521, %dot_general3A_591 {dimension_numbers = #tpu.dot_dimension_numbers<[1], [0], [0], [1], [0, 0, 1, 1], [], []>, precision = #tpu.contract_precision<fp32>, transpose_lhs_hint = false} : vector<8x512xf32>, vector<512x1024xf32>, vector<8x1024xf32> -> vector<8x1024xf32>
    %add3A_593 = arith.addf %dot_general3A_589, %dot_general3A_592 : vector<8x1024xf32>
    %slice3A_594 = vector.extract_strided_slice %convert_element_type3A_586 {offsets = [0, 1024], sizes = [8, 512], strides = [1, 1]} : vector<8x1536xf32> to vector<8x512xf32>
    %dot_general3A_595 = arith.constant dense<0.000000e+00> : vector<8x1024xf32>
    %dot_general3A_596 = tpu.matmul %slice3A_594, %select_n3A_585, %dot_general3A_595 {dimension_numbers = #tpu.dot_dimension_numbers<[1], [0], [0], [1], [0, 0, 1, 1], [], []>, precision = #tpu.contract_precision<fp32>, transpose_lhs_hint = false} : vector<8x512xf32>, vector<512x1024xf32>, vector<8x1024xf32> -> vector<8x1024xf32>
    %add3A_597 = arith.addf %add3A_593, %dot_general3A_596 : vector<8x1024xf32>
    %add3A_598 = vector.broadcast %get3A_519 : vector<8x1xf32> to vector<8x1024xf32>
    %add3A_599 = arith.addf %add3A_597, %add3A_598 : vector<8x1024xf32>
    %swap3A = arith.constant 0 : index
    %swap3A_600 = arith.constant 0 : index
    %swap3A_601 = vector.load %arg20[%swap3A, %swap3A_600] : memref<8x1024xf32, #tpu.memory_space<vmem>>, vector<8x1024xf32>
    tpu.vector_store %arg20[%swap3A, %swap3A_600], %add3A_599 {strides = array<i32>} : memref<8x1024xf32, #tpu.memory_space<vmem>>, vector<8x1024xf32>,
    return
  }
  func.func @transform_0(%arg0: i32) -> (i32, i32) {
    %c0_i32 = arith.constant 0 : i32
    %c0_i32_0 = arith.constant 0 : i32
    return %c0_i32, %arg0 : i32, i32
  }
  func.func @transform_1(%arg0: i32) -> (i32, i32) {
    %c0_i32 = arith.constant 0 : i32
    %c0_i32_0 = arith.constant 0 : i32
    %c0_i32_1 = arith.constant 0 : i32
    return %c0_i32, %c0_i32_0 : i32, i32
  }
  func.func @transform_2(%arg0: i32) -> (i32, i32) {
    %c0_i32 = arith.constant 0 : i32
    %c0_i32_0 = arith.constant 0 : i32
    %c0_i32_1 = arith.constant 0 : i32
    return %c0_i32, %c0_i32_0 : i32, i32
  }
  func.func @transform_3(%arg0: i32) -> (i32, i32) {
    %c0_i32 = arith.constant 0 : i32
    %c0_i32_0 = arith.constant 0 : i32
    %c0_i32_1 = arith.constant 0 : i32
    return %c0_i32, %c0_i32_0 : i32, i32
  }
  func.func @transform_4(%arg0: i32) -> (i32, i32) {
    %c0_i32 = arith.constant 0 : i32
    %c0_i32_0 = arith.constant 0 : i32
    %c0_i32_1 = arith.constant 0 : i32
    return %c0_i32, %c0_i32_0 : i32, i32
  }
  func.func @transform_5(%arg0: i32) -> (i32, i32) {
    %c0_i32 = arith.constant 0 : i32
    %c0_i32_0 = arith.constant 0 : i32
    %c0_i32_1 = arith.constant 0 : i32
    return %c0_i32, %c0_i32_0 : i32, i32
  }
  func.func @transform_6(%arg0: i32) -> (i32, i32) {
    %c0_i32 = arith.constant 0 : i32
    %c0_i32_0 = arith.constant 0 : i32
    %c0_i32_1 = arith.constant 0 : i32
    return %c0_i32, %c0_i32_0 : i32, i32
  }
  func.func @transform_7(%arg0: i32) -> (i32, i32) {
    %c0_i32 = arith.constant 0 : i32
    %c0_i32_0 = arith.constant 0 : i32
    %c0_i32_1 = arith.constant 0 : i32
    return %c0_i32, %c0_i32_0 : i32, i32
  }
  func.func @transform_8(%arg0: i32) -> (i32, i32) {
    %c0_i32 = arith.constant 0 : i32
    %c0_i32_0 = arith.constant 0 : i32
    %c0_i32_1 = arith.constant 0 : i32
    return %c0_i32, %c0_i32_0 : i32, i32
  }
  func.func @transform_9(%arg0: i32) -> (i32, i32) {
    %c0_i32 = arith.constant 0 : i32
    %c0_i32_0 = arith.constant 0 : i32
    %c0_i32_1 = arith.constant 0 : i32
    return %c0_i32, %c0_i32_0 : i32, i32
  }
  func.func @transform_10(%arg0: i32) -> (i32, i32) {
    %c0_i32 = arith.constant 0 : i32
    %c0_i32_0 = arith.constant 0 : i32
    %c0_i32_1 = arith.constant 0 : i32
    return %c0_i32, %c0_i32_0 : i32, i32
  }
  func.func @transform_11(%arg0: i32) -> (i32, i32) {
    %c0_i32 = arith.constant 0 : i32
    %c0_i32_0 = arith.constant 0 : i32
    %c0_i32_1 = arith.constant 0 : i32
    return %c0_i32, %c0_i32_0 : i32, i32
  }
  func.func @transform_12(%arg0: i32) -> (i32, i32) {
    %c0_i32 = arith.constant 0 : i32
    %c0_i32_0 = arith.constant 0 : i32
    %c0_i32_1 = arith.constant 0 : i32
    return %c0_i32, %c0_i32_0 : i32, i32
  }
  func.func @transform_13(%arg0: i32) -> (i32, i32) {
    %c0_i32 = arith.constant 0 : i32
    %c0_i32_0 = arith.constant 0 : i32
    %c0_i32_1 = arith.constant 0 : i32
    return %c0_i32, %c0_i32_0 : i32, i32
  }
  func.func @transform_14(%arg0: i32) -> (i32, i32) {
    %c0_i32 = arith.constant 0 : i32
    %c0_i32_0 = arith.constant 0 : i32
    %c0_i32_1 = arith.constant 0 : i32
    return %c0_i32, %c0_i32_0 : i32, i32
  }
  func.func @transform_15(%arg0: i32) -> (i32, i32) {
    %c0_i32 = arith.constant 0 : i32
    %c0_i32_0 = arith.constant 0 : i32
    %c0_i32_1 = arith.constant 0 : i32
    return %c0_i32, %c0_i32_0 : i32, i32
  }
  func.func @transform_16(%arg0: i32) -> (i32, i32) {
    %c0_i32 = arith.constant 0 : i32
    %c0_i32_0 = arith.constant 0 : i32
    %c0_i32_1 = arith.constant 0 : i32
    return %c0_i32, %c0_i32_0 : i32, i32
  }
  func.func @transform_17(%arg0: i32) -> (i32, i32) {
    %c0_i32 = arith.constant 0 : i32
    %c0_i32_0 = arith.constant 0 : i32
    %c0_i32_1 = arith.constant 0 : i32
    return %c0_i32, %c0_i32_0 : i32, i32
  }
  func.func @transform_18(%arg0: i32) -> (i32, i32) {
    %c0_i32 = arith.constant 0 : i32
    %c0_i32_0 = arith.constant 0 : i32
    %c0_i32_1 = arith.constant 0 : i32
    return %c0_i32, %c0_i32_0 : i32, i32
  }
  func.func @transform_19(%arg0: i32) -> (i32, i32) {
    %c0_i32 = arith.constant 0 : i32
    %c0_i32_0 = arith.constant 0 : i32
    return %c0_i32, %arg0 : i32, i32
  }
}

</mosaic_0001>

<sc_bundles>
// kernel: kernel.8.cloned.1.call-start
scs
__scs_entry_jumppad:
0x0: {  	(pc) =	sbr.rel $0x88, $3  }
0x1: {  	(tag) =	ssettag $0x0;
	lr =	simm.s32 $0x1  }
0x2: {  	[smem:$0x3F5D] =	sst lr;
	_ =	strace $0xD0000000  }
0x3: {  	_ = 	snop  }
0x4: {  	_ = 	snop  }
0x5: {  	_ = 	snop  }
0x6: {  	_ = 	snop  }
0x7: {  	_ = 	snop  }
__scs_overlays_trampoline_lowered:
0x8: {  	[smem:$0x3F6C] =	sst s0  }
0x9: {  	[smem:$0x3F6D] =	sst s1  }
0xa: {  	[smem:$0x3F6E] =	sst s2  }
0xb: {  	[smem:$0x3F6F] =	sst s3  }
0xc: {  	[smem:$0x3F70] =	sst s4  }
0xd: {  	[smem:$0x3F71] =	sst s5  }
0xe: {  	[smem:$0x3F72] =	sst s6  }
0xf: {  	[smem:$0x3F73] =	sst s7  }
0x10: {  	[smem:$0x3F74] =	sst s8  }
0x11: {  	[smem:$0x3F75] =	sst s9;
	s0 =	simm.s32 @!p0 $0x0  }
0x12: {  	s1 =	sld [smem:$0x3F5B];
	s0 =	simm.s32 @p0 $0x1  }
0x13: {  	[smem:$0x3F76] =	sst s0;
	s0 =	simm.s32 @!p1 $0x0  }
0x14: {  	s2 =	sld [smem:$0x3F5A];
	s0 =	simm.s32 @p1 $0x1  }
0x15: {  	[smem:$0x3F77] =	sst s0;
	s0 =	simm.s32 @!p2 $0x0  }
0x16: {  	s3 =	sld [smem:$0x3FDB];
	s0 =	simm.s32 @p2 $0x1  }
0x17: {  	s4 =	simm.s32 $0x1BF5;
	[smem:$0x3F79] =	sst s0  }
0x18: {  	s0 =	sld [smem:$0x3F5C];
	_ =	swait.ge [sflag:s4], $0x0  }
0x19: {  	s7 =	sld [smem:$0x3F5D]  }
0x1a: {  	s8 =	sadd.s32 $0xFFFFE003, lr  }
0x1b: {  	s9 =	sadd.s32 $0xFFFFFEF7, lr;
	s5 =	simm.s32 $0xFFFFFFFF;
	p2 =	slt.u32 s8, $0xFFFFF086  }
0x1c: {  	p1 =	slt.u32 s9, $0xF7A;
	s5 =	simm.s32 @!p2 $0x0  }
0x1d: {  	s5 =	simm.s32 @p1 $0x1;
	p0 =	seq.s32 s7, s2  }
0x1e: {  	s7 =	smul.u32 @!p0 $0xF7A, s2;
	p2 =	seq.s32 @!p0 s5, $0x0  }
0x1f: {  	s9 =	smul.u32 $0xF7A, s1;
	s8 =	simm.s32 @!p0 $0x1BF5;
	p2 =	por !p2, p0  }
0x20: {  	[sflag:s8] =	ssyncset.s32 @!p0 $0xFFFFF086;
	s6 =	sadd.s32 @!p0 s3, s7;
	s7 =	simm.s32 @!p0 $0x108  }
0x21: {  	s3 =	sadd.s32 s3, s9;
	s6 =	sadd.s32 @!p0 $0x88, s6;
	s7 =	simm.s32 @p2 $0x1082  }
0x22: {  	[simem:s7], [sflag:s8] =	dma.local @!p0 [hbm:s6], $0xF7A  }
0x23: {  	s9 =	sor.u32 $0xD0000000, s2;
	s6 =	simm.s32 $0x108;
	_ =	swait.ge @!p0 [sflag:s8], $0x0  }
0x24: {  	s3 =	sadd.s32 $0x88, s3;
	s6 =	simm.s32 @!p1 $0x1082;
	[sflag:s4] =	ssyncset.s32 $0xFFFFF086  }
0x25: {  	[simem:s6], [sflag:s4] =	dma.local [hbm:s3], $0xF7A  }
0x26: {  	[smem:$0x3F5D] =	sst s1;
	(tag) =	ssettag s2;
	_ =	strace s9  }
0x27: {  	s1 =	sld [smem:$0x3F6D]  }
0x28: {  	s2 =	sld [smem:$0x3F6E]  }
0x29: {  	s4 =	sld [smem:$0x3F70]  }
0x2a: {  	p0 =	seq.s32 s5, $0x0;
	s5 =	sld [smem:$0x3F71]  }
0x2b: {  	s6 =	sld [smem:$0x3F72]  }
0x2c: {  	s7 =	sld [smem:$0x3F73]  }
0x2d: {  	s3 =	simm.s32 $0x108;
	s8 =	sld [smem:$0x3F74]  }
0x2e: {  	s3 =	simm.s32 @!p0 $0x1082;
	s9 =	sld [smem:$0x3F75]  }
0x2f: {  	lr =	sadd.s32 s0, s3;
	s0 =	sld [smem:$0x3F6C]  }
0x30: {  	s3 =	sld [smem:$0x3F6F]  }
0x31: {  	[smem:$0x3F78] =	sst s10  }
0x32: {  	s10 =	sld [smem:$0x3F76];
	_ =	sdelay $0x3  }
0x33: {  	p0 =	seq.s32 s10, $0x1;
	s10 =	sld [smem:$0x3F78];
	_ =	sdelay $0x3  }
0x34: {  	[smem:$0x3F78] =	sst s10  }
0x35: {  	s10 =	sld [smem:$0x3F77];
	_ =	sdelay $0x3  }
0x36: {  	p1 =	seq.s32 s10, $0x1;
	s10 =	sld [smem:$0x3F78];
	_ =	sdelay $0x3  }
0x37: {  	[smem:$0x3F78] =	sst s10  }
0x38: {  	s10 =	sld [smem:$0x3F79]  }
0x39: {  	_ = 	snop;
	(pc) =	sbr.ind lr, $3  }
0x3a: {  	_ = 	snop  }
0x3b: {  	_ = 	snop  }
0x3c: {  	p2 =	seq.s32 s10, $0x1;
	s10 =	sld [smem:$0x3F78]  }
0x3d: {  	_ =	shalt  }
0x3e: {  	_ =	shalt  }
0x3f: {  	_ =	shalt  }
0x40: {  	_ =	shalt  }
0x41: {  	_ =	shalt  }
0x42: {  	_ =	shalt  }
0x43: {  	_ =	shalt  }
0x44: {  	_ =	shalt  }
0x45: {  	_ =	shalt  }
0x46: {  	_ =	shalt  }
0x47: {  	_ =	shalt  }
0x48: {  	_ =	shalt  }
0x49: {  	_ =	shalt  }
0x4a: {  	_ =	shalt  }
0x4b: {  	_ =	shalt  }
0x4c: {  	_ =	shalt  }
0x4d: {  	_ =	shalt  }
0x4e: {  	_ =	shalt  }
0x4f: {  	_ =	shalt  }
0x50: {  	_ =	shalt  }
0x51: {  	_ =	shalt  }
0x52: {  	_ =	shalt  }
0x53: {  	_ =	shalt  }
0x54: {  	_ =	shalt  }
0x55: {  	_ =	shalt  }
0x56: {  	_ =	shalt  }
0x57: {  	_ =	shalt  }
0x58: {  	_ =	shalt  }
0x59: {  	_ =	shalt  }
0x5a: {  	_ =	shalt  }
0x5b: {  	_ =	shalt  }
0x5c: {  	_ =	shalt  }
0x5d: {  	_ =	shalt  }
0x5e: {  	_ =	shalt  }
0x5f: {  	_ =	shalt  }
0x60: {  	_ =	shalt  }
0x61: {  	_ =	shalt  }
0x62: {  	_ =	shalt  }
0x63: {  	_ =	shalt  }
0x64: {  	_ =	shalt  }
0x65: {  	_ =	shalt  }
0x66: {  	_ =	shalt  }
0x67: {  	_ =	shalt  }
0x68: {  	_ =	shalt  }
0x69: {  	_ =	shalt  }
0x6a: {  	_ =	shalt  }
0x6b: {  	_ =	shalt  }
0x6c: {  	_ =	shalt  }
0x6d: {  	_ =	shalt  }
0x6e: {  	_ =	shalt  }
0x6f: {  	_ =	shalt  }
0x70: {  	_ =	shalt  }
0x71: {  	_ =	shalt  }
0x72: {  	_ =	shalt  }
0x73: {  	_ =	shalt  }
0x74: {  	_ =	shalt  }
0x75: {  	_ =	shalt  }
0x76: {  	_ =	shalt  }
0x77: {  	_ =	shalt  }
0x78: {  	_ =	shalt  }
0x79: {  	_ =	shalt  }
0x7a: {  	_ =	shalt  }
0x7b: {  	_ =	shalt  }
0x7c: {  	_ =	shalt  }
0x7d: {  	_ =	shalt  }
0x7e: {  	_ =	shalt  }
0x7f: {  	_ =	shalt  }
0x80: {  	_ =	shalt  }
0x81: {  	_ =	shalt  }
0x82: {  	_ =	shalt  }
0x83: {  	_ =	shalt  }
0x84: {  	_ =	shalt  }
0x85: {  	_ =	shalt  }
0x86: {  	_ =	shalt  }
0x87: {  	_ =	shalt  }
.Lfunc_end0:
.L_simem_size_0:
called_computation_lowered:
.L_overlay_start_0:
0x88: {  	s2 =	sld [smem:$0x3FD9]  }
0x89: {  	s3 =	sld [smem:$0x3FFE];
	_ =	sdelay $0x1  }
0x8a: {  	s1 =	srdreg.scid  }
0x8b: {  	s0 =	sand.u32 $0x1, s1  }
0x8c: {  	s14 =	sshll.u32 s0, $0xA;
	s2 =	sadd.s32 s3, s2  }
0x8d: {  	s2 =	sadd.s32 s2, s14  }
0x8e: {  	[smem:$0x3F84] =	sst s2  }
0x8f: {  	_ = 	snop  }
0x90: {  	s2 =	sld [smem:$0x3FD0];
	_ =	sdelay $0x2  }
0x91: {  	s15 =	simm.s32 $0xA;
	s4 =	simm.s32 $0x10  }
0x92: {  	[smem:s4], [sflag:s15] =	dma.local [hbm:s2], $0x1  }
0x93: {  	_ =	swait.eq [sflag:s15], $0x1  }
0x94: {  	[sflag:s15] =	ssyncset.done $0x0  }
0x95: {  	s16 =	sld [smem:$0x10];
	[sflag:s15] =	ssyncadd.s32 $0xFFFFFFFF  }
0x96: {  	s17 =	sld [smem:$0x13];
	(tm) =	ssettm $0x1  }
0x97: {  	s18 =	sld [smem:$0x3FFB];
	_ =	sdelay $0x3  }
0x98: {  	_ =	strace s18  }
0x99: {  	s4 =	sld [smem:$0x3FFC];
	_ =	sdelay $0x3  }
0x9a: {  	_ =	strace s4  }
0x9b: {  	s4 =	sld [smem:$0x3FFD];
	_ =	sdelay $0x3  }
0x9c: {  	_ =	strace s4  }
0x9d: {  	_ =	strace $0x8FFFFFFF  }
0x9e: {  	s19 =	sld [smem:$0x3FDB];
	_ =	sdelay $0x1  }
0x9f: {  	s5 =	simm.s32 $_scs_section_size  }
0xa0: {  	s6 =	simm.s32 $_size__tile_overlayer_lowered;
	s7 =	simm.s32 $_tile_overlayer_lowered  }
0xa1: {  	s22 =	simm.s32 $0x1BFF;
	s21 =	sshll.u32 s7, $0x1;
	s4 =	sadd.s32 s5, s19  }
0xa2: {  	s8 =	simm.s32 $0x0;
	s20 =	sshll.u32 s6, $0x1;
	s6 =	sadd.s32 s21, s4  }
0xa3: {  	[timem:s8], [sflag:s22] =	dma.local [hbm:s6], s20  }
0xa4: {  	_ =	swait.ge [sflag:s22], s20  }
0xa5: {  	s5 =	ssub.s32 $0x0, s20;
	[sflag:s22] =	ssyncset.done $0x0  }
0xa6: {  	[sflag:s22] =	ssyncadd.s32 s5;
	_ =	sdelay $0x1  }
0xa7: {  	s23 =	simm.s32 $0x1B8B  }
0xa8: {  	_ =	swait.ge [sflag:s23], $0x1  }
0xa9: {  	[sflag:s23] =	ssyncset.done $0x0  }
0xaa: {  	s25 =	simm.s32 $0x1B8E;
	s24 =	sld [smem:$0x3FFE];
	[sflag:s23] =	ssyncadd.s32 $0xFFFFFFFF  }
0xab: {  	s26 =	simm.s32 $execute0_lowered;
	[smem:$0x3FD2] =	sst s25  }
0xac: {  	s6 =	sshll.u32 s26, $0x1;
	_ =	strace $0x80000046;
	[dreg:$0x1] =	wrdreg $0xFFFFFFFF  }
0xad: {  	s28 =	simm.s32 $_size_execute0_lowered;
	s4 =	sadd.s32 s4, s6;
	[dreg:$0x0] =	wrdreg $0x0  }
0xae: {  	s6 =	sshll.u32 s28, $0x1;
	[dreg:$0x2] =	wrdreg s4  }
0xaf: {  	[dreg:$0x3] =	wrdreg s6  }
0xb0: {  	[dreg:$0x4] =	wrdreg $0xC0  }
0xb1: {  	_ =	task [dreg:s8], $0x5FFFF  }
0xb2: {  	[dreg:$0x1] =	wrdreg $0xFFFFFFFF  }
0xb3: {  	[dreg:$0x0] =	wrdreg $0x60  }
0xb4: {  	[dreg:$0x2] =	wrdreg s24  }
0xb5: {  	[dreg:$0x3] =	wrdreg s16  }
0xb6: {  	[dreg:$0x4] =	wrdreg s17  }
0xb7: {  	[dreg:$0x5] =	wrdreg $0x9  }
0xb8: {  	_ =	task.clear_ibuf [dreg:s8], $0x6FFFF;
	_ =	strace $0x90000046  }
0xb9: {  	s29 =	simm.s32 $0x9;
	_ =	strace $0x8000004F  }
0xba: {  	_ =	swait.ge [sflag:s29], $0x1  }
0xbb: {  	[sflag:s29] =	ssyncadd.s32 $0xFFFFFFFF  }
0xbc: {  	_ =	strace $0x9000004F  }
0xbd: {  	_ =	sfence  }
0xbe: {  	s30 =	sld [smem:$0x0];
	_ =	sdelay $0x2  }
0xbf: {  	s31 =	sshll.u32 s1, $0xD;
	s1 =	sshrl.u32 s1, $0x2  }
0xc0: {  	s3 =	sand.u32 $0x4000, s31;
	s1 =	sadd.s32 s1, s30  }
0xc1: {  	s0 =	sor.u32 s3, s0;
	s1 =	sshll.u32 s1, $0x11  }
0xc2: {  	s0 =	sor.u32 s1, s0  }
0xc3: {  	s0 =	sadd.s32 $0x8F2B, s0  }
0xc4: {  	[sflag:s0] =	ssyncadd.remote.s32 $0x1  }
0xc5: {  	_ =	sfence.sel $0xFFFF  }
0xc6: {  	[dreg:$0x0] =	wrdreg $0xFFFFFFFF;
	(pc) =	sbr.abs _section_cstart, $3  }
0xc7: {  	[dreg:$0x1] =	wrdreg $0xFFFFFFFF  }
0xc8: {  	_ =	task.clear_ibuf [dreg:s8], $0x2FFFF;
	_ =	strace $0x9FFFFFFF  }
0xc9: {  	(tm) =	ssettm $0x7FFFFFFF  }
tec
execute0_lowered:
.L_overlay_start_1:
0x0: {  	(tag) =	ssettag $0x1  }
0x1: {  	s7 =	rddreg [dreg:$0x0]  }
0x2: {  	s3 =	rddreg [dreg:$0x1];
	s1 =	srdreg.scid  }
0x3: {  	s10 =	rddreg [dreg:$0x2];
	s15 =	sand.u32 $0x1, s1  }
0x4: {  	s2 =	simm.s32 $0x0;
	s1 =	stileid.u32;
	s4 =	sshll.u32 s15, $0x4  }
0x5: {  	[smem:$0x7FF] =	sst s2;
	s11 =	sor.u32 s1, s4  }
0x6: {  	s0 =	rddreg [dreg:$0x3];
	_ =	strace $0x80000047;
	s4 =	sshll.u32 s11, $0x5  }
0x7: {  	_ =	strace $0x80000048;
	s3 =	sadd.s32 s3, s4  }
0x8: {  	[tilespmem:s2], [sflag:$0x1] =	stream.linear.gather [hbm4b:s3+s2], $0x80, $0x200038;
	[tilespmem:$0x8100] =	vst v63  }
0x9: {  	_ =	strace $0x90000048  }
0xa: {  	s5 =	simm.s32 $0x80;
	s4 =	sadd.s32 $0x10, s3;
	_ =	strace $0x80000049  }
0xb: {  	[tilespmem:s5], [sflag:$0x2] =	stream.linear.gather [hbm4b:s4+s2], $0x80, $0x200038;
	[tilespmem:$0x8100] =	vst v63  }
0xc: {  	_ =	strace $0x90000049  }
0xd: {  	s6 =	simm.s32 $0x1;
	_ =	strace $0x8000004A  }
0xe: {  	_ =	swait.ge [sflag:s6], $0x80  }
0xf: {  	[sflag:s6] =	ssyncset.done $0x0  }
0x10: {  	[sflag:s6] =	ssyncadd.s32 $0xFFFFFF80  }
0x11: {  	s8 =	simm.s32 $0x100;
	_ =	strace $0x9000004A  }
0x12: {  	s9 =	simm.s32 $0x5;
	s7 =	sadd.s32 $0x9800, s7;
	_ =	strace $0x8000004B  }
0x13: {  	[tilespmem:s8], [sflag:$0x5] =	stream.indirect.gather [hbm4b:s7+s5], $0x80, s2, s5, $0x2000b8;
	[tilespmem:$0x8100] =	vst v63  }
0x14: {  	_ =	swait.ge [sflag:s9], $0x4000  }
0x15: {  	[sflag:s9] =	ssyncset.done $0x0  }
0x16: {  	[sflag:s9] =	ssyncadd.s32 $0xFFFFC000  }
0x17: {  	s11 =	sshll.u32 s11, $0xC;
	_ =	strace $0x9000004B  }
0x18: {  	s10 =	sadd.s32 s10, s11;
	_ =	strace $0x8000004C  }
0x19: {  	[hbm4b:s10+s2] =	stream.linear.scatter [tilespmem:s8], [sflag:$0x3], $0x4000, $0x200038;
	[tilespmem:$0x8100] =	vst v63  }
0x1a: {  	_ =	strace $0x9000004C  }
0x1b: {  	s11 =	simm.s32 $0x2;
	_ =	strace $0x8000004A  }
0x1c: {  	_ =	swait.ge [sflag:s11], $0x80  }
0x1d: {  	[sflag:s11] =	ssyncset.done $0x0  }
0x1e: {  	[sflag:s11] =	ssyncadd.s32 $0xFFFFFF80  }
0x1f: {  	_ =	strace $0x9000004A  }
0x20: {  	s12 =	simm.s32 $0x4100;
	_ =	strace $0x8000004B  }
0x21: {  	[tilespmem:s12], [sflag:$0x5] =	stream.indirect.gather [hbm4b:s7+s5], $0x80, s5, s5, $0x2000b8;
	[tilespmem:$0x8100] =	vst v63  }
0x22: {  	_ =	swait.ge [sflag:s9], $0x4000  }
0x23: {  	[sflag:s9] =	ssyncset.done $0x0  }
0x24: {  	[sflag:s9] =	ssyncadd.s32 $0xFFFFC000  }
0x25: {  	_ =	strace $0x9000004B  }
0x26: {  	s13 =	sadd.s32 $0x800, s10;
	_ =	strace $0x8000004C  }
0x27: {  	[hbm4b:s13+s2] =	stream.linear.scatter [tilespmem:s12], [sflag:$0x4], $0x4000, $0x200038;
	[tilespmem:$0x8100] =	vst v63  }
0x28: {  	s15 =	ssub.s32 $0x2, s15;
	_ =	strace $0x9000004C  }
0x29: {  	s14 =	simm.s32 $0x3;
	s16 =	sshrl.u32 s15, $0x1;
	_ =	strace $0x8000004D  }
0x2a: {  	s16 =	ssub.s32 s15, s16;
	_ =	swait.ge [sflag:s14], $0x4000  }
0x2b: {  	s16 =	smax.u32 s16, $0x1;
	[sflag:s14] =	ssyncset.done $0x0  }
0x2c: {  	p0 =	sne.s32 s16, $0x1;
	[sflag:s14] =	ssyncadd.s32 $0xFFFFC000  }
.Ltmp0:
0x2d: {  	_ =	strace $0x9000004D;
	(pc) =	sbr.rel @!p0 .LBB2_2-.Ltmp0, $4  }
0x2e: {  	s15 =	simm.s32 $0x4;
	_ =	strace $0x8000004E  }
0x2f: {  	_ =	swait.ge [sflag:s15], $0x4000  }
0x30: {  	[sflag:s15] =	ssyncset.done $0x0  }
0x31: {  	s16 =	sadd.s32 $0xFFFFFFFF, s16;
	[sflag:s15] =	ssyncadd.s32 $0xFFFFC000  }
.LBB2_1:
0x32: {  	p0 =	sne.s32 s16, $0x1;
	s16 =	sadd.s32 $0xFFFFFFFF, s16;
	_ =	strace $0x9000004E  }
0x33: {  	_ =	strace $0x80000048  }
0x34: {  	[tilespmem:s2], [sflag:$0x1] =	stream.linear.gather [hbm4b:s3+s2], $0x80, $0x200038;
	[tilespmem:$0x8100] =	vst v63  }
0x35: {  	_ =	strace $0x90000048  }
0x36: {  	_ =	strace $0x80000049  }
0x37: {  	[tilespmem:s5], [sflag:$0x2] =	stream.linear.gather [hbm4b:s4+s2], $0x80, $0x200038;
	[tilespmem:$0x8100] =	vst v63  }
0x38: {  	_ =	strace $0x90000049  }
0x39: {  	_ =	strace $0x8000004A  }
0x3a: {  	_ =	swait.ge [sflag:s6], $0x80  }
0x3b: {  	[sflag:s6] =	ssyncset.done $0x0  }
0x3c: {  	[sflag:s6] =	ssyncadd.s32 $0xFFFFFF80  }
0x3d: {  	_ =	strace $0x9000004A  }
0x3e: {  	_ =	strace $0x8000004B  }
0x3f: {  	[tilespmem:s8], [sflag:$0x5] =	stream.indirect.gather [hbm4b:s7+s5], $0x80, s2, s5, $0x2000b8;
	[tilespmem:$0x8100] =	vst v63  }
0x40: {  	_ =	swait.ge [sflag:s9], $0x4000  }
0x41: {  	[sflag:s9] =	ssyncset.done $0x0  }
0x42: {  	[sflag:s9] =	ssyncadd.s32 $0xFFFFC000  }
0x43: {  	_ =	strace $0x9000004B  }
0x44: {  	_ =	strace $0x8000004C  }
0x45: {  	[hbm4b:s10+s2] =	stream.linear.scatter [tilespmem:s8], [sflag:$0x3], $0x4000, $0x200038;
	[tilespmem:$0x8100] =	vst v63  }
0x46: {  	_ =	strace $0x9000004C  }
0x47: {  	_ =	strace $0x8000004A  }
0x48: {  	_ =	swait.ge [sflag:s11], $0x80  }
0x49: {  	[sflag:s11] =	ssyncset.done $0x0  }
0x4a: {  	[sflag:s11] =	ssyncadd.s32 $0xFFFFFF80  }
0x4b: {  	_ =	strace $0x9000004A  }
0x4c: {  	_ =	strace $0x8000004B  }
0x4d: {  	[tilespmem:s12], [sflag:$0x5] =	stream.indirect.gather [hbm4b:s7+s5], $0x80, s5, s5, $0x2000b8;
	[tilespmem:$0x8100] =	vst v63  }
0x4e: {  	_ =	swait.ge [sflag:s9], $0x4000  }
0x4f: {  	[sflag:s9] =	ssyncset.done $0x0  }
0x50: {  	[sflag:s9] =	ssyncadd.s32 $0xFFFFC000  }
0x51: {  	_ =	strace $0x9000004B  }
0x52: {  	_ =	strace $0x8000004C  }
0x53: {  	[hbm4b:s13+s2] =	stream.linear.scatter [tilespmem:s12], [sflag:$0x4], $0x4000, $0x200038;
	[tilespmem:$0x8100] =	vst v63  }
0x54: {  	_ =	strace $0x9000004C  }
0x55: {  	_ =	strace $0x8000004D  }
0x56: {  	_ =	swait.ge [sflag:s14], $0x4000  }
0x57: {  	[sflag:s14] =	ssyncset.done $0x0  }
0x58: {  	[sflag:s14] =	ssyncadd.s32 $0xFFFFC000  }
.Ltmp1:
0x59: {  	_ =	strace $0x9000004D;
	(pc) =	sbr.rel @p0 .LBB2_1-.Ltmp1, $4  }
0x5a: {  	_ =	strace $0x8000004E  }
0x5b: {  	_ =	swait.ge [sflag:s15], $0x4000  }
0x5c: {  	[sflag:s15] =	ssyncset.done $0x0  }
0x5d: {  	[sflag:s15] =	ssyncadd.s32 $0xFFFFC000  }
.LBB2_2:
0x5e: {  	_ =	strace $0x9000004E  }
0x5f: {  	_ =	sfence.sel $0x180000  }
0x60: {  	[bflag:$0x0] =	sbarrier.arrive $0xFFFF  }
0x61: {  	p0 =	sne.s32 s1, $0x0;
	_ =	strace $0x90000047  }
0x62: {  	s0 =	sadd.s32 @!p0 $0x100000, s0;
	[bflag:$0x2] =	sbarrier.arrive $0xFFFF  }
0x63: {  	[sflag:s0] =	ssyncadd.tile.s32 @!p0 $0x1;
	_ =	shalt  }
.Lfunc_end2:
_tile_overlayer_lowered:
.L_overlay_start_2:
0x64: {  	(tag) =	ssettag $0x2  }
0x65: {  	s0 =	rddreg [dreg:$0x0];
	s2 =	stileid.u32  }
0x66: {  	s1 =	rddreg [dreg:$0x1];
	p0 =	sne.s32 s2, $0x0  }
0x67: {  	s3 =	rddreg [dreg:$0x2];
	[bflag:$0x3] =	sbarrier.arrive $0xFFFF;
	s2 =	simm.s32 @!p0 $0x1C01  }
0x68: {  	[timem:s3], [sflag:s2] =	dma.local @!p0 [hbm:s0], s1  }
0x69: {  	s0 =	simm.s32 @!p0 $0x1  }
0x6a: {  	_ =	swait.ge @!p0 [sflag:s0], s1  }
0x6b: {  	s1 =	ssub.s32 @!p0 $0x0, s1;
	[sflag:s0] =	ssyncset.done @!p0 $0x0  }
0x6c: {  	[sflag:s0] =	ssyncadd.s32 @!p0 s1  }
0x6d: {  	[bflag:$0x3] =	sbarrier.arrive $0xFFFF  }
0x6e: {  	_ =	shalt  }

</sc_bundles>
